<compile_context>
chip_gen: v7x
topology: tpu7x:2x2x1
jax: 0.10.2.dev20260603
libtpu: 0.0.44.dev20260713+nightly
codegen_flags: <defaults>
</compile_context>

<pallas_src>
import functools

import jax
import jax.numpy as jnp
from jax import lax
from jax.experimental import pallas as pl
from jax.experimental.pallas import tpu as pltpu
from jax.experimental.pallas import tpu_sc as plsc

N = 8192
D = 4096
NBH = 64
NB = 128
BR = 512
CB = 256


def _labels_body(x_ref, r_ref, lab_ref):
    x = x_ref[...]
    r = r_ref[...]
    xr = jnp.dot(x, r, preferred_element_type=jnp.float32)
    vmax = jnp.max(xr, axis=1, keepdims=True)
    vmin = jnp.min(xr, axis=1, keepdims=True)
    iota = lax.broadcasted_iota(jnp.int32, (BR, NBH), 1)
    amax = jnp.min(jnp.where(xr == vmax, iota, NBH), axis=1, keepdims=True)
    amin = jnp.min(jnp.where(xr == vmin, iota, NBH), axis=1, keepdims=True)
    lab_ref[...] = jnp.where(vmax >= -vmin, amax, NBH + amin)


def _pos_body(lab_ref, pos_ref):
    iota_b = lax.broadcasted_iota(jnp.int32, (CB, NB), 1)
    row_i = lax.broadcasted_iota(jnp.int32, (CB, CB), 0)
    col_j = lax.broadcasted_iota(jnp.int32, (CB, CB), 1)
    tri = (col_j < row_i).astype(jnp.float32)
    bU = (lax.broadcasted_iota(jnp.int32, (NB, NB), 0)
          < lax.broadcasted_iota(jnp.int32, (NB, NB), 1)).astype(jnp.float32)

    nk = N // CB

    def count_step(k, counts):
        lab = lab_ref[pl.ds(k * CB, CB), :]
        oh = (lab == iota_b).astype(jnp.float32)
        return counts + jnp.sum(oh, axis=0, keepdims=True)

    counts = lax.fori_loop(0, nk, count_step,
                           jnp.zeros((1, NB), jnp.float32))
    bucket_start = jnp.dot(counts, bU, preferred_element_type=jnp.float32)

    def pos_step(k, carry):
        lab = lab_ref[pl.ds(k * CB, CB), :]
        oh = (lab == iota_b).astype(jnp.float32)
        rank = jnp.dot(tri, oh, preferred_element_type=jnp.float32) + carry
        posv = jnp.sum(oh * (rank + bucket_start), axis=1, keepdims=True)
        pos_ref[pl.ds(k * CB, CB), :] = posv.astype(jnp.int32)
        return carry + jnp.sum(oh, axis=0, keepdims=True)

    lax.fori_loop(0, nk, pos_step, jnp.zeros((1, NB), jnp.float32))


def _labels_call(inp):
    return pl.pallas_call(
        _labels_body,
        grid=(N // BR,),
        in_specs=[
            pl.BlockSpec((BR, D), lambda i: (i, 0)),
            pl.BlockSpec((D, NBH), lambda i: (0, 0)),
        ],
        out_specs=pl.BlockSpec((BR, 1), lambda i: (i, 0)),
        out_shape=jax.ShapeDtypeStruct((N, 1), jnp.int32),
    )(*inp)


def _pos_call(labels):
    return pl.pallas_call(
        _pos_body,
        out_shape=jax.ShapeDtypeStruct((N, 1), jnp.int32),
    )(labels)


NW = 32
RPW = N // NW
G = 8
NCH = RPW // G


def _scatter_call(inp, pos3):
    mesh = plsc.VectorSubcoreMesh(core_axis_name="c", subcore_axis_name="s")

    @functools.partial(
        pl.kernel,
        mesh=mesh,
        out_type=jax.ShapeDtypeStruct((N, D), jnp.float32),
        scratch_types=[
            pltpu.VMEM((NCH, G), jnp.int32),
            pltpu.VMEM((G, D), jnp.float32),
            pltpu.VMEM((G, D), jnp.float32),
            pltpu.SemaphoreType.DMA,
            pltpu.SemaphoreType.DMA,
            pltpu.SemaphoreType.DMA,
        ],
    )
    def body(inp_hbm, pos_hbm, out_hbm, idx_v, buf0, buf1,
             sem_in, sem_o0, sem_o1):
        wid = lax.axis_index("s") * 2 + lax.axis_index("c")
        base = wid * RPW
        pltpu.sync_copy(pos_hbm.at[wid], idx_v)
        bufs = (buf0, buf1)
        osems = (sem_o0, sem_o1)

        def chunk(c, wait_prev):
            buf = bufs[c % 2]
            rd = pltpu.make_async_copy(
                inp_hbm.at[pl.ds(base + c * G, G)], buf, sem_in)
            rd.start()
            if wait_prev is not None:
                wait_prev()
            rd.wait()
            wr = pltpu.make_async_copy(buf, out_hbm.at[idx_v.at[c]],
                                       osems[c % 2])
            wr.start()
            return wr.wait

        wait_prev = None
        for c in range(NCH):
            wait_prev = chunk(c, wait_prev)
        wait_prev()

    return body(inp, pos3)


def kernel(input, R):
    labels = _labels_call((input, R))
    pos = _pos_call(labels)
    pos3 = pos.reshape(NW, NCH, G)
    return _scatter_call(input, pos3)

# --- scband reference (transcript-rebuilt; emitter-appended) ---
"""Pipeline reference for scband-calculate-lsh-8358006358627 (READ-ONLY COPY).

The authoritative reference and input builder live on the scoring server;
editing this copy changes nothing except your own understanding.
"""

import jax, jax.numpy as jnp
import numpy as np

D_MODEL = 4096
NUM_LENGTH = 8192
NUM_BUCKETS = 128


def setup_inputs(seed: int = 0) -> dict:
    key = jax.random.key(seed)
    k1, k2 = jax.random.split(key)
    inp = jax.random.normal(k1, (NUM_LENGTH, D_MODEL), dtype=jnp.float32)
    R = jax.random.normal(k2, (D_MODEL, NUM_BUCKETS // 2), dtype=jnp.float32)
    return {"input": inp, "R": R}


def reference(input, R):
    # LSH hashing: project, mirror sign, take argmax bucket
    x_R = input @ R                      # [N, nb/2]
    x_R = jnp.concatenate([x_R, -x_R], axis=1)  # [N, nb]
    labels = jnp.argmax(x_R, axis=1)     # [N]
    # sort tokens by bucket id
    sorted_indices = jnp.argsort(labels)
    out = jnp.take(input, sorted_indices, axis=0)
    return out

if __name__ == "__main__":
    import jax
    _d = setup_inputs()
    print(jax.jit(kernel)(*tuple(_d.values())))

</pallas_src>

<mosaic_0001>
#map = affine_map<(d0, d1) -> (0, 0)>
#map1 = affine_map<(d0, d1) -> (0, 0, 0)>
module attributes {stable_mosaic.version = 14 : i64} {
  func.func @body(%arg0: i32, %arg1: i32, %arg2: memref<8192x4096xf32, #tpu.memory_space<hbm>>, %arg3: memref<32x32x8xi32, #tpu.memory_space<hbm>>, %arg4: memref<8192x4096xf32, #tpu.memory_space<hbm>>, %arg5: memref<32x8xi32, #tpu.memory_space<vmem>>, %arg6: memref<8x4096xf32, #tpu.memory_space<vmem>>, %arg7: memref<8x4096xf32, #tpu.memory_space<vmem>>, %arg8: memref<!tpu.dma_semaphore, #tpu.memory_space<semaphore_mem>>, %arg9: memref<!tpu.dma_semaphore, #tpu.memory_space<semaphore_mem>>, %arg10: memref<!tpu.dma_semaphore, #tpu.memory_space<semaphore_mem>>) attributes {dimension_semantics = [#tpu.dimension_semantics<core_parallel>, #tpu.dimension_semantics<subcore_parallel>], iteration_bounds = array<i64: 2, 16>, scalar_prefetch = 0 : i64, scratch_operands = 6 : i64, tpu.core_type = #tpu.core_type<sc_vector_subcore>, window_params = [{transform_indices = #map}, {transform_indices = #map1}, {transform_indices = #map}]} {
    %mul3A = arith.constant 2 : i32
    %mul3A_0 = arith.muli %arg1, %mul3A : i32
    %add3A = arith.addi %mul3A_0, %arg0 : i32
    %mul3A_1 = arith.constant 256 : i32
    %mul3A_2 = arith.muli %add3A, %mul3A_1 : i32
    "tpu.region"() ({
      %run_scoped3A = tpu.sem_alloc : memref<!tpu.dma_semaphore, #tpu.memory_space<semaphore_mem>>
      %dma_start3A_769 = arith.constant 0 : i32
      %dma_start3A_770 = arith.constant 0 : i32
      %dma_start3A_771 = tpu.memref_slice %arg3[%add3A, %dma_start3A_769, %dma_start3A_770] : memref<32x32x8xi32, #tpu.memory_space<hbm>> -> memref<1x32x8xi32, #tpu.memory_space<hbm>>
      %dma_start3A_772 = tpu.memref_squeeze %dma_start3A_771 : memref<1x32x8xi32, #tpu.memory_space<hbm>> -> memref<32x8xi32, #tpu.memory_space<hbm>>
      %dma_start3A_773 = arith.constant 0 : i32
      %dma_start3A_774 = arith.constant 0 : i32
      %dma_start3A_775 = tpu.memref_slice %arg3[%add3A, %dma_start3A_773, %dma_start3A_774] : memref<32x32x8xi32, #tpu.memory_space<hbm>> -> memref<1x32x8xi32, #tpu.memory_space<hbm>>
      %dma_start3A_776 = tpu.memref_squeeze %dma_start3A_775 : memref<1x32x8xi32, #tpu.memory_space<hbm>> -> memref<32x8xi32, #tpu.memory_space<hbm>>
      tpu.enqueue_dma source(%dma_start3A_776 : memref<32x8xi32, #tpu.memory_space<hbm>>) target(%arg5 : memref<32x8xi32, #tpu.memory_space<vmem>>) target_semaphore(%run_scoped3A : memref<!tpu.dma_semaphore, #tpu.memory_space<semaphore_mem>>)
      %dma_wait3A_777 = arith.constant 0 : i32
      %dma_wait3A_778 = arith.constant 0 : i32
      %dma_wait3A_779 = tpu.memref_slice %arg3[%add3A, %dma_wait3A_777, %dma_wait3A_778] : memref<32x32x8xi32, #tpu.memory_space<hbm>> -> memref<1x32x8xi32, #tpu.memory_space<hbm>>
      %dma_wait3A_780 = tpu.memref_squeeze %dma_wait3A_779 : memref<1x32x8xi32, #tpu.memory_space<hbm>> -> memref<32x8xi32, #tpu.memory_space<hbm>>
      %dma_wait3A_781 = arith.constant 0 : i32
      %dma_wait3A_782 = arith.constant 0 : i32
      %dma_wait3A_783 = tpu.memref_slice %arg3[%add3A, %dma_wait3A_781, %dma_wait3A_782] : memref<32x32x8xi32, #tpu.memory_space<hbm>> -> memref<1x32x8xi32, #tpu.memory_space<hbm>>
      %dma_wait3A_784 = tpu.memref_squeeze %dma_wait3A_783 : memref<1x32x8xi32, #tpu.memory_space<hbm>> -> memref<32x8xi32, #tpu.memory_space<hbm>>
      tpu.wait_dma2 semaphore(%run_scoped3A : memref<!tpu.dma_semaphore, #tpu.memory_space<semaphore_mem>>) src(%dma_wait3A_784 : memref<32x8xi32, #tpu.memory_space<hbm>>) dst(%arg5 : memref<32x8xi32, #tpu.memory_space<vmem>>)
      tpu.yield
    }) : () -> ()
    %add3A_3 = arith.constant 0 : i32
    %add3A_4 = arith.addi %mul3A_2, %add3A_3 : i32
    %dma_start3A = arith.constant 0 : i32
    %dma_start3A_5 = tpu.memref_slice %arg2[%add3A_4, %dma_start3A] : memref<8192x4096xf32, #tpu.memory_space<hbm>> -> memref<8x4096xf32, #tpu.memory_space<hbm>>
    %dma_start3A_6 = arith.constant 0 : i32
    %dma_start3A_7 = tpu.memref_slice %arg2[%add3A_4, %dma_start3A_6] : memref<8192x4096xf32, #tpu.memory_space<hbm>> -> memref<8x4096xf32, #tpu.memory_space<hbm>>
    tpu.enqueue_dma source(%dma_start3A_7 : memref<8x4096xf32, #tpu.memory_space<hbm>>) target(%arg6 : memref<8x4096xf32, #tpu.memory_space<vmem>>) target_semaphore(%arg8 : memref<!tpu.dma_semaphore, #tpu.memory_space<semaphore_mem>>)
    %dma_wait3A = arith.constant 0 : i32
    %dma_wait3A_8 = tpu.memref_slice %arg2[%add3A_4, %dma_wait3A] : memref<8192x4096xf32, #tpu.memory_space<hbm>> -> memref<8x4096xf32, #tpu.memory_space<hbm>>
    %dma_wait3A_9 = arith.constant 0 : i32
    %dma_wait3A_10 = tpu.memref_slice %arg2[%add3A_4, %dma_wait3A_9] : memref<8192x4096xf32, #tpu.memory_space<hbm>> -> memref<8x4096xf32, #tpu.memory_space<hbm>>
    tpu.wait_dma2 semaphore(%arg8 : memref<!tpu.dma_semaphore, #tpu.memory_space<semaphore_mem>>) src(%dma_wait3A_10 : memref<8x4096xf32, #tpu.memory_space<hbm>>) dst(%arg6 : memref<8x4096xf32, #tpu.memory_space<vmem>>)
    %dma_start3A_11 = arith.constant 0 : i32
    %dma_start3A_12 = arith.constant 0 : i32
    %dma_start3A_13 = tpu.memref_slice %arg5[%dma_start3A_11, %dma_start3A_12] : memref<32x8xi32, #tpu.memory_space<vmem>> -> memref<1x8xi32, #tpu.memory_space<vmem>>
    %dma_start3A_14 = tpu.memref_squeeze %dma_start3A_13 : memref<1x8xi32, #tpu.memory_space<vmem>> -> memref<8xi32, #tpu.memory_space<vmem>>
    %dma_start3A_15 = arith.constant 0 : i32
    %dma_start3A_16 = arith.constant 0 : i32
    %dma_start3A_17 = tpu.memref_slice %arg4[%dma_start3A_15, %dma_start3A_16] : memref<8192x4096xf32, #tpu.memory_space<hbm>> -> memref<8192x4096xf32, #tpu.memory_space<hbm>>
    tpu.enqueue_indirect_dma source(%arg6 : memref<8x4096xf32, #tpu.memory_space<vmem>>) target(%dma_start3A_17 : memref<8192x4096xf32, #tpu.memory_space<hbm>>) offsets(%dma_start3A_14 : memref<8xi32, #tpu.memory_space<vmem>>) semaphore(%arg9 : memref<!tpu.dma_semaphore, #tpu.memory_space<semaphore_mem>>)
    %add3A_18 = arith.constant 8 : i32
    %add3A_19 = arith.addi %mul3A_2, %add3A_18 : i32
    %dma_start3A_20 = arith.constant 0 : i32
    %dma_start3A_21 = tpu.memref_slice %arg2[%add3A_19, %dma_start3A_20] : memref<8192x4096xf32, #tpu.memory_space<hbm>> -> memref<8x4096xf32, #tpu.memory_space<hbm>>
    %dma_start3A_22 = arith.constant 0 : i32
    %dma_start3A_23 = tpu.memref_slice %arg2[%add3A_19, %dma_start3A_22] : memref<8192x4096xf32, #tpu.memory_space<hbm>> -> memref<8x4096xf32, #tpu.memory_space<hbm>>
    tpu.enqueue_dma source(%dma_start3A_23 : memref<8x4096xf32, #tpu.memory_space<hbm>>) target(%arg7 : memref<8x4096xf32, #tpu.memory_space<vmem>>) target_semaphore(%arg8 : memref<!tpu.dma_semaphore, #tpu.memory_space<semaphore_mem>>)
    %dma_wait3A_24 = arith.constant 0 : i32
    %dma_wait3A_25 = arith.constant 0 : i32
    %dma_wait3A_26 = tpu.memref_slice %arg5[%dma_wait3A_24, %dma_wait3A_25] : memref<32x8xi32, #tpu.memory_space<vmem>> -> memref<1x8xi32, #tpu.memory_space<vmem>>
    %dma_wait3A_27 = tpu.memref_squeeze %dma_wait3A_26 : memref<1x8xi32, #tpu.memory_space<vmem>> -> memref<8xi32, #tpu.memory_space<vmem>>
    %dma_wait3A_28 = arith.constant 0 : i32
    %dma_wait3A_29 = arith.constant 0 : i32
    %dma_wait3A_30 = tpu.memref_slice %arg4[%dma_wait3A_28, %dma_wait3A_29] : memref<8192x4096xf32, #tpu.memory_space<hbm>> -> memref<8192x4096xf32, #tpu.memory_space<hbm>>
    tpu.wait_indirect_dma semaphore(%arg9 : memref<!tpu.dma_semaphore, #tpu.memory_space<semaphore_mem>>) src(%arg6 : memref<8x4096xf32, #tpu.memory_space<vmem>>) dst(%dma_wait3A_30 : memref<8192x4096xf32, #tpu.memory_space<hbm>>)
    %dma_wait3A_31 = arith.constant 0 : i32
    %dma_wait3A_32 = tpu.memref_slice %arg2[%add3A_19, %dma_wait3A_31] : memref<8192x4096xf32, #tpu.memory_space<hbm>> -> memref<8x4096xf32, #tpu.memory_space<hbm>>
    %dma_wait3A_33 = arith.constant 0 : i32
    %dma_wait3A_34 = tpu.memref_slice %arg2[%add3A_19, %dma_wait3A_33] : memref<8192x4096xf32, #tpu.memory_space<hbm>> -> memref<8x4096xf32, #tpu.memory_space<hbm>>
    tpu.wait_dma2 semaphore(%arg8 : memref<!tpu.dma_semaphore, #tpu.memory_space<semaphore_mem>>) src(%dma_wait3A_34 : memref<8x4096xf32, #tpu.memory_space<hbm>>) dst(%arg7 : memref<8x4096xf32, #tpu.memory_space<vmem>>)
    %dma_start3A_35 = arith.constant 1 : i32
    %dma_start3A_36 = arith.constant 0 : i32
    %dma_start3A_37 = tpu.memref_slice %arg5[%dma_start3A_35, %dma_start3A_36] : memref<32x8xi32, #tpu.memory_space<vmem>> -> memref<1x8xi32, #tpu.memory_space<vmem>>
    %dma_start3A_38 = tpu.memref_squeeze %dma_start3A_37 : memref<1x8xi32, #tpu.memory_space<vmem>> -> memref<8xi32, #tpu.memory_space<vmem>>
    %dma_start3A_39 = arith.constant 0 : i32
    %dma_start3A_40 = arith.constant 0 : i32
    %dma_start3A_41 = tpu.memref_slice %arg4[%dma_start3A_39, %dma_start3A_40] : memref<8192x4096xf32, #tpu.memory_space<hbm>> -> memref<8192x4096xf32, #tpu.memory_space<hbm>>
    tpu.enqueue_indirect_dma source(%arg7 : memref<8x4096xf32, #tpu.memory_space<vmem>>) target(%dma_start3A_41 : memref<8192x4096xf32, #tpu.memory_space<hbm>>) offsets(%dma_start3A_38 : memref<8xi32, #tpu.memory_space<vmem>>) semaphore(%arg10 : memref<!tpu.dma_semaphore, #tpu.memory_space<semaphore_mem>>)
    %add3A_42 = arith.constant 16 : i32
    %add3A_43 = arith.addi %mul3A_2, %add3A_42 : i32
    %dma_start3A_44 = arith.constant 0 : i32
    %dma_start3A_45 = tpu.memref_slice %arg2[%add3A_43, %dma_start3A_44] : memref<8192x4096xf32, #tpu.memory_space<hbm>> -> memref<8x4096xf32, #tpu.memory_space<hbm>>
    %dma_start3A_46 = arith.constant 0 : i32
    %dma_start3A_47 = tpu.memref_slice %arg2[%add3A_43, %dma_start3A_46] : memref<8192x4096xf32, #tpu.memory_space<hbm>> -> memref<8x4096xf32, #tpu.memory_space<hbm>>
    tpu.enqueue_dma source(%dma_start3A_47 : memref<8x4096xf32, #tpu.memory_space<hbm>>) target(%arg6 : memref<8x4096xf32, #tpu.memory_space<vmem>>) target_semaphore(%arg8 : memref<!tpu.dma_semaphore, #tpu.memory_space<semaphore_mem>>)
    %dma_wait3A_48 = arith.constant 1 : i32
    %dma_wait3A_49 = arith.constant 0 : i32
    %dma_wait3A_50 = tpu.memref_slice %arg5[%dma_wait3A_48, %dma_wait3A_49] : memref<32x8xi32, #tpu.memory_space<vmem>> -> memref<1x8xi32, #tpu.memory_space<vmem>>
    %dma_wait3A_51 = tpu.memref_squeeze %dma_wait3A_50 : memref<1x8xi32, #tpu.memory_space<vmem>> -> memref<8xi32, #tpu.memory_space<vmem>>
    %dma_wait3A_52 = arith.constant 0 : i32
    %dma_wait3A_53 = arith.constant 0 : i32
    %dma_wait3A_54 = tpu.memref_slice %arg4[%dma_wait3A_52, %dma_wait3A_53] : memref<8192x4096xf32, #tpu.memory_space<hbm>> -> memref<8192x4096xf32, #tpu.memory_space<hbm>>
    tpu.wait_indirect_dma semaphore(%arg10 : memref<!tpu.dma_semaphore, #tpu.memory_space<semaphore_mem>>) src(%arg7 : memref<8x4096xf32, #tpu.memory_space<vmem>>) dst(%dma_wait3A_54 : memref<8192x4096xf32, #tpu.memory_space<hbm>>)
    %dma_wait3A_55 = arith.constant 0 : i32
    %dma_wait3A_56 = tpu.memref_slice %arg2[%add3A_43, %dma_wait3A_55] : memref<8192x4096xf32, #tpu.memory_space<hbm>> -> memref<8x4096xf32, #tpu.memory_space<hbm>>
    %dma_wait3A_57 = arith.constant 0 : i32
    %dma_wait3A_58 = tpu.memref_slice %arg2[%add3A_43, %dma_wait3A_57] : memref<8192x4096xf32, #tpu.memory_space<hbm>> -> memref<8x4096xf32, #tpu.memory_space<hbm>>
    tpu.wait_dma2 semaphore(%arg8 : memref<!tpu.dma_semaphore, #tpu.memory_space<semaphore_mem>>) src(%dma_wait3A_58 : memref<8x4096xf32, #tpu.memory_space<hbm>>) dst(%arg6 : memref<8x4096xf32, #tpu.memory_space<vmem>>)
    %dma_start3A_59 = arith.constant 2 : i32
    %dma_start3A_60 = arith.constant 0 : i32
    %dma_start3A_61 = tpu.memref_slice %arg5[%dma_start3A_59, %dma_start3A_60] : memref<32x8xi32, #tpu.memory_space<vmem>> -> memref<1x8xi32, #tpu.memory_space<vmem>>
    %dma_start3A_62 = tpu.memref_squeeze %dma_start3A_61 : memref<1x8xi32, #tpu.memory_space<vmem>> -> memref<8xi32, #tpu.memory_space<vmem>>
    %dma_start3A_63 = arith.constant 0 : i32
    %dma_start3A_64 = arith.constant 0 : i32
    %dma_start3A_65 = tpu.memref_slice %arg4[%dma_start3A_63, %dma_start3A_64] : memref<8192x4096xf32, #tpu.memory_space<hbm>> -> memref<8192x4096xf32, #tpu.memory_space<hbm>>
    tpu.enqueue_indirect_dma source(%arg6 : memref<8x4096xf32, #tpu.memory_space<vmem>>) target(%dma_start3A_65 : memref<8192x4096xf32, #tpu.memory_space<hbm>>) offsets(%dma_start3A_62 : memref<8xi32, #tpu.memory_space<vmem>>) semaphore(%arg9 : memref<!tpu.dma_semaphore, #tpu.memory_space<semaphore_mem>>)
    %add3A_66 = arith.constant 24 : i32
    %add3A_67 = arith.addi %mul3A_2, %add3A_66 : i32
    %dma_start3A_68 = arith.constant 0 : i32
    %dma_start3A_69 = tpu.memref_slice %arg2[%add3A_67, %dma_start3A_68] : memref<8192x4096xf32, #tpu.memory_space<hbm>> -> memref<8x4096xf32, #tpu.memory_space<hbm>>
    %dma_start3A_70 = arith.constant 0 : i32
    %dma_start3A_71 = tpu.memref_slice %arg2[%add3A_67, %dma_start3A_70] : memref<8192x4096xf32, #tpu.memory_space<hbm>> -> memref<8x4096xf32, #tpu.memory_space<hbm>>
    tpu.enqueue_dma source(%dma_start3A_71 : memref<8x4096xf32, #tpu.memory_space<hbm>>) target(%arg7 : memref<8x4096xf32, #tpu.memory_space<vmem>>) target_semaphore(%arg8 : memref<!tpu.dma_semaphore, #tpu.memory_space<semaphore_mem>>)
    %dma_wait3A_72 = arith.constant 2 : i32
    %dma_wait3A_73 = arith.constant 0 : i32
    %dma_wait3A_74 = tpu.memref_slice %arg5[%dma_wait3A_72, %dma_wait3A_73] : memref<32x8xi32, #tpu.memory_space<vmem>> -> memref<1x8xi32, #tpu.memory_space<vmem>>
    %dma_wait3A_75 = tpu.memref_squeeze %dma_wait3A_74 : memref<1x8xi32, #tpu.memory_space<vmem>> -> memref<8xi32, #tpu.memory_space<vmem>>
    %dma_wait3A_76 = arith.constant 0 : i32
    %dma_wait3A_77 = arith.constant 0 : i32
    %dma_wait3A_78 = tpu.memref_slice %arg4[%dma_wait3A_76, %dma_wait3A_77] : memref<8192x4096xf32, #tpu.memory_space<hbm>> -> memref<8192x4096xf32, #tpu.memory_space<hbm>>
    tpu.wait_indirect_dma semaphore(%arg9 : memref<!tpu.dma_semaphore, #tpu.memory_space<semaphore_mem>>) src(%arg6 : memref<8x4096xf32, #tpu.memory_space<vmem>>) dst(%dma_wait3A_78 : memref<8192x4096xf32, #tpu.memory_space<hbm>>)
    %dma_wait3A_79 = arith.constant 0 : i32
    %dma_wait3A_80 = tpu.memref_slice %arg2[%add3A_67, %dma_wait3A_79] : memref<8192x4096xf32, #tpu.memory_space<hbm>> -> memref<8x4096xf32, #tpu.memory_space<hbm>>
    %dma_wait3A_81 = arith.constant 0 : i32
    %dma_wait3A_82 = tpu.memref_slice %arg2[%add3A_67, %dma_wait3A_81] : memref<8192x4096xf32, #tpu.memory_space<hbm>> -> memref<8x4096xf32, #tpu.memory_space<hbm>>
    tpu.wait_dma2 semaphore(%arg8 : memref<!tpu.dma_semaphore, #tpu.memory_space<semaphore_mem>>) src(%dma_wait3A_82 : memref<8x4096xf32, #tpu.memory_space<hbm>>) dst(%arg7 : memref<8x4096xf32, #tpu.memory_space<vmem>>)
    %dma_start3A_83 = arith.constant 3 : i32
    %dma_start3A_84 = arith.constant 0 : i32
    %dma_start3A_85 = tpu.memref_slice %arg5[%dma_start3A_83, %dma_start3A_84] : memref<32x8xi32, #tpu.memory_space<vmem>> -> memref<1x8xi32, #tpu.memory_space<vmem>>
    %dma_start3A_86 = tpu.memref_squeeze %dma_start3A_85 : memref<1x8xi32, #tpu.memory_space<vmem>> -> memref<8xi32, #tpu.memory_space<vmem>>
    %dma_start3A_87 = arith.constant 0 : i32
    %dma_start3A_88 = arith.constant 0 : i32
    %dma_start3A_89 = tpu.memref_slice %arg4[%dma_start3A_87, %dma_start3A_88] : memref<8192x4096xf32, #tpu.memory_space<hbm>> -> memref<8192x4096xf32, #tpu.memory_space<hbm>>
    tpu.enqueue_indirect_dma source(%arg7 : memref<8x4096xf32, #tpu.memory_space<vmem>>) target(%dma_start3A_89 : memref<8192x4096xf32, #tpu.memory_space<hbm>>) offsets(%dma_start3A_86 : memref<8xi32, #tpu.memory_space<vmem>>) semaphore(%arg10 : memref<!tpu.dma_semaphore, #tpu.memory_space<semaphore_mem>>)
    %add3A_90 = arith.constant 32 : i32
    %add3A_91 = arith.addi %mul3A_2, %add3A_90 : i32
    %dma_start3A_92 = arith.constant 0 : i32
    %dma_start3A_93 = tpu.memref_slice %arg2[%add3A_91, %dma_start3A_92] : memref<8192x4096xf32, #tpu.memory_space<hbm>> -> memref<8x4096xf32, #tpu.memory_space<hbm>>
    %dma_start3A_94 = arith.constant 0 : i32
    %dma_start3A_95 = tpu.memref_slice %arg2[%add3A_91, %dma_start3A_94] : memref<8192x4096xf32, #tpu.memory_space<hbm>> -> memref<8x4096xf32, #tpu.memory_space<hbm>>
    tpu.enqueue_dma source(%dma_start3A_95 : memref<8x4096xf32, #tpu.memory_space<hbm>>) target(%arg6 : memref<8x4096xf32, #tpu.memory_space<vmem>>) target_semaphore(%arg8 : memref<!tpu.dma_semaphore, #tpu.memory_space<semaphore_mem>>)
    %dma_wait3A_96 = arith.constant 3 : i32
    %dma_wait3A_97 = arith.constant 0 : i32
    %dma_wait3A_98 = tpu.memref_slice %arg5[%dma_wait3A_96, %dma_wait3A_97] : memref<32x8xi32, #tpu.memory_space<vmem>> -> memref<1x8xi32, #tpu.memory_space<vmem>>
    %dma_wait3A_99 = tpu.memref_squeeze %dma_wait3A_98 : memref<1x8xi32, #tpu.memory_space<vmem>> -> memref<8xi32, #tpu.memory_space<vmem>>
    %dma_wait3A_100 = arith.constant 0 : i32
    %dma_wait3A_101 = arith.constant 0 : i32
    %dma_wait3A_102 = tpu.memref_slice %arg4[%dma_wait3A_100, %dma_wait3A_101] : memref<8192x4096xf32, #tpu.memory_space<hbm>> -> memref<8192x4096xf32, #tpu.memory_space<hbm>>
    tpu.wait_indirect_dma semaphore(%arg10 : memref<!tpu.dma_semaphore, #tpu.memory_space<semaphore_mem>>) src(%arg7 : memref<8x4096xf32, #tpu.memory_space<vmem>>) dst(%dma_wait3A_102 : memref<8192x4096xf32, #tpu.memory_space<hbm>>)
    %dma_wait3A_103 = arith.constant 0 : i32
    %dma_wait3A_104 = tpu.memref_slice %arg2[%add3A_91, %dma_wait3A_103] : memref<8192x4096xf32, #tpu.memory_space<hbm>> -> memref<8x4096xf32, #tpu.memory_space<hbm>>
    %dma_wait3A_105 = arith.constant 0 : i32
    %dma_wait3A_106 = tpu.memref_slice %arg2[%add3A_91, %dma_wait3A_105] : memref<8192x4096xf32, #tpu.memory_space<hbm>> -> memref<8x4096xf32, #tpu.memory_space<hbm>>
    tpu.wait_dma2 semaphore(%arg8 : memref<!tpu.dma_semaphore, #tpu.memory_space<semaphore_mem>>) src(%dma_wait3A_106 : memref<8x4096xf32, #tpu.memory_space<hbm>>) dst(%arg6 : memref<8x4096xf32, #tpu.memory_space<vmem>>)
    %dma_start3A_107 = arith.constant 4 : i32
    %dma_start3A_108 = arith.constant 0 : i32
    %dma_start3A_109 = tpu.memref_slice %arg5[%dma_start3A_107, %dma_start3A_108] : memref<32x8xi32, #tpu.memory_space<vmem>> -> memref<1x8xi32, #tpu.memory_space<vmem>>
    %dma_start3A_110 = tpu.memref_squeeze %dma_start3A_109 : memref<1x8xi32, #tpu.memory_space<vmem>> -> memref<8xi32, #tpu.memory_space<vmem>>
    %dma_start3A_111 = arith.constant 0 : i32
    %dma_start3A_112 = arith.constant 0 : i32
    %dma_start3A_113 = tpu.memref_slice %arg4[%dma_start3A_111, %dma_start3A_112] : memref<8192x4096xf32, #tpu.memory_space<hbm>> -> memref<8192x4096xf32, #tpu.memory_space<hbm>>
    tpu.enqueue_indirect_dma source(%arg6 : memref<8x4096xf32, #tpu.memory_space<vmem>>) target(%dma_start3A_113 : memref<8192x4096xf32, #tpu.memory_space<hbm>>) offsets(%dma_start3A_110 : memref<8xi32, #tpu.memory_space<vmem>>) semaphore(%arg9 : memref<!tpu.dma_semaphore, #tpu.memory_space<semaphore_mem>>)
    %add3A_114 = arith.constant 40 : i32
    %add3A_115 = arith.addi %mul3A_2, %add3A_114 : i32
    %dma_start3A_116 = arith.constant 0 : i32
    %dma_start3A_117 = tpu.memref_slice %arg2[%add3A_115, %dma_start3A_116] : memref<8192x4096xf32, #tpu.memory_space<hbm>> -> memref<8x4096xf32, #tpu.memory_space<hbm>>
    %dma_start3A_118 = arith.constant 0 : i32
    %dma_start3A_119 = tpu.memref_slice %arg2[%add3A_115, %dma_start3A_118] : memref<8192x4096xf32, #tpu.memory_space<hbm>> -> memref<8x4096xf32, #tpu.memory_space<hbm>>
    tpu.enqueue_dma source(%dma_start3A_119 : memref<8x4096xf32, #tpu.memory_space<hbm>>) target(%arg7 : memref<8x4096xf32, #tpu.memory_space<vmem>>) target_semaphore(%arg8 : memref<!tpu.dma_semaphore, #tpu.memory_space<semaphore_mem>>)
    %dma_wait3A_120 = arith.constant 4 : i32
    %dma_wait3A_121 = arith.constant 0 : i32
    %dma_wait3A_122 = tpu.memref_slice %arg5[%dma_wait3A_120, %dma_wait3A_121] : memref<32x8xi32, #tpu.memory_space<vmem>> -> memref<1x8xi32, #tpu.memory_space<vmem>>
    %dma_wait3A_123 = tpu.memref_squeeze %dma_wait3A_122 : memref<1x8xi32, #tpu.memory_space<vmem>> -> memref<8xi32, #tpu.memory_space<vmem>>
    %dma_wait3A_124 = arith.constant 0 : i32
    %dma_wait3A_125 = arith.constant 0 : i32
    %dma_wait3A_126 = tpu.memref_slice %arg4[%dma_wait3A_124, %dma_wait3A_125] : memref<8192x4096xf32, #tpu.memory_space<hbm>> -> memref<8192x4096xf32, #tpu.memory_space<hbm>>
    tpu.wait_indirect_dma semaphore(%arg9 : memref<!tpu.dma_semaphore, #tpu.memory_space<semaphore_mem>>) src(%arg6 : memref<8x4096xf32, #tpu.memory_space<vmem>>) dst(%dma_wait3A_126 : memref<8192x4096xf32, #tpu.memory_space<hbm>>)
    %dma_wait3A_127 = arith.constant 0 : i32
    %dma_wait3A_128 = tpu.memref_slice %arg2[%add3A_115, %dma_wait3A_127] : memref<8192x4096xf32, #tpu.memory_space<hbm>> -> memref<8x4096xf32, #tpu.memory_space<hbm>>
    %dma_wait3A_129 = arith.constant 0 : i32
    %dma_wait3A_130 = tpu.memref_slice %arg2[%add3A_115, %dma_wait3A_129] : memref<8192x4096xf32, #tpu.memory_space<hbm>> -> memref<8x4096xf32, #tpu.memory_space<hbm>>
    tpu.wait_dma2 semaphore(%arg8 : memref<!tpu.dma_semaphore, #tpu.memory_space<semaphore_mem>>) src(%dma_wait3A_130 : memref<8x4096xf32, #tpu.memory_space<hbm>>) dst(%arg7 : memref<8x4096xf32, #tpu.memory_space<vmem>>)
    %dma_start3A_131 = arith.constant 5 : i32
    %dma_start3A_132 = arith.constant 0 : i32
    %dma_start3A_133 = tpu.memref_slice %arg5[%dma_start3A_131, %dma_start3A_132] : memref<32x8xi32, #tpu.memory_space<vmem>> -> memref<1x8xi32, #tpu.memory_space<vmem>>
    %dma_start3A_134 = tpu.memref_squeeze %dma_start3A_133 : memref<1x8xi32, #tpu.memory_space<vmem>> -> memref<8xi32, #tpu.memory_space<vmem>>
    %dma_start3A_135 = arith.constant 0 : i32
    %dma_start3A_136 = arith.constant 0 : i32
    %dma_start3A_137 = tpu.memref_slice %arg4[%dma_start3A_135, %dma_start3A_136] : memref<8192x4096xf32, #tpu.memory_space<hbm>> -> memref<8192x4096xf32, #tpu.memory_space<hbm>>
    tpu.enqueue_indirect_dma source(%arg7 : memref<8x4096xf32, #tpu.memory_space<vmem>>) target(%dma_start3A_137 : memref<8192x4096xf32, #tpu.memory_space<hbm>>) offsets(%dma_start3A_134 : memref<8xi32, #tpu.memory_space<vmem>>) semaphore(%arg10 : memref<!tpu.dma_semaphore, #tpu.memory_space<semaphore_mem>>)
    %add3A_138 = arith.constant 48 : i32
    %add3A_139 = arith.addi %mul3A_2, %add3A_138 : i32
    %dma_start3A_140 = arith.constant 0 : i32
    %dma_start3A_141 = tpu.memref_slice %arg2[%add3A_139, %dma_start3A_140] : memref<8192x4096xf32, #tpu.memory_space<hbm>> -> memref<8x4096xf32, #tpu.memory_space<hbm>>
    %dma_start3A_142 = arith.constant 0 : i32
    %dma_start3A_143 = tpu.memref_slice %arg2[%add3A_139, %dma_start3A_142] : memref<8192x4096xf32, #tpu.memory_space<hbm>> -> memref<8x4096xf32, #tpu.memory_space<hbm>>
    tpu.enqueue_dma source(%dma_start3A_143 : memref<8x4096xf32, #tpu.memory_space<hbm>>) target(%arg6 : memref<8x4096xf32, #tpu.memory_space<vmem>>) target_semaphore(%arg8 : memref<!tpu.dma_semaphore, #tpu.memory_space<semaphore_mem>>)
    %dma_wait3A_144 = arith.constant 5 : i32
    %dma_wait3A_145 = arith.constant 0 : i32
    %dma_wait3A_146 = tpu.memref_slice %arg5[%dma_wait3A_144, %dma_wait3A_145] : memref<32x8xi32, #tpu.memory_space<vmem>> -> memref<1x8xi32, #tpu.memory_space<vmem>>
    %dma_wait3A_147 = tpu.memref_squeeze %dma_wait3A_146 : memref<1x8xi32, #tpu.memory_space<vmem>> -> memref<8xi32, #tpu.memory_space<vmem>>
    %dma_wait3A_148 = arith.constant 0 : i32
    %dma_wait3A_149 = arith.constant 0 : i32
    %dma_wait3A_150 = tpu.memref_slice %arg4[%dma_wait3A_148, %dma_wait3A_149] : memref<8192x4096xf32, #tpu.memory_space<hbm>> -> memref<8192x4096xf32, #tpu.memory_space<hbm>>
    tpu.wait_indirect_dma semaphore(%arg10 : memref<!tpu.dma_semaphore, #tpu.memory_space<semaphore_mem>>) src(%arg7 : memref<8x4096xf32, #tpu.memory_space<vmem>>) dst(%dma_wait3A_150 : memref<8192x4096xf32, #tpu.memory_space<hbm>>)
    %dma_wait3A_151 = arith.constant 0 : i32
    %dma_wait3A_152 = tpu.memref_slice %arg2[%add3A_139, %dma_wait3A_151] : memref<8192x4096xf32, #tpu.memory_space<hbm>> -> memref<8x4096xf32, #tpu.memory_space<hbm>>
    %dma_wait3A_153 = arith.constant 0 : i32
    %dma_wait3A_154 = tpu.memref_slice %arg2[%add3A_139, %dma_wait3A_153] : memref<8192x4096xf32, #tpu.memory_space<hbm>> -> memref<8x4096xf32, #tpu.memory_space<hbm>>
    tpu.wait_dma2 semaphore(%arg8 : memref<!tpu.dma_semaphore, #tpu.memory_space<semaphore_mem>>) src(%dma_wait3A_154 : memref<8x4096xf32, #tpu.memory_space<hbm>>) dst(%arg6 : memref<8x4096xf32, #tpu.memory_space<vmem>>)
    %dma_start3A_155 = arith.constant 6 : i32
    %dma_start3A_156 = arith.constant 0 : i32
    %dma_start3A_157 = tpu.memref_slice %arg5[%dma_start3A_155, %dma_start3A_156] : memref<32x8xi32, #tpu.memory_space<vmem>> -> memref<1x8xi32, #tpu.memory_space<vmem>>
    %dma_start3A_158 = tpu.memref_squeeze %dma_start3A_157 : memref<1x8xi32, #tpu.memory_space<vmem>> -> memref<8xi32, #tpu.memory_space<vmem>>
    %dma_start3A_159 = arith.constant 0 : i32
    %dma_start3A_160 = arith.constant 0 : i32
    %dma_start3A_161 = tpu.memref_slice %arg4[%dma_start3A_159, %dma_start3A_160] : memref<8192x4096xf32, #tpu.memory_space<hbm>> -> memref<8192x4096xf32, #tpu.memory_space<hbm>>
    tpu.enqueue_indirect_dma source(%arg6 : memref<8x4096xf32, #tpu.memory_space<vmem>>) target(%dma_start3A_161 : memref<8192x4096xf32, #tpu.memory_space<hbm>>) offsets(%dma_start3A_158 : memref<8xi32, #tpu.memory_space<vmem>>) semaphore(%arg9 : memref<!tpu.dma_semaphore, #tpu.memory_space<semaphore_mem>>)
    %add3A_162 = arith.constant 56 : i32
    %add3A_163 = arith.addi %mul3A_2, %add3A_162 : i32
    %dma_start3A_164 = arith.constant 0 : i32
    %dma_start3A_165 = tpu.memref_slice %arg2[%add3A_163, %dma_start3A_164] : memref<8192x4096xf32, #tpu.memory_space<hbm>> -> memref<8x4096xf32, #tpu.memory_space<hbm>>
    %dma_start3A_166 = arith.constant 0 : i32
    %dma_start3A_167 = tpu.memref_slice %arg2[%add3A_163, %dma_start3A_166] : memref<8192x4096xf32, #tpu.memory_space<hbm>> -> memref<8x4096xf32, #tpu.memory_space<hbm>>
    tpu.enqueue_dma source(%dma_start3A_167 : memref<8x4096xf32, #tpu.memory_space<hbm>>) target(%arg7 : memref<8x4096xf32, #tpu.memory_space<vmem>>) target_semaphore(%arg8 : memref<!tpu.dma_semaphore, #tpu.memory_space<semaphore_mem>>)
    %dma_wait3A_168 = arith.constant 6 : i32
    %dma_wait3A_169 = arith.constant 0 : i32
    %dma_wait3A_170 = tpu.memref_slice %arg5[%dma_wait3A_168, %dma_wait3A_169] : memref<32x8xi32, #tpu.memory_space<vmem>> -> memref<1x8xi32, #tpu.memory_space<vmem>>
    %dma_wait3A_171 = tpu.memref_squeeze %dma_wait3A_170 : memref<1x8xi32, #tpu.memory_space<vmem>> -> memref<8xi32, #tpu.memory_space<vmem>>
    %dma_wait3A_172 = arith.constant 0 : i32
    %dma_wait3A_173 = arith.constant 0 : i32
    %dma_wait3A_174 = tpu.memref_slice %arg4[%dma_wait3A_172, %dma_wait3A_173] : memref<8192x4096xf32, #tpu.memory_space<hbm>> -> memref<8192x4096xf32, #tpu.memory_space<hbm>>
    tpu.wait_indirect_dma semaphore(%arg9 : memref<!tpu.dma_semaphore, #tpu.memory_space<semaphore_mem>>) src(%arg6 : memref<8x4096xf32, #tpu.memory_space<vmem>>) dst(%dma_wait3A_174 : memref<8192x4096xf32, #tpu.memory_space<hbm>>)
    %dma_wait3A_175 = arith.constant 0 : i32
    %dma_wait3A_176 = tpu.memref_slice %arg2[%add3A_163, %dma_wait3A_175] : memref<8192x4096xf32, #tpu.memory_space<hbm>> -> memref<8x4096xf32, #tpu.memory_space<hbm>>
    %dma_wait3A_177 = arith.constant 0 : i32
    %dma_wait3A_178 = tpu.memref_slice %arg2[%add3A_163, %dma_wait3A_177] : memref<8192x4096xf32, #tpu.memory_space<hbm>> -> memref<8x4096xf32, #tpu.memory_space<hbm>>
    tpu.wait_dma2 semaphore(%arg8 : memref<!tpu.dma_semaphore, #tpu.memory_space<semaphore_mem>>) src(%dma_wait3A_178 : memref<8x4096xf32, #tpu.memory_space<hbm>>) dst(%arg7 : memref<8x4096xf32, #tpu.memory_space<vmem>>)
    %dma_start3A_179 = arith.constant 7 : i32
    %dma_start3A_180 = arith.constant 0 : i32
    %dma_start3A_181 = tpu.memref_slice %arg5[%dma_start3A_179, %dma_start3A_180] : memref<32x8xi32, #tpu.memory_space<vmem>> -> memref<1x8xi32, #tpu.memory_space<vmem>>
    %dma_start3A_182 = tpu.memref_squeeze %dma_start3A_181 : memref<1x8xi32, #tpu.memory_space<vmem>> -> memref<8xi32, #tpu.memory_space<vmem>>
    %dma_start3A_183 = arith.constant 0 : i32
    %dma_start3A_184 = arith.constant 0 : i32
    %dma_start3A_185 = tpu.memref_slice %arg4[%dma_start3A_183, %dma_start3A_184] : memref<8192x4096xf32, #tpu.memory_space<hbm>> -> memref<8192x4096xf32, #tpu.memory_space<hbm>>
    tpu.enqueue_indirect_dma source(%arg7 : memref<8x4096xf32, #tpu.memory_space<vmem>>) target(%dma_start3A_185 : memref<8192x4096xf32, #tpu.memory_space<hbm>>) offsets(%dma_start3A_182 : memref<8xi32, #tpu.memory_space<vmem>>) semaphore(%arg10 : memref<!tpu.dma_semaphore, #tpu.memory_space<semaphore_mem>>)
    %add3A_186 = arith.constant 64 : i32
    %add3A_187 = arith.addi %mul3A_2, %add3A_186 : i32
    %dma_start3A_188 = arith.constant 0 : i32
    %dma_start3A_189 = tpu.memref_slice %arg2[%add3A_187, %dma_start3A_188] : memref<8192x4096xf32, #tpu.memory_space<hbm>> -> memref<8x4096xf32, #tpu.memory_space<hbm>>
    %dma_start3A_190 = arith.constant 0 : i32
    %dma_start3A_191 = tpu.memref_slice %arg2[%add3A_187, %dma_start3A_190] : memref<8192x4096xf32, #tpu.memory_space<hbm>> -> memref<8x4096xf32, #tpu.memory_space<hbm>>
    tpu.enqueue_dma source(%dma_start3A_191 : memref<8x4096xf32, #tpu.memory_space<hbm>>) target(%arg6 : memref<8x4096xf32, #tpu.memory_space<vmem>>) target_semaphore(%arg8 : memref<!tpu.dma_semaphore, #tpu.memory_space<semaphore_mem>>)
    %dma_wait3A_192 = arith.constant 7 : i32
    %dma_wait3A_193 = arith.constant 0 : i32
    %dma_wait3A_194 = tpu.memref_slice %arg5[%dma_wait3A_192, %dma_wait3A_193] : memref<32x8xi32, #tpu.memory_space<vmem>> -> memref<1x8xi32, #tpu.memory_space<vmem>>
    %dma_wait3A_195 = tpu.memref_squeeze %dma_wait3A_194 : memref<1x8xi32, #tpu.memory_space<vmem>> -> memref<8xi32, #tpu.memory_space<vmem>>
    %dma_wait3A_196 = arith.constant 0 : i32
    %dma_wait3A_197 = arith.constant 0 : i32
    %dma_wait3A_198 = tpu.memref_slice %arg4[%dma_wait3A_196, %dma_wait3A_197] : memref<8192x4096xf32, #tpu.memory_space<hbm>> -> memref<8192x4096xf32, #tpu.memory_space<hbm>>
    tpu.wait_indirect_dma semaphore(%arg10 : memref<!tpu.dma_semaphore, #tpu.memory_space<semaphore_mem>>) src(%arg7 : memref<8x4096xf32, #tpu.memory_space<vmem>>) dst(%dma_wait3A_198 : memref<8192x4096xf32, #tpu.memory_space<hbm>>)
    %dma_wait3A_199 = arith.constant 0 : i32
    %dma_wait3A_200 = tpu.memref_slice %arg2[%add3A_187, %dma_wait3A_199] : memref<8192x4096xf32, #tpu.memory_space<hbm>> -> memref<8x4096xf32, #tpu.memory_space<hbm>>
    %dma_wait3A_201 = arith.constant 0 : i32
    %dma_wait3A_202 = tpu.memref_slice %arg2[%add3A_187, %dma_wait3A_201] : memref<8192x4096xf32, #tpu.memory_space<hbm>> -> memref<8x4096xf32, #tpu.memory_space<hbm>>
    tpu.wait_dma2 semaphore(%arg8 : memref<!tpu.dma_semaphore, #tpu.memory_space<semaphore_mem>>) src(%dma_wait3A_202 : memref<8x4096xf32, #tpu.memory_space<hbm>>) dst(%arg6 : memref<8x4096xf32, #tpu.memory_space<vmem>>)
    %dma_start3A_203 = arith.constant 8 : i32
    %dma_start3A_204 = arith.constant 0 : i32
    %dma_start3A_205 = tpu.memref_slice %arg5[%dma_start3A_203, %dma_start3A_204] : memref<32x8xi32, #tpu.memory_space<vmem>> -> memref<1x8xi32, #tpu.memory_space<vmem>>
    %dma_start3A_206 = tpu.memref_squeeze %dma_start3A_205 : memref<1x8xi32, #tpu.memory_space<vmem>> -> memref<8xi32, #tpu.memory_space<vmem>>
    %dma_start3A_207 = arith.constant 0 : i32
    %dma_start3A_208 = arith.constant 0 : i32
    %dma_start3A_209 = tpu.memref_slice %arg4[%dma_start3A_207, %dma_start3A_208] : memref<8192x4096xf32, #tpu.memory_space<hbm>> -> memref<8192x4096xf32, #tpu.memory_space<hbm>>
    tpu.enqueue_indirect_dma source(%arg6 : memref<8x4096xf32, #tpu.memory_space<vmem>>) target(%dma_start3A_209 : memref<8192x4096xf32, #tpu.memory_space<hbm>>) offsets(%dma_start3A_206 : memref<8xi32, #tpu.memory_space<vmem>>) semaphore(%arg9 : memref<!tpu.dma_semaphore, #tpu.memory_space<semaphore_mem>>)
    %add3A_210 = arith.constant 72 : i32
    %add3A_211 = arith.addi %mul3A_2, %add3A_210 : i32
    %dma_start3A_212 = arith.constant 0 : i32
    %dma_start3A_213 = tpu.memref_slice %arg2[%add3A_211, %dma_start3A_212] : memref<8192x4096xf32, #tpu.memory_space<hbm>> -> memref<8x4096xf32, #tpu.memory_space<hbm>>
    %dma_start3A_214 = arith.constant 0 : i32
    %dma_start3A_215 = tpu.memref_slice %arg2[%add3A_211, %dma_start3A_214] : memref<8192x4096xf32, #tpu.memory_space<hbm>> -> memref<8x4096xf32, #tpu.memory_space<hbm>>
    tpu.enqueue_dma source(%dma_start3A_215 : memref<8x4096xf32, #tpu.memory_space<hbm>>) target(%arg7 : memref<8x4096xf32, #tpu.memory_space<vmem>>) target_semaphore(%arg8 : memref<!tpu.dma_semaphore, #tpu.memory_space<semaphore_mem>>)
    %dma_wait3A_216 = arith.constant 8 : i32
    %dma_wait3A_217 = arith.constant 0 : i32
    %dma_wait3A_218 = tpu.memref_slice %arg5[%dma_wait3A_216, %dma_wait3A_217] : memref<32x8xi32, #tpu.memory_space<vmem>> -> memref<1x8xi32, #tpu.memory_space<vmem>>
    %dma_wait3A_219 = tpu.memref_squeeze %dma_wait3A_218 : memref<1x8xi32, #tpu.memory_space<vmem>> -> memref<8xi32, #tpu.memory_space<vmem>>
    %dma_wait3A_220 = arith.constant 0 : i32
    %dma_wait3A_221 = arith.constant 0 : i32
    %dma_wait3A_222 = tpu.memref_slice %arg4[%dma_wait3A_220, %dma_wait3A_221] : memref<8192x4096xf32, #tpu.memory_space<hbm>> -> memref<8192x4096xf32, #tpu.memory_space<hbm>>
    tpu.wait_indirect_dma semaphore(%arg9 : memref<!tpu.dma_semaphore, #tpu.memory_space<semaphore_mem>>) src(%arg6 : memref<8x4096xf32, #tpu.memory_space<vmem>>) dst(%dma_wait3A_222 : memref<8192x4096xf32, #tpu.memory_space<hbm>>)
    %dma_wait3A_223 = arith.constant 0 : i32
    %dma_wait3A_224 = tpu.memref_slice %arg2[%add3A_211, %dma_wait3A_223] : memref<8192x4096xf32, #tpu.memory_space<hbm>> -> memref<8x4096xf32, #tpu.memory_space<hbm>>
    %dma_wait3A_225 = arith.constant 0 : i32
    %dma_wait3A_226 = tpu.memref_slice %arg2[%add3A_211, %dma_wait3A_225] : memref<8192x4096xf32, #tpu.memory_space<hbm>> -> memref<8x4096xf32, #tpu.memory_space<hbm>>
    tpu.wait_dma2 semaphore(%arg8 : memref<!tpu.dma_semaphore, #tpu.memory_space<semaphore_mem>>) src(%dma_wait3A_226 : memref<8x4096xf32, #tpu.memory_space<hbm>>) dst(%arg7 : memref<8x4096xf32, #tpu.memory_space<vmem>>)
    %dma_start3A_227 = arith.constant 9 : i32
    %dma_start3A_228 = arith.constant 0 : i32
    %dma_start3A_229 = tpu.memref_slice %arg5[%dma_start3A_227, %dma_start3A_228] : memref<32x8xi32, #tpu.memory_space<vmem>> -> memref<1x8xi32, #tpu.memory_space<vmem>>
    %dma_start3A_230 = tpu.memref_squeeze %dma_start3A_229 : memref<1x8xi32, #tpu.memory_space<vmem>> -> memref<8xi32, #tpu.memory_space<vmem>>
    %dma_start3A_231 = arith.constant 0 : i32
    %dma_start3A_232 = arith.constant 0 : i32
    %dma_start3A_233 = tpu.memref_slice %arg4[%dma_start3A_231, %dma_start3A_232] : memref<8192x4096xf32, #tpu.memory_space<hbm>> -> memref<8192x4096xf32, #tpu.memory_space<hbm>>
    tpu.enqueue_indirect_dma source(%arg7 : memref<8x4096xf32, #tpu.memory_space<vmem>>) target(%dma_start3A_233 : memref<8192x4096xf32, #tpu.memory_space<hbm>>) offsets(%dma_start3A_230 : memref<8xi32, #tpu.memory_space<vmem>>) semaphore(%arg10 : memref<!tpu.dma_semaphore, #tpu.memory_space<semaphore_mem>>)
    %add3A_234 = arith.constant 80 : i32
    %add3A_235 = arith.addi %mul3A_2, %add3A_234 : i32
    %dma_start3A_236 = arith.constant 0 : i32
    %dma_start3A_237 = tpu.memref_slice %arg2[%add3A_235, %dma_start3A_236] : memref<8192x4096xf32, #tpu.memory_space<hbm>> -> memref<8x4096xf32, #tpu.memory_space<hbm>>
    %dma_start3A_238 = arith.constant 0 : i32
    %dma_start3A_239 = tpu.memref_slice %arg2[%add3A_235, %dma_start3A_238] : memref<8192x4096xf32, #tpu.memory_space<hbm>> -> memref<8x4096xf32, #tpu.memory_space<hbm>>
    tpu.enqueue_dma source(%dma_start3A_239 : memref<8x4096xf32, #tpu.memory_space<hbm>>) target(%arg6 : memref<8x4096xf32, #tpu.memory_space<vmem>>) target_semaphore(%arg8 : memref<!tpu.dma_semaphore, #tpu.memory_space<semaphore_mem>>)
    %dma_wait3A_240 = arith.constant 9 : i32
    %dma_wait3A_241 = arith.constant 0 : i32
    %dma_wait3A_242 = tpu.memref_slice %arg5[%dma_wait3A_240, %dma_wait3A_241] : memref<32x8xi32, #tpu.memory_space<vmem>> -> memref<1x8xi32, #tpu.memory_space<vmem>>
    %dma_wait3A_243 = tpu.memref_squeeze %dma_wait3A_242 : memref<1x8xi32, #tpu.memory_space<vmem>> -> memref<8xi32, #tpu.memory_space<vmem>>
    %dma_wait3A_244 = arith.constant 0 : i32
    %dma_wait3A_245 = arith.constant 0 : i32
    %dma_wait3A_246 = tpu.memref_slice %arg4[%dma_wait3A_244, %dma_wait3A_245] : memref<8192x4096xf32, #tpu.memory_space<hbm>> -> memref<8192x4096xf32, #tpu.memory_space<hbm>>
    tpu.wait_indirect_dma semaphore(%arg10 : memref<!tpu.dma_semaphore, #tpu.memory_space<semaphore_mem>>) src(%arg7 : memref<8x4096xf32, #tpu.memory_space<vmem>>) dst(%dma_wait3A_246 : memref<8192x4096xf32, #tpu.memory_space<hbm>>)
    %dma_wait3A_247 = arith.constant 0 : i32
    %dma_wait3A_248 = tpu.memref_slice %arg2[%add3A_235, %dma_wait3A_247] : memref<8192x4096xf32, #tpu.memory_space<hbm>> -> memref<8x4096xf32, #tpu.memory_space<hbm>>
    %dma_wait3A_249 = arith.constant 0 : i32
    %dma_wait3A_250 = tpu.memref_slice %arg2[%add3A_235, %dma_wait3A_249] : memref<8192x4096xf32, #tpu.memory_space<hbm>> -> memref<8x4096xf32, #tpu.memory_space<hbm>>
    tpu.wait_dma2 semaphore(%arg8 : memref<!tpu.dma_semaphore, #tpu.memory_space<semaphore_mem>>) src(%dma_wait3A_250 : memref<8x4096xf32, #tpu.memory_space<hbm>>) dst(%arg6 : memref<8x4096xf32, #tpu.memory_space<vmem>>)
    %dma_start3A_251 = arith.constant 10 : i32
    %dma_start3A_252 = arith.constant 0 : i32
    %dma_start3A_253 = tpu.memref_slice %arg5[%dma_start3A_251, %dma_start3A_252] : memref<32x8xi32, #tpu.memory_space<vmem>> -> memref<1x8xi32, #tpu.memory_space<vmem>>
    %dma_start3A_254 = tpu.memref_squeeze %dma_start3A_253 : memref<1x8xi32, #tpu.memory_space<vmem>> -> memref<8xi32, #tpu.memory_space<vmem>>
    %dma_start3A_255 = arith.constant 0 : i32
    %dma_start3A_256 = arith.constant 0 : i32
    %dma_start3A_257 = tpu.memref_slice %arg4[%dma_start3A_255, %dma_start3A_256] : memref<8192x4096xf32, #tpu.memory_space<hbm>> -> memref<8192x4096xf32, #tpu.memory_space<hbm>>
    tpu.enqueue_indirect_dma source(%arg6 : memref<8x4096xf32, #tpu.memory_space<vmem>>) target(%dma_start3A_257 : memref<8192x4096xf32, #tpu.memory_space<hbm>>) offsets(%dma_start3A_254 : memref<8xi32, #tpu.memory_space<vmem>>) semaphore(%arg9 : memref<!tpu.dma_semaphore, #tpu.memory_space<semaphore_mem>>)
    %add3A_258 = arith.constant 88 : i32
    %add3A_259 = arith.addi %mul3A_2, %add3A_258 : i32
    %dma_start3A_260 = arith.constant 0 : i32
    %dma_start3A_261 = tpu.memref_slice %arg2[%add3A_259, %dma_start3A_260] : memref<8192x4096xf32, #tpu.memory_space<hbm>> -> memref<8x4096xf32, #tpu.memory_space<hbm>>
    %dma_start3A_262 = arith.constant 0 : i32
    %dma_start3A_263 = tpu.memref_slice %arg2[%add3A_259, %dma_start3A_262] : memref<8192x4096xf32, #tpu.memory_space<hbm>> -> memref<8x4096xf32, #tpu.memory_space<hbm>>
    tpu.enqueue_dma source(%dma_start3A_263 : memref<8x4096xf32, #tpu.memory_space<hbm>>) target(%arg7 : memref<8x4096xf32, #tpu.memory_space<vmem>>) target_semaphore(%arg8 : memref<!tpu.dma_semaphore, #tpu.memory_space<semaphore_mem>>)
    %dma_wait3A_264 = arith.constant 10 : i32
    %dma_wait3A_265 = arith.constant 0 : i32
    %dma_wait3A_266 = tpu.memref_slice %arg5[%dma_wait3A_264, %dma_wait3A_265] : memref<32x8xi32, #tpu.memory_space<vmem>> -> memref<1x8xi32, #tpu.memory_space<vmem>>
    %dma_wait3A_267 = tpu.memref_squeeze %dma_wait3A_266 : memref<1x8xi32, #tpu.memory_space<vmem>> -> memref<8xi32, #tpu.memory_space<vmem>>
    %dma_wait3A_268 = arith.constant 0 : i32
    %dma_wait3A_269 = arith.constant 0 : i32
    %dma_wait3A_270 = tpu.memref_slice %arg4[%dma_wait3A_268, %dma_wait3A_269] : memref<8192x4096xf32, #tpu.memory_space<hbm>> -> memref<8192x4096xf32, #tpu.memory_space<hbm>>
    tpu.wait_indirect_dma semaphore(%arg9 : memref<!tpu.dma_semaphore, #tpu.memory_space<semaphore_mem>>) src(%arg6 : memref<8x4096xf32, #tpu.memory_space<vmem>>) dst(%dma_wait3A_270 : memref<8192x4096xf32, #tpu.memory_space<hbm>>)
    %dma_wait3A_271 = arith.constant 0 : i32
    %dma_wait3A_272 = tpu.memref_slice %arg2[%add3A_259, %dma_wait3A_271] : memref<8192x4096xf32, #tpu.memory_space<hbm>> -> memref<8x4096xf32, #tpu.memory_space<hbm>>
    %dma_wait3A_273 = arith.constant 0 : i32
    %dma_wait3A_274 = tpu.memref_slice %arg2[%add3A_259, %dma_wait3A_273] : memref<8192x4096xf32, #tpu.memory_space<hbm>> -> memref<8x4096xf32, #tpu.memory_space<hbm>>
    tpu.wait_dma2 semaphore(%arg8 : memref<!tpu.dma_semaphore, #tpu.memory_space<semaphore_mem>>) src(%dma_wait3A_274 : memref<8x4096xf32, #tpu.memory_space<hbm>>) dst(%arg7 : memref<8x4096xf32, #tpu.memory_space<vmem>>)
    %dma_start3A_275 = arith.constant 11 : i32
    %dma_start3A_276 = arith.constant 0 : i32
    %dma_start3A_277 = tpu.memref_slice %arg5[%dma_start3A_275, %dma_start3A_276] : memref<32x8xi32, #tpu.memory_space<vmem>> -> memref<1x8xi32, #tpu.memory_space<vmem>>
    %dma_start3A_278 = tpu.memref_squeeze %dma_start3A_277 : memref<1x8xi32, #tpu.memory_space<vmem>> -> memref<8xi32, #tpu.memory_space<vmem>>
    %dma_start3A_279 = arith.constant 0 : i32
    %dma_start3A_280 = arith.constant 0 : i32
    %dma_start3A_281 = tpu.memref_slice %arg4[%dma_start3A_279, %dma_start3A_280] : memref<8192x4096xf32, #tpu.memory_space<hbm>> -> memref<8192x4096xf32, #tpu.memory_space<hbm>>
    tpu.enqueue_indirect_dma source(%arg7 : memref<8x4096xf32, #tpu.memory_space<vmem>>) target(%dma_start3A_281 : memref<8192x4096xf32, #tpu.memory_space<hbm>>) offsets(%dma_start3A_278 : memref<8xi32, #tpu.memory_space<vmem>>) semaphore(%arg10 : memref<!tpu.dma_semaphore, #tpu.memory_space<semaphore_mem>>)
    %add3A_282 = arith.constant 96 : i32
    %add3A_283 = arith.addi %mul3A_2, %add3A_282 : i32
    %dma_start3A_284 = arith.constant 0 : i32
    %dma_start3A_285 = tpu.memref_slice %arg2[%add3A_283, %dma_start3A_284] : memref<8192x4096xf32, #tpu.memory_space<hbm>> -> memref<8x4096xf32, #tpu.memory_space<hbm>>
    %dma_start3A_286 = arith.constant 0 : i32
    %dma_start3A_287 = tpu.memref_slice %arg2[%add3A_283, %dma_start3A_286] : memref<8192x4096xf32, #tpu.memory_space<hbm>> -> memref<8x4096xf32, #tpu.memory_space<hbm>>
    tpu.enqueue_dma source(%dma_start3A_287 : memref<8x4096xf32, #tpu.memory_space<hbm>>) target(%arg6 : memref<8x4096xf32, #tpu.memory_space<vmem>>) target_semaphore(%arg8 : memref<!tpu.dma_semaphore, #tpu.memory_space<semaphore_mem>>)
    %dma_wait3A_288 = arith.constant 11 : i32
    %dma_wait3A_289 = arith.constant 0 : i32
    %dma_wait3A_290 = tpu.memref_slice %arg5[%dma_wait3A_288, %dma_wait3A_289] : memref<32x8xi32, #tpu.memory_space<vmem>> -> memref<1x8xi32, #tpu.memory_space<vmem>>
    %dma_wait3A_291 = tpu.memref_squeeze %dma_wait3A_290 : memref<1x8xi32, #tpu.memory_space<vmem>> -> memref<8xi32, #tpu.memory_space<vmem>>
    %dma_wait3A_292 = arith.constant 0 : i32
    %dma_wait3A_293 = arith.constant 0 : i32
    %dma_wait3A_294 = tpu.memref_slice %arg4[%dma_wait3A_292, %dma_wait3A_293] : memref<8192x4096xf32, #tpu.memory_space<hbm>> -> memref<8192x4096xf32, #tpu.memory_space<hbm>>
    tpu.wait_indirect_dma semaphore(%arg10 : memref<!tpu.dma_semaphore, #tpu.memory_space<semaphore_mem>>) src(%arg7 : memref<8x4096xf32, #tpu.memory_space<vmem>>) dst(%dma_wait3A_294 : memref<8192x4096xf32, #tpu.memory_space<hbm>>)
    %dma_wait3A_295 = arith.constant 0 : i32
    %dma_wait3A_296 = tpu.memref_slice %arg2[%add3A_283, %dma_wait3A_295] : memref<8192x4096xf32, #tpu.memory_space<hbm>> -> memref<8x4096xf32, #tpu.memory_space<hbm>>
    %dma_wait3A_297 = arith.constant 0 : i32
    %dma_wait3A_298 = tpu.memref_slice %arg2[%add3A_283, %dma_wait3A_297] : memref<8192x4096xf32, #tpu.memory_space<hbm>> -> memref<8x4096xf32, #tpu.memory_space<hbm>>
    tpu.wait_dma2 semaphore(%arg8 : memref<!tpu.dma_semaphore, #tpu.memory_space<semaphore_mem>>) src(%dma_wait3A_298 : memref<8x4096xf32, #tpu.memory_space<hbm>>) dst(%arg6 : memref<8x4096xf32, #tpu.memory_space<vmem>>)
    %dma_start3A_299 = arith.constant 12 : i32
    %dma_start3A_300 = arith.constant 0 : i32
    %dma_start3A_301 = tpu.memref_slice %arg5[%dma_start3A_299, %dma_start3A_300] : memref<32x8xi32, #tpu.memory_space<vmem>> -> memref<1x8xi32, #tpu.memory_space<vmem>>
    %dma_start3A_302 = tpu.memref_squeeze %dma_start3A_301 : memref<1x8xi32, #tpu.memory_space<vmem>> -> memref<8xi32, #tpu.memory_space<vmem>>
    %dma_start3A_303 = arith.constant 0 : i32
    %dma_start3A_304 = arith.constant 0 : i32
    %dma_start3A_305 = tpu.memref_slice %arg4[%dma_start3A_303, %dma_start3A_304] : memref<8192x4096xf32, #tpu.memory_space<hbm>> -> memref<8192x4096xf32, #tpu.memory_space<hbm>>
    tpu.enqueue_indirect_dma source(%arg6 : memref<8x4096xf32, #tpu.memory_space<vmem>>) target(%dma_start3A_305 : memref<8192x4096xf32, #tpu.memory_space<hbm>>) offsets(%dma_start3A_302 : memref<8xi32, #tpu.memory_space<vmem>>) semaphore(%arg9 : memref<!tpu.dma_semaphore, #tpu.memory_space<semaphore_mem>>)
    %add3A_306 = arith.constant 104 : i32
    %add3A_307 = arith.addi %mul3A_2, %add3A_306 : i32
    %dma_start3A_308 = arith.constant 0 : i32
    %dma_start3A_309 = tpu.memref_slice %arg2[%add3A_307, %dma_start3A_308] : memref<8192x4096xf32, #tpu.memory_space<hbm>> -> memref<8x4096xf32, #tpu.memory_space<hbm>>
    %dma_start3A_310 = arith.constant 0 : i32
    %dma_start3A_311 = tpu.memref_slice %arg2[%add3A_307, %dma_start3A_310] : memref<8192x4096xf32, #tpu.memory_space<hbm>> -> memref<8x4096xf32, #tpu.memory_space<hbm>>
    tpu.enqueue_dma source(%dma_start3A_311 : memref<8x4096xf32, #tpu.memory_space<hbm>>) target(%arg7 : memref<8x4096xf32, #tpu.memory_space<vmem>>) target_semaphore(%arg8 : memref<!tpu.dma_semaphore, #tpu.memory_space<semaphore_mem>>)
    %dma_wait3A_312 = arith.constant 12 : i32
    %dma_wait3A_313 = arith.constant 0 : i32
    %dma_wait3A_314 = tpu.memref_slice %arg5[%dma_wait3A_312, %dma_wait3A_313] : memref<32x8xi32, #tpu.memory_space<vmem>> -> memref<1x8xi32, #tpu.memory_space<vmem>>
    %dma_wait3A_315 = tpu.memref_squeeze %dma_wait3A_314 : memref<1x8xi32, #tpu.memory_space<vmem>> -> memref<8xi32, #tpu.memory_space<vmem>>
    %dma_wait3A_316 = arith.constant 0 : i32
    %dma_wait3A_317 = arith.constant 0 : i32
    %dma_wait3A_318 = tpu.memref_slice %arg4[%dma_wait3A_316, %dma_wait3A_317] : memref<8192x4096xf32, #tpu.memory_space<hbm>> -> memref<8192x4096xf32, #tpu.memory_space<hbm>>
    tpu.wait_indirect_dma semaphore(%arg9 : memref<!tpu.dma_semaphore, #tpu.memory_space<semaphore_mem>>) src(%arg6 : memref<8x4096xf32, #tpu.memory_space<vmem>>) dst(%dma_wait3A_318 : memref<8192x4096xf32, #tpu.memory_space<hbm>>)
    %dma_wait3A_319 = arith.constant 0 : i32
    %dma_wait3A_320 = tpu.memref_slice %arg2[%add3A_307, %dma_wait3A_319] : memref<8192x4096xf32, #tpu.memory_space<hbm>> -> memref<8x4096xf32, #tpu.memory_space<hbm>>
    %dma_wait3A_321 = arith.constant 0 : i32
    %dma_wait3A_322 = tpu.memref_slice %arg2[%add3A_307, %dma_wait3A_321] : memref<8192x4096xf32, #tpu.memory_space<hbm>> -> memref<8x4096xf32, #tpu.memory_space<hbm>>
    tpu.wait_dma2 semaphore(%arg8 : memref<!tpu.dma_semaphore, #tpu.memory_space<semaphore_mem>>) src(%dma_wait3A_322 : memref<8x4096xf32, #tpu.memory_space<hbm>>) dst(%arg7 : memref<8x4096xf32, #tpu.memory_space<vmem>>)
    %dma_start3A_323 = arith.constant 13 : i32
    %dma_start3A_324 = arith.constant 0 : i32
    %dma_start3A_325 = tpu.memref_slice %arg5[%dma_start3A_323, %dma_start3A_324] : memref<32x8xi32, #tpu.memory_space<vmem>> -> memref<1x8xi32, #tpu.memory_space<vmem>>
    %dma_start3A_326 = tpu.memref_squeeze %dma_start3A_325 : memref<1x8xi32, #tpu.memory_space<vmem>> -> memref<8xi32, #tpu.memory_space<vmem>>
    %dma_start3A_327 = arith.constant 0 : i32
    %dma_start3A_328 = arith.constant 0 : i32
    %dma_start3A_329 = tpu.memref_slice %arg4[%dma_start3A_327, %dma_start3A_328] : memref<8192x4096xf32, #tpu.memory_space<hbm>> -> memref<8192x4096xf32, #tpu.memory_space<hbm>>
    tpu.enqueue_indirect_dma source(%arg7 : memref<8x4096xf32, #tpu.memory_space<vmem>>) target(%dma_start3A_329 : memref<8192x4096xf32, #tpu.memory_space<hbm>>) offsets(%dma_start3A_326 : memref<8xi32, #tpu.memory_space<vmem>>) semaphore(%arg10 : memref<!tpu.dma_semaphore, #tpu.memory_space<semaphore_mem>>)
    %add3A_330 = arith.constant 112 : i32
    %add3A_331 = arith.addi %mul3A_2, %add3A_330 : i32
    %dma_start3A_332 = arith.constant 0 : i32
    %dma_start3A_333 = tpu.memref_slice %arg2[%add3A_331, %dma_start3A_332] : memref<8192x4096xf32, #tpu.memory_space<hbm>> -> memref<8x4096xf32, #tpu.memory_space<hbm>>
    %dma_start3A_334 = arith.constant 0 : i32
    %dma_start3A_335 = tpu.memref_slice %arg2[%add3A_331, %dma_start3A_334] : memref<8192x4096xf32, #tpu.memory_space<hbm>> -> memref<8x4096xf32, #tpu.memory_space<hbm>>
    tpu.enqueue_dma source(%dma_start3A_335 : memref<8x4096xf32, #tpu.memory_space<hbm>>) target(%arg6 : memref<8x4096xf32, #tpu.memory_space<vmem>>) target_semaphore(%arg8 : memref<!tpu.dma_semaphore, #tpu.memory_space<semaphore_mem>>)
    %dma_wait3A_336 = arith.constant 13 : i32
    %dma_wait3A_337 = arith.constant 0 : i32
    %dma_wait3A_338 = tpu.memref_slice %arg5[%dma_wait3A_336, %dma_wait3A_337] : memref<32x8xi32, #tpu.memory_space<vmem>> -> memref<1x8xi32, #tpu.memory_space<vmem>>
    %dma_wait3A_339 = tpu.memref_squeeze %dma_wait3A_338 : memref<1x8xi32, #tpu.memory_space<vmem>> -> memref<8xi32, #tpu.memory_space<vmem>>
    %dma_wait3A_340 = arith.constant 0 : i32
    %dma_wait3A_341 = arith.constant 0 : i32
    %dma_wait3A_342 = tpu.memref_slice %arg4[%dma_wait3A_340, %dma_wait3A_341] : memref<8192x4096xf32, #tpu.memory_space<hbm>> -> memref<8192x4096xf32, #tpu.memory_space<hbm>>
    tpu.wait_indirect_dma semaphore(%arg10 : memref<!tpu.dma_semaphore, #tpu.memory_space<semaphore_mem>>) src(%arg7 : memref<8x4096xf32, #tpu.memory_space<vmem>>) dst(%dma_wait3A_342 : memref<8192x4096xf32, #tpu.memory_space<hbm>>)
    %dma_wait3A_343 = arith.constant 0 : i32
    %dma_wait3A_344 = tpu.memref_slice %arg2[%add3A_331, %dma_wait3A_343] : memref<8192x4096xf32, #tpu.memory_space<hbm>> -> memref<8x4096xf32, #tpu.memory_space<hbm>>
    %dma_wait3A_345 = arith.constant 0 : i32
    %dma_wait3A_346 = tpu.memref_slice %arg2[%add3A_331, %dma_wait3A_345] : memref<8192x4096xf32, #tpu.memory_space<hbm>> -> memref<8x4096xf32, #tpu.memory_space<hbm>>
    tpu.wait_dma2 semaphore(%arg8 : memref<!tpu.dma_semaphore, #tpu.memory_space<semaphore_mem>>) src(%dma_wait3A_346 : memref<8x4096xf32, #tpu.memory_space<hbm>>) dst(%arg6 : memref<8x4096xf32, #tpu.memory_space<vmem>>)
    %dma_start3A_347 = arith.constant 14 : i32
    %dma_start3A_348 = arith.constant 0 : i32
    %dma_start3A_349 = tpu.memref_slice %arg5[%dma_start3A_347, %dma_start3A_348] : memref<32x8xi32, #tpu.memory_space<vmem>> -> memref<1x8xi32, #tpu.memory_space<vmem>>
    %dma_start3A_350 = tpu.memref_squeeze %dma_start3A_349 : memref<1x8xi32, #tpu.memory_space<vmem>> -> memref<8xi32, #tpu.memory_space<vmem>>
    %dma_start3A_351 = arith.constant 0 : i32
    %dma_start3A_352 = arith.constant 0 : i32
    %dma_start3A_353 = tpu.memref_slice %arg4[%dma_start3A_351, %dma_start3A_352] : memref<8192x4096xf32, #tpu.memory_space<hbm>> -> memref<8192x4096xf32, #tpu.memory_space<hbm>>
    tpu.enqueue_indirect_dma source(%arg6 : memref<8x4096xf32, #tpu.memory_space<vmem>>) target(%dma_start3A_353 : memref<8192x4096xf32, #tpu.memory_space<hbm>>) offsets(%dma_start3A_350 : memref<8xi32, #tpu.memory_space<vmem>>) semaphore(%arg9 : memref<!tpu.dma_semaphore, #tpu.memory_space<semaphore_mem>>)
    %add3A_354 = arith.constant 120 : i32
    %add3A_355 = arith.addi %mul3A_2, %add3A_354 : i32
    %dma_start3A_356 = arith.constant 0 : i32
    %dma_start3A_357 = tpu.memref_slice %arg2[%add3A_355, %dma_start3A_356] : memref<8192x4096xf32, #tpu.memory_space<hbm>> -> memref<8x4096xf32, #tpu.memory_space<hbm>>
    %dma_start3A_358 = arith.constant 0 : i32
    %dma_start3A_359 = tpu.memref_slice %arg2[%add3A_355, %dma_start3A_358] : memref<8192x4096xf32, #tpu.memory_space<hbm>> -> memref<8x4096xf32, #tpu.memory_space<hbm>>
    tpu.enqueue_dma source(%dma_start3A_359 : memref<8x4096xf32, #tpu.memory_space<hbm>>) target(%arg7 : memref<8x4096xf32, #tpu.memory_space<vmem>>) target_semaphore(%arg8 : memref<!tpu.dma_semaphore, #tpu.memory_space<semaphore_mem>>)
    %dma_wait3A_360 = arith.constant 14 : i32
    %dma_wait3A_361 = arith.constant 0 : i32
    %dma_wait3A_362 = tpu.memref_slice %arg5[%dma_wait3A_360, %dma_wait3A_361] : memref<32x8xi32, #tpu.memory_space<vmem>> -> memref<1x8xi32, #tpu.memory_space<vmem>>
    %dma_wait3A_363 = tpu.memref_squeeze %dma_wait3A_362 : memref<1x8xi32, #tpu.memory_space<vmem>> -> memref<8xi32, #tpu.memory_space<vmem>>
    %dma_wait3A_364 = arith.constant 0 : i32
    %dma_wait3A_365 = arith.constant 0 : i32
    %dma_wait3A_366 = tpu.memref_slice %arg4[%dma_wait3A_364, %dma_wait3A_365] : memref<8192x4096xf32, #tpu.memory_space<hbm>> -> memref<8192x4096xf32, #tpu.memory_space<hbm>>
    tpu.wait_indirect_dma semaphore(%arg9 : memref<!tpu.dma_semaphore, #tpu.memory_space<semaphore_mem>>) src(%arg6 : memref<8x4096xf32, #tpu.memory_space<vmem>>) dst(%dma_wait3A_366 : memref<8192x4096xf32, #tpu.memory_space<hbm>>)
    %dma_wait3A_367 = arith.constant 0 : i32
    %dma_wait3A_368 = tpu.memref_slice %arg2[%add3A_355, %dma_wait3A_367] : memref<8192x4096xf32, #tpu.memory_space<hbm>> -> memref<8x4096xf32, #tpu.memory_space<hbm>>
    %dma_wait3A_369 = arith.constant 0 : i32
    %dma_wait3A_370 = tpu.memref_slice %arg2[%add3A_355, %dma_wait3A_369] : memref<8192x4096xf32, #tpu.memory_space<hbm>> -> memref<8x4096xf32, #tpu.memory_space<hbm>>
    tpu.wait_dma2 semaphore(%arg8 : memref<!tpu.dma_semaphore, #tpu.memory_space<semaphore_mem>>) src(%dma_wait3A_370 : memref<8x4096xf32, #tpu.memory_space<hbm>>) dst(%arg7 : memref<8x4096xf32, #tpu.memory_space<vmem>>)
    %dma_start3A_371 = arith.constant 15 : i32
    %dma_start3A_372 = arith.constant 0 : i32
    %dma_start3A_373 = tpu.memref_slice %arg5[%dma_start3A_371, %dma_start3A_372] : memref<32x8xi32, #tpu.memory_space<vmem>> -> memref<1x8xi32, #tpu.memory_space<vmem>>
    %dma_start3A_374 = tpu.memref_squeeze %dma_start3A_373 : memref<1x8xi32, #tpu.memory_space<vmem>> -> memref<8xi32, #tpu.memory_space<vmem>>
    %dma_start3A_375 = arith.constant 0 : i32
    %dma_start3A_376 = arith.constant 0 : i32
    %dma_start3A_377 = tpu.memref_slice %arg4[%dma_start3A_375, %dma_start3A_376] : memref<8192x4096xf32, #tpu.memory_space<hbm>> -> memref<8192x4096xf32, #tpu.memory_space<hbm>>
    tpu.enqueue_indirect_dma source(%arg7 : memref<8x4096xf32, #tpu.memory_space<vmem>>) target(%dma_start3A_377 : memref<8192x4096xf32, #tpu.memory_space<hbm>>) offsets(%dma_start3A_374 : memref<8xi32, #tpu.memory_space<vmem>>) semaphore(%arg10 : memref<!tpu.dma_semaphore, #tpu.memory_space<semaphore_mem>>)
    %add3A_378 = arith.constant 128 : i32
    %add3A_379 = arith.addi %mul3A_2, %add3A_378 : i32
    %dma_start3A_380 = arith.constant 0 : i32
    %dma_start3A_381 = tpu.memref_slice %arg2[%add3A_379, %dma_start3A_380] : memref<8192x4096xf32, #tpu.memory_space<hbm>> -> memref<8x4096xf32, #tpu.memory_space<hbm>>
    %dma_start3A_382 = arith.constant 0 : i32
    %dma_start3A_383 = tpu.memref_slice %arg2[%add3A_379, %dma_start3A_382] : memref<8192x4096xf32, #tpu.memory_space<hbm>> -> memref<8x4096xf32, #tpu.memory_space<hbm>>
    tpu.enqueue_dma source(%dma_start3A_383 : memref<8x4096xf32, #tpu.memory_space<hbm>>) target(%arg6 : memref<8x4096xf32, #tpu.memory_space<vmem>>) target_semaphore(%arg8 : memref<!tpu.dma_semaphore, #tpu.memory_space<semaphore_mem>>)
    %dma_wait3A_384 = arith.constant 15 : i32
    %dma_wait3A_385 = arith.constant 0 : i32
    %dma_wait3A_386 = tpu.memref_slice %arg5[%dma_wait3A_384, %dma_wait3A_385] : memref<32x8xi32, #tpu.memory_space<vmem>> -> memref<1x8xi32, #tpu.memory_space<vmem>>
    %dma_wait3A_387 = tpu.memref_squeeze %dma_wait3A_386 : memref<1x8xi32, #tpu.memory_space<vmem>> -> memref<8xi32, #tpu.memory_space<vmem>>
    %dma_wait3A_388 = arith.constant 0 : i32
    %dma_wait3A_389 = arith.constant 0 : i32
    %dma_wait3A_390 = tpu.memref_slice %arg4[%dma_wait3A_388, %dma_wait3A_389] : memref<8192x4096xf32, #tpu.memory_space<hbm>> -> memref<8192x4096xf32, #tpu.memory_space<hbm>>
    tpu.wait_indirect_dma semaphore(%arg10 : memref<!tpu.dma_semaphore, #tpu.memory_space<semaphore_mem>>) src(%arg7 : memref<8x4096xf32, #tpu.memory_space<vmem>>) dst(%dma_wait3A_390 : memref<8192x4096xf32, #tpu.memory_space<hbm>>)
    %dma_wait3A_391 = arith.constant 0 : i32
    %dma_wait3A_392 = tpu.memref_slice %arg2[%add3A_379, %dma_wait3A_391] : memref<8192x4096xf32, #tpu.memory_space<hbm>> -> memref<8x4096xf32, #tpu.memory_space<hbm>>
    %dma_wait3A_393 = arith.constant 0 : i32
    %dma_wait3A_394 = tpu.memref_slice %arg2[%add3A_379, %dma_wait3A_393] : memref<8192x4096xf32, #tpu.memory_space<hbm>> -> memref<8x4096xf32, #tpu.memory_space<hbm>>
    tpu.wait_dma2 semaphore(%arg8 : memref<!tpu.dma_semaphore, #tpu.memory_space<semaphore_mem>>) src(%dma_wait3A_394 : memref<8x4096xf32, #tpu.memory_space<hbm>>) dst(%arg6 : memref<8x4096xf32, #tpu.memory_space<vmem>>)
    %dma_start3A_395 = arith.constant 16 : i32
    %dma_start3A_396 = arith.constant 0 : i32
    %dma_start3A_397 = tpu.memref_slice %arg5[%dma_start3A_395, %dma_start3A_396] : memref<32x8xi32, #tpu.memory_space<vmem>> -> memref<1x8xi32, #tpu.memory_space<vmem>>
    %dma_start3A_398 = tpu.memref_squeeze %dma_start3A_397 : memref<1x8xi32, #tpu.memory_space<vmem>> -> memref<8xi32, #tpu.memory_space<vmem>>
    %dma_start3A_399 = arith.constant 0 : i32
    %dma_start3A_400 = arith.constant 0 : i32
    %dma_start3A_401 = tpu.memref_slice %arg4[%dma_start3A_399, %dma_start3A_400] : memref<8192x4096xf32, #tpu.memory_space<hbm>> -> memref<8192x4096xf32, #tpu.memory_space<hbm>>
    tpu.enqueue_indirect_dma source(%arg6 : memref<8x4096xf32, #tpu.memory_space<vmem>>) target(%dma_start3A_401 : memref<8192x4096xf32, #tpu.memory_space<hbm>>) offsets(%dma_start3A_398 : memref<8xi32, #tpu.memory_space<vmem>>) semaphore(%arg9 : memref<!tpu.dma_semaphore, #tpu.memory_space<semaphore_mem>>)
    %add3A_402 = arith.constant 136 : i32
    %add3A_403 = arith.addi %mul3A_2, %add3A_402 : i32
    %dma_start3A_404 = arith.constant 0 : i32
    %dma_start3A_405 = tpu.memref_slice %arg2[%add3A_403, %dma_start3A_404] : memref<8192x4096xf32, #tpu.memory_space<hbm>> -> memref<8x4096xf32, #tpu.memory_space<hbm>>
    %dma_start3A_406 = arith.constant 0 : i32
    %dma_start3A_407 = tpu.memref_slice %arg2[%add3A_403, %dma_start3A_406] : memref<8192x4096xf32, #tpu.memory_space<hbm>> -> memref<8x4096xf32, #tpu.memory_space<hbm>>
    tpu.enqueue_dma source(%dma_start3A_407 : memref<8x4096xf32, #tpu.memory_space<hbm>>) target(%arg7 : memref<8x4096xf32, #tpu.memory_space<vmem>>) target_semaphore(%arg8 : memref<!tpu.dma_semaphore, #tpu.memory_space<semaphore_mem>>)
    %dma_wait3A_408 = arith.constant 16 : i32
    %dma_wait3A_409 = arith.constant 0 : i32
    %dma_wait3A_410 = tpu.memref_slice %arg5[%dma_wait3A_408, %dma_wait3A_409] : memref<32x8xi32, #tpu.memory_space<vmem>> -> memref<1x8xi32, #tpu.memory_space<vmem>>
    %dma_wait3A_411 = tpu.memref_squeeze %dma_wait3A_410 : memref<1x8xi32, #tpu.memory_space<vmem>> -> memref<8xi32, #tpu.memory_space<vmem>>
    %dma_wait3A_412 = arith.constant 0 : i32
    %dma_wait3A_413 = arith.constant 0 : i32
    %dma_wait3A_414 = tpu.memref_slice %arg4[%dma_wait3A_412, %dma_wait3A_413] : memref<8192x4096xf32, #tpu.memory_space<hbm>> -> memref<8192x4096xf32, #tpu.memory_space<hbm>>
    tpu.wait_indirect_dma semaphore(%arg9 : memref<!tpu.dma_semaphore, #tpu.memory_space<semaphore_mem>>) src(%arg6 : memref<8x4096xf32, #tpu.memory_space<vmem>>) dst(%dma_wait3A_414 : memref<8192x4096xf32, #tpu.memory_space<hbm>>)
    %dma_wait3A_415 = arith.constant 0 : i32
    %dma_wait3A_416 = tpu.memref_slice %arg2[%add3A_403, %dma_wait3A_415] : memref<8192x4096xf32, #tpu.memory_space<hbm>> -> memref<8x4096xf32, #tpu.memory_space<hbm>>
    %dma_wait3A_417 = arith.constant 0 : i32
    %dma_wait3A_418 = tpu.memref_slice %arg2[%add3A_403, %dma_wait3A_417] : memref<8192x4096xf32, #tpu.memory_space<hbm>> -> memref<8x4096xf32, #tpu.memory_space<hbm>>
    tpu.wait_dma2 semaphore(%arg8 : memref<!tpu.dma_semaphore, #tpu.memory_space<semaphore_mem>>) src(%dma_wait3A_418 : memref<8x4096xf32, #tpu.memory_space<hbm>>) dst(%arg7 : memref<8x4096xf32, #tpu.memory_space<vmem>>)
    %dma_start3A_419 = arith.constant 17 : i32
    %dma_start3A_420 = arith.constant 0 : i32
    %dma_start3A_421 = tpu.memref_slice %arg5[%dma_start3A_419, %dma_start3A_420] : memref<32x8xi32, #tpu.memory_space<vmem>> -> memref<1x8xi32, #tpu.memory_space<vmem>>
    %dma_start3A_422 = tpu.memref_squeeze %dma_start3A_421 : memref<1x8xi32, #tpu.memory_space<vmem>> -> memref<8xi32, #tpu.memory_space<vmem>>
    %dma_start3A_423 = arith.constant 0 : i32
    %dma_start3A_424 = arith.constant 0 : i32
    %dma_start3A_425 = tpu.memref_slice %arg4[%dma_start3A_423, %dma_start3A_424] : memref<8192x4096xf32, #tpu.memory_space<hbm>> -> memref<8192x4096xf32, #tpu.memory_space<hbm>>
    tpu.enqueue_indirect_dma source(%arg7 : memref<8x4096xf32, #tpu.memory_space<vmem>>) target(%dma_start3A_425 : memref<8192x4096xf32, #tpu.memory_space<hbm>>) offsets(%dma_start3A_422 : memref<8xi32, #tpu.memory_space<vmem>>) semaphore(%arg10 : memref<!tpu.dma_semaphore, #tpu.memory_space<semaphore_mem>>)
    %add3A_426 = arith.constant 144 : i32
    %add3A_427 = arith.addi %mul3A_2, %add3A_426 : i32
    %dma_start3A_428 = arith.constant 0 : i32
    %dma_start3A_429 = tpu.memref_slice %arg2[%add3A_427, %dma_start3A_428] : memref<8192x4096xf32, #tpu.memory_space<hbm>> -> memref<8x4096xf32, #tpu.memory_space<hbm>>
    %dma_start3A_430 = arith.constant 0 : i32
    %dma_start3A_431 = tpu.memref_slice %arg2[%add3A_427, %dma_start3A_430] : memref<8192x4096xf32, #tpu.memory_space<hbm>> -> memref<8x4096xf32, #tpu.memory_space<hbm>>
    tpu.enqueue_dma source(%dma_start3A_431 : memref<8x4096xf32, #tpu.memory_space<hbm>>) target(%arg6 : memref<8x4096xf32, #tpu.memory_space<vmem>>) target_semaphore(%arg8 : memref<!tpu.dma_semaphore, #tpu.memory_space<semaphore_mem>>)
    %dma_wait3A_432 = arith.constant 17 : i32
    %dma_wait3A_433 = arith.constant 0 : i32
    %dma_wait3A_434 = tpu.memref_slice %arg5[%dma_wait3A_432, %dma_wait3A_433] : memref<32x8xi32, #tpu.memory_space<vmem>> -> memref<1x8xi32, #tpu.memory_space<vmem>>
    %dma_wait3A_435 = tpu.memref_squeeze %dma_wait3A_434 : memref<1x8xi32, #tpu.memory_space<vmem>> -> memref<8xi32, #tpu.memory_space<vmem>>
    %dma_wait3A_436 = arith.constant 0 : i32
    %dma_wait3A_437 = arith.constant 0 : i32
    %dma_wait3A_438 = tpu.memref_slice %arg4[%dma_wait3A_436, %dma_wait3A_437] : memref<8192x4096xf32, #tpu.memory_space<hbm>> -> memref<8192x4096xf32, #tpu.memory_space<hbm>>
    tpu.wait_indirect_dma semaphore(%arg10 : memref<!tpu.dma_semaphore, #tpu.memory_space<semaphore_mem>>) src(%arg7 : memref<8x4096xf32, #tpu.memory_space<vmem>>) dst(%dma_wait3A_438 : memref<8192x4096xf32, #tpu.memory_space<hbm>>)
    %dma_wait3A_439 = arith.constant 0 : i32
    %dma_wait3A_440 = tpu.memref_slice %arg2[%add3A_427, %dma_wait3A_439] : memref<8192x4096xf32, #tpu.memory_space<hbm>> -> memref<8x4096xf32, #tpu.memory_space<hbm>>
    %dma_wait3A_441 = arith.constant 0 : i32
    %dma_wait3A_442 = tpu.memref_slice %arg2[%add3A_427, %dma_wait3A_441] : memref<8192x4096xf32, #tpu.memory_space<hbm>> -> memref<8x4096xf32, #tpu.memory_space<hbm>>
    tpu.wait_dma2 semaphore(%arg8 : memref<!tpu.dma_semaphore, #tpu.memory_space<semaphore_mem>>) src(%dma_wait3A_442 : memref<8x4096xf32, #tpu.memory_space<hbm>>) dst(%arg6 : memref<8x4096xf32, #tpu.memory_space<vmem>>)
    %dma_start3A_443 = arith.constant 18 : i32
    %dma_start3A_444 = arith.constant 0 : i32
    %dma_start3A_445 = tpu.memref_slice %arg5[%dma_start3A_443, %dma_start3A_444] : memref<32x8xi32, #tpu.memory_space<vmem>> -> memref<1x8xi32, #tpu.memory_space<vmem>>
    %dma_start3A_446 = tpu.memref_squeeze %dma_start3A_445 : memref<1x8xi32, #tpu.memory_space<vmem>> -> memref<8xi32, #tpu.memory_space<vmem>>
    %dma_start3A_447 = arith.constant 0 : i32
    %dma_start3A_448 = arith.constant 0 : i32
    %dma_start3A_449 = tpu.memref_slice %arg4[%dma_start3A_447, %dma_start3A_448] : memref<8192x4096xf32, #tpu.memory_space<hbm>> -> memref<8192x4096xf32, #tpu.memory_space<hbm>>
    tpu.enqueue_indirect_dma source(%arg6 : memref<8x4096xf32, #tpu.memory_space<vmem>>) target(%dma_start3A_449 : memref<8192x4096xf32, #tpu.memory_space<hbm>>) offsets(%dma_start3A_446 : memref<8xi32, #tpu.memory_space<vmem>>) semaphore(%arg9 : memref<!tpu.dma_semaphore, #tpu.memory_space<semaphore_mem>>)
    %add3A_450 = arith.constant 152 : i32
    %add3A_451 = arith.addi %mul3A_2, %add3A_450 : i32
    %dma_start3A_452 = arith.constant 0 : i32
    %dma_start3A_453 = tpu.memref_slice %arg2[%add3A_451, %dma_start3A_452] : memref<8192x4096xf32, #tpu.memory_space<hbm>> -> memref<8x4096xf32, #tpu.memory_space<hbm>>
    %dma_start3A_454 = arith.constant 0 : i32
    %dma_start3A_455 = tpu.memref_slice %arg2[%add3A_451, %dma_start3A_454] : memref<8192x4096xf32, #tpu.memory_space<hbm>> -> memref<8x4096xf32, #tpu.memory_space<hbm>>
    tpu.enqueue_dma source(%dma_start3A_455 : memref<8x4096xf32, #tpu.memory_space<hbm>>) target(%arg7 : memref<8x4096xf32, #tpu.memory_space<vmem>>) target_semaphore(%arg8 : memref<!tpu.dma_semaphore, #tpu.memory_space<semaphore_mem>>)
    %dma_wait3A_456 = arith.constant 18 : i32
    %dma_wait3A_457 = arith.constant 0 : i32
    %dma_wait3A_458 = tpu.memref_slice %arg5[%dma_wait3A_456, %dma_wait3A_457] : memref<32x8xi32, #tpu.memory_space<vmem>> -> memref<1x8xi32, #tpu.memory_space<vmem>>
    %dma_wait3A_459 = tpu.memref_squeeze %dma_wait3A_458 : memref<1x8xi32, #tpu.memory_space<vmem>> -> memref<8xi32, #tpu.memory_space<vmem>>
    %dma_wait3A_460 = arith.constant 0 : i32
    %dma_wait3A_461 = arith.constant 0 : i32
    %dma_wait3A_462 = tpu.memref_slice %arg4[%dma_wait3A_460, %dma_wait3A_461] : memref<8192x4096xf32, #tpu.memory_space<hbm>> -> memref<8192x4096xf32, #tpu.memory_space<hbm>>
    tpu.wait_indirect_dma semaphore(%arg9 : memref<!tpu.dma_semaphore, #tpu.memory_space<semaphore_mem>>) src(%arg6 : memref<8x4096xf32, #tpu.memory_space<vmem>>) dst(%dma_wait3A_462 : memref<8192x4096xf32, #tpu.memory_space<hbm>>)
    %dma_wait3A_463 = arith.constant 0 : i32
    %dma_wait3A_464 = tpu.memref_slice %arg2[%add3A_451, %dma_wait3A_463] : memref<8192x4096xf32, #tpu.memory_space<hbm>> -> memref<8x4096xf32, #tpu.memory_space<hbm>>
    %dma_wait3A_465 = arith.constant 0 : i32
    %dma_wait3A_466 = tpu.memref_slice %arg2[%add3A_451, %dma_wait3A_465] : memref<8192x4096xf32, #tpu.memory_space<hbm>> -> memref<8x4096xf32, #tpu.memory_space<hbm>>
    tpu.wait_dma2 semaphore(%arg8 : memref<!tpu.dma_semaphore, #tpu.memory_space<semaphore_mem>>) src(%dma_wait3A_466 : memref<8x4096xf32, #tpu.memory_space<hbm>>) dst(%arg7 : memref<8x4096xf32, #tpu.memory_space<vmem>>)
    %dma_start3A_467 = arith.constant 19 : i32
    %dma_start3A_468 = arith.constant 0 : i32
    %dma_start3A_469 = tpu.memref_slice %arg5[%dma_start3A_467, %dma_start3A_468] : memref<32x8xi32, #tpu.memory_space<vmem>> -> memref<1x8xi32, #tpu.memory_space<vmem>>
    %dma_start3A_470 = tpu.memref_squeeze %dma_start3A_469 : memref<1x8xi32, #tpu.memory_space<vmem>> -> memref<8xi32, #tpu.memory_space<vmem>>
    %dma_start3A_471 = arith.constant 0 : i32
    %dma_start3A_472 = arith.constant 0 : i32
    %dma_start3A_473 = tpu.memref_slice %arg4[%dma_start3A_471, %dma_start3A_472] : memref<8192x4096xf32, #tpu.memory_space<hbm>> -> memref<8192x4096xf32, #tpu.memory_space<hbm>>
    tpu.enqueue_indirect_dma source(%arg7 : memref<8x4096xf32, #tpu.memory_space<vmem>>) target(%dma_start3A_473 : memref<8192x4096xf32, #tpu.memory_space<hbm>>) offsets(%dma_start3A_470 : memref<8xi32, #tpu.memory_space<vmem>>) semaphore(%arg10 : memref<!tpu.dma_semaphore, #tpu.memory_space<semaphore_mem>>)
    %add3A_474 = arith.constant 160 : i32
    %add3A_475 = arith.addi %mul3A_2, %add3A_474 : i32
    %dma_start3A_476 = arith.constant 0 : i32
    %dma_start3A_477 = tpu.memref_slice %arg2[%add3A_475, %dma_start3A_476] : memref<8192x4096xf32, #tpu.memory_space<hbm>> -> memref<8x4096xf32, #tpu.memory_space<hbm>>
    %dma_start3A_478 = arith.constant 0 : i32
    %dma_start3A_479 = tpu.memref_slice %arg2[%add3A_475, %dma_start3A_478] : memref<8192x4096xf32, #tpu.memory_space<hbm>> -> memref<8x4096xf32, #tpu.memory_space<hbm>>
    tpu.enqueue_dma source(%dma_start3A_479 : memref<8x4096xf32, #tpu.memory_space<hbm>>) target(%arg6 : memref<8x4096xf32, #tpu.memory_space<vmem>>) target_semaphore(%arg8 : memref<!tpu.dma_semaphore, #tpu.memory_space<semaphore_mem>>)
    %dma_wait3A_480 = arith.constant 19 : i32
    %dma_wait3A_481 = arith.constant 0 : i32
    %dma_wait3A_482 = tpu.memref_slice %arg5[%dma_wait3A_480, %dma_wait3A_481] : memref<32x8xi32, #tpu.memory_space<vmem>> -> memref<1x8xi32, #tpu.memory_space<vmem>>
    %dma_wait3A_483 = tpu.memref_squeeze %dma_wait3A_482 : memref<1x8xi32, #tpu.memory_space<vmem>> -> memref<8xi32, #tpu.memory_space<vmem>>
    %dma_wait3A_484 = arith.constant 0 : i32
    %dma_wait3A_485 = arith.constant 0 : i32
    %dma_wait3A_486 = tpu.memref_slice %arg4[%dma_wait3A_484, %dma_wait3A_485] : memref<8192x4096xf32, #tpu.memory_space<hbm>> -> memref<8192x4096xf32, #tpu.memory_space<hbm>>
    tpu.wait_indirect_dma semaphore(%arg10 : memref<!tpu.dma_semaphore, #tpu.memory_space<semaphore_mem>>) src(%arg7 : memref<8x4096xf32, #tpu.memory_space<vmem>>) dst(%dma_wait3A_486 : memref<8192x4096xf32, #tpu.memory_space<hbm>>)
    %dma_wait3A_487 = arith.constant 0 : i32
    %dma_wait3A_488 = tpu.memref_slice %arg2[%add3A_475, %dma_wait3A_487] : memref<8192x4096xf32, #tpu.memory_space<hbm>> -> memref<8x4096xf32, #tpu.memory_space<hbm>>
    %dma_wait3A_489 = arith.constant 0 : i32
    %dma_wait3A_490 = tpu.memref_slice %arg2[%add3A_475, %dma_wait3A_489] : memref<8192x4096xf32, #tpu.memory_space<hbm>> -> memref<8x4096xf32, #tpu.memory_space<hbm>>
    tpu.wait_dma2 semaphore(%arg8 : memref<!tpu.dma_semaphore, #tpu.memory_space<semaphore_mem>>) src(%dma_wait3A_490 : memref<8x4096xf32, #tpu.memory_space<hbm>>) dst(%arg6 : memref<8x4096xf32, #tpu.memory_space<vmem>>)
    %dma_start3A_491 = arith.constant 20 : i32
    %dma_start3A_492 = arith.constant 0 : i32
    %dma_start3A_493 = tpu.memref_slice %arg5[%dma_start3A_491, %dma_start3A_492] : memref<32x8xi32, #tpu.memory_space<vmem>> -> memref<1x8xi32, #tpu.memory_space<vmem>>
    %dma_start3A_494 = tpu.memref_squeeze %dma_start3A_493 : memref<1x8xi32, #tpu.memory_space<vmem>> -> memref<8xi32, #tpu.memory_space<vmem>>
    %dma_start3A_495 = arith.constant 0 : i32
    %dma_start3A_496 = arith.constant 0 : i32
    %dma_start3A_497 = tpu.memref_slice %arg4[%dma_start3A_495, %dma_start3A_496] : memref<8192x4096xf32, #tpu.memory_space<hbm>> -> memref<8192x4096xf32, #tpu.memory_space<hbm>>
    tpu.enqueue_indirect_dma source(%arg6 : memref<8x4096xf32, #tpu.memory_space<vmem>>) target(%dma_start3A_497 : memref<8192x4096xf32, #tpu.memory_space<hbm>>) offsets(%dma_start3A_494 : memref<8xi32, #tpu.memory_space<vmem>>) semaphore(%arg9 : memref<!tpu.dma_semaphore, #tpu.memory_space<semaphore_mem>>)
    %add3A_498 = arith.constant 168 : i32
    %add3A_499 = arith.addi %mul3A_2, %add3A_498 : i32
    %dma_start3A_500 = arith.constant 0 : i32
    %dma_start3A_501 = tpu.memref_slice %arg2[%add3A_499, %dma_start3A_500] : memref<8192x4096xf32, #tpu.memory_space<hbm>> -> memref<8x4096xf32, #tpu.memory_space<hbm>>
    %dma_start3A_502 = arith.constant 0 : i32
    %dma_start3A_503 = tpu.memref_slice %arg2[%add3A_499, %dma_start3A_502] : memref<8192x4096xf32, #tpu.memory_space<hbm>> -> memref<8x4096xf32, #tpu.memory_space<hbm>>
    tpu.enqueue_dma source(%dma_start3A_503 : memref<8x4096xf32, #tpu.memory_space<hbm>>) target(%arg7 : memref<8x4096xf32, #tpu.memory_space<vmem>>) target_semaphore(%arg8 : memref<!tpu.dma_semaphore, #tpu.memory_space<semaphore_mem>>)
    %dma_wait3A_504 = arith.constant 20 : i32
    %dma_wait3A_505 = arith.constant 0 : i32
    %dma_wait3A_506 = tpu.memref_slice %arg5[%dma_wait3A_504, %dma_wait3A_505] : memref<32x8xi32, #tpu.memory_space<vmem>> -> memref<1x8xi32, #tpu.memory_space<vmem>>
    %dma_wait3A_507 = tpu.memref_squeeze %dma_wait3A_506 : memref<1x8xi32, #tpu.memory_space<vmem>> -> memref<8xi32, #tpu.memory_space<vmem>>
    %dma_wait3A_508 = arith.constant 0 : i32
    %dma_wait3A_509 = arith.constant 0 : i32
    %dma_wait3A_510 = tpu.memref_slice %arg4[%dma_wait3A_508, %dma_wait3A_509] : memref<8192x4096xf32, #tpu.memory_space<hbm>> -> memref<8192x4096xf32, #tpu.memory_space<hbm>>
    tpu.wait_indirect_dma semaphore(%arg9 : memref<!tpu.dma_semaphore, #tpu.memory_space<semaphore_mem>>) src(%arg6 : memref<8x4096xf32, #tpu.memory_space<vmem>>) dst(%dma_wait3A_510 : memref<8192x4096xf32, #tpu.memory_space<hbm>>)
    %dma_wait3A_511 = arith.constant 0 : i32
    %dma_wait3A_512 = tpu.memref_slice %arg2[%add3A_499, %dma_wait3A_511] : memref<8192x4096xf32, #tpu.memory_space<hbm>> -> memref<8x4096xf32, #tpu.memory_space<hbm>>
    %dma_wait3A_513 = arith.constant 0 : i32
    %dma_wait3A_514 = tpu.memref_slice %arg2[%add3A_499, %dma_wait3A_513] : memref<8192x4096xf32, #tpu.memory_space<hbm>> -> memref<8x4096xf32, #tpu.memory_space<hbm>>
    tpu.wait_dma2 semaphore(%arg8 : memref<!tpu.dma_semaphore, #tpu.memory_space<semaphore_mem>>) src(%dma_wait3A_514 : memref<8x4096xf32, #tpu.memory_space<hbm>>) dst(%arg7 : memref<8x4096xf32, #tpu.memory_space<vmem>>)
    %dma_start3A_515 = arith.constant 21 : i32
    %dma_start3A_516 = arith.constant 0 : i32
    %dma_start3A_517 = tpu.memref_slice %arg5[%dma_start3A_515, %dma_start3A_516] : memref<32x8xi32, #tpu.memory_space<vmem>> -> memref<1x8xi32, #tpu.memory_space<vmem>>
    %dma_start3A_518 = tpu.memref_squeeze %dma_start3A_517 : memref<1x8xi32, #tpu.memory_space<vmem>> -> memref<8xi32, #tpu.memory_space<vmem>>
    %dma_start3A_519 = arith.constant 0 : i32
    %dma_start3A_520 = arith.constant 0 : i32
    %dma_start3A_521 = tpu.memref_slice %arg4[%dma_start3A_519, %dma_start3A_520] : memref<8192x4096xf32, #tpu.memory_space<hbm>> -> memref<8192x4096xf32, #tpu.memory_space<hbm>>
    tpu.enqueue_indirect_dma source(%arg7 : memref<8x4096xf32, #tpu.memory_space<vmem>>) target(%dma_start3A_521 : memref<8192x4096xf32, #tpu.memory_space<hbm>>) offsets(%dma_start3A_518 : memref<8xi32, #tpu.memory_space<vmem>>) semaphore(%arg10 : memref<!tpu.dma_semaphore, #tpu.memory_space<semaphore_mem>>)
    %add3A_522 = arith.constant 176 : i32
    %add3A_523 = arith.addi %mul3A_2, %add3A_522 : i32
    %dma_start3A_524 = arith.constant 0 : i32
    %dma_start3A_525 = tpu.memref_slice %arg2[%add3A_523, %dma_start3A_524] : memref<8192x4096xf32, #tpu.memory_space<hbm>> -> memref<8x4096xf32, #tpu.memory_space<hbm>>
    %dma_start3A_526 = arith.constant 0 : i32
    %dma_start3A_527 = tpu.memref_slice %arg2[%add3A_523, %dma_start3A_526] : memref<8192x4096xf32, #tpu.memory_space<hbm>> -> memref<8x4096xf32, #tpu.memory_space<hbm>>
    tpu.enqueue_dma source(%dma_start3A_527 : memref<8x4096xf32, #tpu.memory_space<hbm>>) target(%arg6 : memref<8x4096xf32, #tpu.memory_space<vmem>>) target_semaphore(%arg8 : memref<!tpu.dma_semaphore, #tpu.memory_space<semaphore_mem>>)
    %dma_wait3A_528 = arith.constant 21 : i32
    %dma_wait3A_529 = arith.constant 0 : i32
    %dma_wait3A_530 = tpu.memref_slice %arg5[%dma_wait3A_528, %dma_wait3A_529] : memref<32x8xi32, #tpu.memory_space<vmem>> -> memref<1x8xi32, #tpu.memory_space<vmem>>
    %dma_wait3A_531 = tpu.memref_squeeze %dma_wait3A_530 : memref<1x8xi32, #tpu.memory_space<vmem>> -> memref<8xi32, #tpu.memory_space<vmem>>
    %dma_wait3A_532 = arith.constant 0 : i32
    %dma_wait3A_533 = arith.constant 0 : i32
    %dma_wait3A_534 = tpu.memref_slice %arg4[%dma_wait3A_532, %dma_wait3A_533] : memref<8192x4096xf32, #tpu.memory_space<hbm>> -> memref<8192x4096xf32, #tpu.memory_space<hbm>>
    tpu.wait_indirect_dma semaphore(%arg10 : memref<!tpu.dma_semaphore, #tpu.memory_space<semaphore_mem>>) src(%arg7 : memref<8x4096xf32, #tpu.memory_space<vmem>>) dst(%dma_wait3A_534 : memref<8192x4096xf32, #tpu.memory_space<hbm>>)
    %dma_wait3A_535 = arith.constant 0 : i32
    %dma_wait3A_536 = tpu.memref_slice %arg2[%add3A_523, %dma_wait3A_535] : memref<8192x4096xf32, #tpu.memory_space<hbm>> -> memref<8x4096xf32, #tpu.memory_space<hbm>>
    %dma_wait3A_537 = arith.constant 0 : i32
    %dma_wait3A_538 = tpu.memref_slice %arg2[%add3A_523, %dma_wait3A_537] : memref<8192x4096xf32, #tpu.memory_space<hbm>> -> memref<8x4096xf32, #tpu.memory_space<hbm>>
    tpu.wait_dma2 semaphore(%arg8 : memref<!tpu.dma_semaphore, #tpu.memory_space<semaphore_mem>>) src(%dma_wait3A_538 : memref<8x4096xf32, #tpu.memory_space<hbm>>) dst(%arg6 : memref<8x4096xf32, #tpu.memory_space<vmem>>)
    %dma_start3A_539 = arith.constant 22 : i32
    %dma_start3A_540 = arith.constant 0 : i32
    %dma_start3A_541 = tpu.memref_slice %arg5[%dma_start3A_539, %dma_start3A_540] : memref<32x8xi32, #tpu.memory_space<vmem>> -> memref<1x8xi32, #tpu.memory_space<vmem>>
    %dma_start3A_542 = tpu.memref_squeeze %dma_start3A_541 : memref<1x8xi32, #tpu.memory_space<vmem>> -> memref<8xi32, #tpu.memory_space<vmem>>
    %dma_start3A_543 = arith.constant 0 : i32
    %dma_start3A_544 = arith.constant 0 : i32
    %dma_start3A_545 = tpu.memref_slice %arg4[%dma_start3A_543, %dma_start3A_544] : memref<8192x4096xf32, #tpu.memory_space<hbm>> -> memref<8192x4096xf32, #tpu.memory_space<hbm>>
    tpu.enqueue_indirect_dma source(%arg6 : memref<8x4096xf32, #tpu.memory_space<vmem>>) target(%dma_start3A_545 : memref<8192x4096xf32, #tpu.memory_space<hbm>>) offsets(%dma_start3A_542 : memref<8xi32, #tpu.memory_space<vmem>>) semaphore(%arg9 : memref<!tpu.dma_semaphore, #tpu.memory_space<semaphore_mem>>)
    %add3A_546 = arith.constant 184 : i32
    %add3A_547 = arith.addi %mul3A_2, %add3A_546 : i32
    %dma_start3A_548 = arith.constant 0 : i32
    %dma_start3A_549 = tpu.memref_slice %arg2[%add3A_547, %dma_start3A_548] : memref<8192x4096xf32, #tpu.memory_space<hbm>> -> memref<8x4096xf32, #tpu.memory_space<hbm>>
    %dma_start3A_550 = arith.constant 0 : i32
    %dma_start3A_551 = tpu.memref_slice %arg2[%add3A_547, %dma_start3A_550] : memref<8192x4096xf32, #tpu.memory_space<hbm>> -> memref<8x4096xf32, #tpu.memory_space<hbm>>
    tpu.enqueue_dma source(%dma_start3A_551 : memref<8x4096xf32, #tpu.memory_space<hbm>>) target(%arg7 : memref<8x4096xf32, #tpu.memory_space<vmem>>) target_semaphore(%arg8 : memref<!tpu.dma_semaphore, #tpu.memory_space<semaphore_mem>>)
    %dma_wait3A_552 = arith.constant 22 : i32
    %dma_wait3A_553 = arith.constant 0 : i32
    %dma_wait3A_554 = tpu.memref_slice %arg5[%dma_wait3A_552, %dma_wait3A_553] : memref<32x8xi32, #tpu.memory_space<vmem>> -> memref<1x8xi32, #tpu.memory_space<vmem>>
    %dma_wait3A_555 = tpu.memref_squeeze %dma_wait3A_554 : memref<1x8xi32, #tpu.memory_space<vmem>> -> memref<8xi32, #tpu.memory_space<vmem>>
    %dma_wait3A_556 = arith.constant 0 : i32
    %dma_wait3A_557 = arith.constant 0 : i32
    %dma_wait3A_558 = tpu.memref_slice %arg4[%dma_wait3A_556, %dma_wait3A_557] : memref<8192x4096xf32, #tpu.memory_space<hbm>> -> memref<8192x4096xf32, #tpu.memory_space<hbm>>
    tpu.wait_indirect_dma semaphore(%arg9 : memref<!tpu.dma_semaphore, #tpu.memory_space<semaphore_mem>>) src(%arg6 : memref<8x4096xf32, #tpu.memory_space<vmem>>) dst(%dma_wait3A_558 : memref<8192x4096xf32, #tpu.memory_space<hbm>>)
    %dma_wait3A_559 = arith.constant 0 : i32
    %dma_wait3A_560 = tpu.memref_slice %arg2[%add3A_547, %dma_wait3A_559] : memref<8192x4096xf32, #tpu.memory_space<hbm>> -> memref<8x4096xf32, #tpu.memory_space<hbm>>
    %dma_wait3A_561 = arith.constant 0 : i32
    %dma_wait3A_562 = tpu.memref_slice %arg2[%add3A_547, %dma_wait3A_561] : memref<8192x4096xf32, #tpu.memory_space<hbm>> -> memref<8x4096xf32, #tpu.memory_space<hbm>>
    tpu.wait_dma2 semaphore(%arg8 : memref<!tpu.dma_semaphore, #tpu.memory_space<semaphore_mem>>) src(%dma_wait3A_562 : memref<8x4096xf32, #tpu.memory_space<hbm>>) dst(%arg7 : memref<8x4096xf32, #tpu.memory_space<vmem>>)
    %dma_start3A_563 = arith.constant 23 : i32
    %dma_start3A_564 = arith.constant 0 : i32
    %dma_start3A_565 = tpu.memref_slice %arg5[%dma_start3A_563, %dma_start3A_564] : memref<32x8xi32, #tpu.memory_space<vmem>> -> memref<1x8xi32, #tpu.memory_space<vmem>>
    %dma_start3A_566 = tpu.memref_squeeze %dma_start3A_565 : memref<1x8xi32, #tpu.memory_space<vmem>> -> memref<8xi32, #tpu.memory_space<vmem>>
    %dma_start3A_567 = arith.constant 0 : i32
    %dma_start3A_568 = arith.constant 0 : i32
    %dma_start3A_569 = tpu.memref_slice %arg4[%dma_start3A_567, %dma_start3A_568] : memref<8192x4096xf32, #tpu.memory_space<hbm>> -> memref<8192x4096xf32, #tpu.memory_space<hbm>>
    tpu.enqueue_indirect_dma source(%arg7 : memref<8x4096xf32, #tpu.memory_space<vmem>>) target(%dma_start3A_569 : memref<8192x4096xf32, #tpu.memory_space<hbm>>) offsets(%dma_start3A_566 : memref<8xi32, #tpu.memory_space<vmem>>) semaphore(%arg10 : memref<!tpu.dma_semaphore, #tpu.memory_space<semaphore_mem>>)
    %add3A_570 = arith.constant 192 : i32
    %add3A_571 = arith.addi %mul3A_2, %add3A_570 : i32
    %dma_start3A_572 = arith.constant 0 : i32
    %dma_start3A_573 = tpu.memref_slice %arg2[%add3A_571, %dma_start3A_572] : memref<8192x4096xf32, #tpu.memory_space<hbm>> -> memref<8x4096xf32, #tpu.memory_space<hbm>>
    %dma_start3A_574 = arith.constant 0 : i32
    %dma_start3A_575 = tpu.memref_slice %arg2[%add3A_571, %dma_start3A_574] : memref<8192x4096xf32, #tpu.memory_space<hbm>> -> memref<8x4096xf32, #tpu.memory_space<hbm>>
    tpu.enqueue_dma source(%dma_start3A_575 : memref<8x4096xf32, #tpu.memory_space<hbm>>) target(%arg6 : memref<8x4096xf32, #tpu.memory_space<vmem>>) target_semaphore(%arg8 : memref<!tpu.dma_semaphore, #tpu.memory_space<semaphore_mem>>)
    %dma_wait3A_576 = arith.constant 23 : i32
    %dma_wait3A_577 = arith.constant 0 : i32
    %dma_wait3A_578 = tpu.memref_slice %arg5[%dma_wait3A_576, %dma_wait3A_577] : memref<32x8xi32, #tpu.memory_space<vmem>> -> memref<1x8xi32, #tpu.memory_space<vmem>>
    %dma_wait3A_579 = tpu.memref_squeeze %dma_wait3A_578 : memref<1x8xi32, #tpu.memory_space<vmem>> -> memref<8xi32, #tpu.memory_space<vmem>>
    %dma_wait3A_580 = arith.constant 0 : i32
    %dma_wait3A_581 = arith.constant 0 : i32
    %dma_wait3A_582 = tpu.memref_slice %arg4[%dma_wait3A_580, %dma_wait3A_581] : memref<8192x4096xf32, #tpu.memory_space<hbm>> -> memref<8192x4096xf32, #tpu.memory_space<hbm>>
    tpu.wait_indirect_dma semaphore(%arg10 : memref<!tpu.dma_semaphore, #tpu.memory_space<semaphore_mem>>) src(%arg7 : memref<8x4096xf32, #tpu.memory_space<vmem>>) dst(%dma_wait3A_582 : memref<8192x4096xf32, #tpu.memory_space<hbm>>)
    %dma_wait3A_583 = arith.constant 0 : i32
    %dma_wait3A_584 = tpu.memref_slice %arg2[%add3A_571, %dma_wait3A_583] : memref<8192x4096xf32, #tpu.memory_space<hbm>> -> memref<8x4096xf32, #tpu.memory_space<hbm>>
    %dma_wait3A_585 = arith.constant 0 : i32
    %dma_wait3A_586 = tpu.memref_slice %arg2[%add3A_571, %dma_wait3A_585] : memref<8192x4096xf32, #tpu.memory_space<hbm>> -> memref<8x4096xf32, #tpu.memory_space<hbm>>
    tpu.wait_dma2 semaphore(%arg8 : memref<!tpu.dma_semaphore, #tpu.memory_space<semaphore_mem>>) src(%dma_wait3A_586 : memref<8x4096xf32, #tpu.memory_space<hbm>>) dst(%arg6 : memref<8x4096xf32, #tpu.memory_space<vmem>>)
    %dma_start3A_587 = arith.constant 24 : i32
    %dma_start3A_588 = arith.constant 0 : i32
    %dma_start3A_589 = tpu.memref_slice %arg5[%dma_start3A_587, %dma_start3A_588] : memref<32x8xi32, #tpu.memory_space<vmem>> -> memref<1x8xi32, #tpu.memory_space<vmem>>
    %dma_start3A_590 = tpu.memref_squeeze %dma_start3A_589 : memref<1x8xi32, #tpu.memory_space<vmem>> -> memref<8xi32, #tpu.memory_space<vmem>>
    %dma_start3A_591 = arith.constant 0 : i32
    %dma_start3A_592 = arith.constant 0 : i32
    %dma_start3A_593 = tpu.memref_slice %arg4[%dma_start3A_591, %dma_start3A_592] : memref<8192x4096xf32, #tpu.memory_space<hbm>> -> memref<8192x4096xf32, #tpu.memory_space<hbm>>
    tpu.enqueue_indirect_dma source(%arg6 : memref<8x4096xf32, #tpu.memory_space<vmem>>) target(%dma_start3A_593 : memref<8192x4096xf32, #tpu.memory_space<hbm>>) offsets(%dma_start3A_590 : memref<8xi32, #tpu.memory_space<vmem>>) semaphore(%arg9 : memref<!tpu.dma_semaphore, #tpu.memory_space<semaphore_mem>>)
    %add3A_594 = arith.constant 200 : i32
    %add3A_595 = arith.addi %mul3A_2, %add3A_594 : i32
    %dma_start3A_596 = arith.constant 0 : i32
    %dma_start3A_597 = tpu.memref_slice %arg2[%add3A_595, %dma_start3A_596] : memref<8192x4096xf32, #tpu.memory_space<hbm>> -> memref<8x4096xf32, #tpu.memory_space<hbm>>
    %dma_start3A_598 = arith.constant 0 : i32
    %dma_start3A_599 = tpu.memref_slice %arg2[%add3A_595, %dma_start3A_598] : memref<8192x4096xf32, #tpu.memory_space<hbm>> -> memref<8x4096xf32, #tpu.memory_space<hbm>>
    tpu.enqueue_dma source(%dma_start3A_599 : memref<8x4096xf32, #tpu.memory_space<hbm>>) target(%arg7 : memref<8x4096xf32, #tpu.memory_space<vmem>>) target_semaphore(%arg8 : memref<!tpu.dma_semaphore, #tpu.memory_space<semaphore_mem>>)
    %dma_wait3A_600 = arith.constant 24 : i32
    %dma_wait3A_601 = arith.constant 0 : i32
    %dma_wait3A_602 = tpu.memref_slice %arg5[%dma_wait3A_600, %dma_wait3A_601] : memref<32x8xi32, #tpu.memory_space<vmem>> -> memref<1x8xi32, #tpu.memory_space<vmem>>
    %dma_wait3A_603 = tpu.memref_squeeze %dma_wait3A_602 : memref<1x8xi32, #tpu.memory_space<vmem>> -> memref<8xi32, #tpu.memory_space<vmem>>
    %dma_wait3A_604 = arith.constant 0 : i32
    %dma_wait3A_605 = arith.constant 0 : i32
    %dma_wait3A_606 = tpu.memref_slice %arg4[%dma_wait3A_604, %dma_wait3A_605] : memref<8192x4096xf32, #tpu.memory_space<hbm>> -> memref<8192x4096xf32, #tpu.memory_space<hbm>>
    tpu.wait_indirect_dma semaphore(%arg9 : memref<!tpu.dma_semaphore, #tpu.memory_space<semaphore_mem>>) src(%arg6 : memref<8x4096xf32, #tpu.memory_space<vmem>>) dst(%dma_wait3A_606 : memref<8192x4096xf32, #tpu.memory_space<hbm>>)
    %dma_wait3A_607 = arith.constant 0 : i32
    %dma_wait3A_608 = tpu.memref_slice %arg2[%add3A_595, %dma_wait3A_607] : memref<8192x4096xf32, #tpu.memory_space<hbm>> -> memref<8x4096xf32, #tpu.memory_space<hbm>>
    %dma_wait3A_609 = arith.constant 0 : i32
    %dma_wait3A_610 = tpu.memref_slice %arg2[%add3A_595, %dma_wait3A_609] : memref<8192x4096xf32, #tpu.memory_space<hbm>> -> memref<8x4096xf32, #tpu.memory_space<hbm>>
    tpu.wait_dma2 semaphore(%arg8 : memref<!tpu.dma_semaphore, #tpu.memory_space<semaphore_mem>>) src(%dma_wait3A_610 : memref<8x4096xf32, #tpu.memory_space<hbm>>) dst(%arg7 : memref<8x4096xf32, #tpu.memory_space<vmem>>)
    %dma_start3A_611 = arith.constant 25 : i32
    %dma_start3A_612 = arith.constant 0 : i32
    %dma_start3A_613 = tpu.memref_slice %arg5[%dma_start3A_611, %dma_start3A_612] : memref<32x8xi32, #tpu.memory_space<vmem>> -> memref<1x8xi32, #tpu.memory_space<vmem>>
    %dma_start3A_614 = tpu.memref_squeeze %dma_start3A_613 : memref<1x8xi32, #tpu.memory_space<vmem>> -> memref<8xi32, #tpu.memory_space<vmem>>
    %dma_start3A_615 = arith.constant 0 : i32
    %dma_start3A_616 = arith.constant 0 : i32
    %dma_start3A_617 = tpu.memref_slice %arg4[%dma_start3A_615, %dma_start3A_616] : memref<8192x4096xf32, #tpu.memory_space<hbm>> -> memref<8192x4096xf32, #tpu.memory_space<hbm>>
    tpu.enqueue_indirect_dma source(%arg7 : memref<8x4096xf32, #tpu.memory_space<vmem>>) target(%dma_start3A_617 : memref<8192x4096xf32, #tpu.memory_space<hbm>>) offsets(%dma_start3A_614 : memref<8xi32, #tpu.memory_space<vmem>>) semaphore(%arg10 : memref<!tpu.dma_semaphore, #tpu.memory_space<semaphore_mem>>)
    %add3A_618 = arith.constant 208 : i32
    %add3A_619 = arith.addi %mul3A_2, %add3A_618 : i32
    %dma_start3A_620 = arith.constant 0 : i32
    %dma_start3A_621 = tpu.memref_slice %arg2[%add3A_619, %dma_start3A_620] : memref<8192x4096xf32, #tpu.memory_space<hbm>> -> memref<8x4096xf32, #tpu.memory_space<hbm>>
    %dma_start3A_622 = arith.constant 0 : i32
    %dma_start3A_623 = tpu.memref_slice %arg2[%add3A_619, %dma_start3A_622] : memref<8192x4096xf32, #tpu.memory_space<hbm>> -> memref<8x4096xf32, #tpu.memory_space<hbm>>
    tpu.enqueue_dma source(%dma_start3A_623 : memref<8x4096xf32, #tpu.memory_space<hbm>>) target(%arg6 : memref<8x4096xf32, #tpu.memory_space<vmem>>) target_semaphore(%arg8 : memref<!tpu.dma_semaphore, #tpu.memory_space<semaphore_mem>>)
    %dma_wait3A_624 = arith.constant 25 : i32
    %dma_wait3A_625 = arith.constant 0 : i32
    %dma_wait3A_626 = tpu.memref_slice %arg5[%dma_wait3A_624, %dma_wait3A_625] : memref<32x8xi32, #tpu.memory_space<vmem>> -> memref<1x8xi32, #tpu.memory_space<vmem>>
    %dma_wait3A_627 = tpu.memref_squeeze %dma_wait3A_626 : memref<1x8xi32, #tpu.memory_space<vmem>> -> memref<8xi32, #tpu.memory_space<vmem>>
    %dma_wait3A_628 = arith.constant 0 : i32
    %dma_wait3A_629 = arith.constant 0 : i32
    %dma_wait3A_630 = tpu.memref_slice %arg4[%dma_wait3A_628, %dma_wait3A_629] : memref<8192x4096xf32, #tpu.memory_space<hbm>> -> memref<8192x4096xf32, #tpu.memory_space<hbm>>
    tpu.wait_indirect_dma semaphore(%arg10 : memref<!tpu.dma_semaphore, #tpu.memory_space<semaphore_mem>>) src(%arg7 : memref<8x4096xf32, #tpu.memory_space<vmem>>) dst(%dma_wait3A_630 : memref<8192x4096xf32, #tpu.memory_space<hbm>>)
    %dma_wait3A_631 = arith.constant 0 : i32
    %dma_wait3A_632 = tpu.memref_slice %arg2[%add3A_619, %dma_wait3A_631] : memref<8192x4096xf32, #tpu.memory_space<hbm>> -> memref<8x4096xf32, #tpu.memory_space<hbm>>
    %dma_wait3A_633 = arith.constant 0 : i32
    %dma_wait3A_634 = tpu.memref_slice %arg2[%add3A_619, %dma_wait3A_633] : memref<8192x4096xf32, #tpu.memory_space<hbm>> -> memref<8x4096xf32, #tpu.memory_space<hbm>>
    tpu.wait_dma2 semaphore(%arg8 : memref<!tpu.dma_semaphore, #tpu.memory_space<semaphore_mem>>) src(%dma_wait3A_634 : memref<8x4096xf32, #tpu.memory_space<hbm>>) dst(%arg6 : memref<8x4096xf32, #tpu.memory_space<vmem>>)
    %dma_start3A_635 = arith.constant 26 : i32
    %dma_start3A_636 = arith.constant 0 : i32
    %dma_start3A_637 = tpu.memref_slice %arg5[%dma_start3A_635, %dma_start3A_636] : memref<32x8xi32, #tpu.memory_space<vmem>> -> memref<1x8xi32, #tpu.memory_space<vmem>>
    %dma_start3A_638 = tpu.memref_squeeze %dma_start3A_637 : memref<1x8xi32, #tpu.memory_space<vmem>> -> memref<8xi32, #tpu.memory_space<vmem>>
    %dma_start3A_639 = arith.constant 0 : i32
    %dma_start3A_640 = arith.constant 0 : i32
    %dma_start3A_641 = tpu.memref_slice %arg4[%dma_start3A_639, %dma_start3A_640] : memref<8192x4096xf32, #tpu.memory_space<hbm>> -> memref<8192x4096xf32, #tpu.memory_space<hbm>>
    tpu.enqueue_indirect_dma source(%arg6 : memref<8x4096xf32, #tpu.memory_space<vmem>>) target(%dma_start3A_641 : memref<8192x4096xf32, #tpu.memory_space<hbm>>) offsets(%dma_start3A_638 : memref<8xi32, #tpu.memory_space<vmem>>) semaphore(%arg9 : memref<!tpu.dma_semaphore, #tpu.memory_space<semaphore_mem>>)
    %add3A_642 = arith.constant 216 : i32
    %add3A_643 = arith.addi %mul3A_2, %add3A_642 : i32
    %dma_start3A_644 = arith.constant 0 : i32
    %dma_start3A_645 = tpu.memref_slice %arg2[%add3A_643, %dma_start3A_644] : memref<8192x4096xf32, #tpu.memory_space<hbm>> -> memref<8x4096xf32, #tpu.memory_space<hbm>>
    %dma_start3A_646 = arith.constant 0 : i32
    %dma_start3A_647 = tpu.memref_slice %arg2[%add3A_643, %dma_start3A_646] : memref<8192x4096xf32, #tpu.memory_space<hbm>> -> memref<8x4096xf32, #tpu.memory_space<hbm>>
    tpu.enqueue_dma source(%dma_start3A_647 : memref<8x4096xf32, #tpu.memory_space<hbm>>) target(%arg7 : memref<8x4096xf32, #tpu.memory_space<vmem>>) target_semaphore(%arg8 : memref<!tpu.dma_semaphore, #tpu.memory_space<semaphore_mem>>)
    %dma_wait3A_648 = arith.constant 26 : i32
    %dma_wait3A_649 = arith.constant 0 : i32
    %dma_wait3A_650 = tpu.memref_slice %arg5[%dma_wait3A_648, %dma_wait3A_649] : memref<32x8xi32, #tpu.memory_space<vmem>> -> memref<1x8xi32, #tpu.memory_space<vmem>>
    %dma_wait3A_651 = tpu.memref_squeeze %dma_wait3A_650 : memref<1x8xi32, #tpu.memory_space<vmem>> -> memref<8xi32, #tpu.memory_space<vmem>>
    %dma_wait3A_652 = arith.constant 0 : i32
    %dma_wait3A_653 = arith.constant 0 : i32
    %dma_wait3A_654 = tpu.memref_slice %arg4[%dma_wait3A_652, %dma_wait3A_653] : memref<8192x4096xf32, #tpu.memory_space<hbm>> -> memref<8192x4096xf32, #tpu.memory_space<hbm>>
    tpu.wait_indirect_dma semaphore(%arg9 : memref<!tpu.dma_semaphore, #tpu.memory_space<semaphore_mem>>) src(%arg6 : memref<8x4096xf32, #tpu.memory_space<vmem>>) dst(%dma_wait3A_654 : memref<8192x4096xf32, #tpu.memory_space<hbm>>)
    %dma_wait3A_655 = arith.constant 0 : i32
    %dma_wait3A_656 = tpu.memref_slice %arg2[%add3A_643, %dma_wait3A_655] : memref<8192x4096xf32, #tpu.memory_space<hbm>> -> memref<8x4096xf32, #tpu.memory_space<hbm>>
    %dma_wait3A_657 = arith.constant 0 : i32
    %dma_wait3A_658 = tpu.memref_slice %arg2[%add3A_643, %dma_wait3A_657] : memref<8192x4096xf32, #tpu.memory_space<hbm>> -> memref<8x4096xf32, #tpu.memory_space<hbm>>
    tpu.wait_dma2 semaphore(%arg8 : memref<!tpu.dma_semaphore, #tpu.memory_space<semaphore_mem>>) src(%dma_wait3A_658 : memref<8x4096xf32, #tpu.memory_space<hbm>>) dst(%arg7 : memref<8x4096xf32, #tpu.memory_space<vmem>>)
    %dma_start3A_659 = arith.constant 27 : i32
    %dma_start3A_660 = arith.constant 0 : i32
    %dma_start3A_661 = tpu.memref_slice %arg5[%dma_start3A_659, %dma_start3A_660] : memref<32x8xi32, #tpu.memory_space<vmem>> -> memref<1x8xi32, #tpu.memory_space<vmem>>
    %dma_start3A_662 = tpu.memref_squeeze %dma_start3A_661 : memref<1x8xi32, #tpu.memory_space<vmem>> -> memref<8xi32, #tpu.memory_space<vmem>>
    %dma_start3A_663 = arith.constant 0 : i32
    %dma_start3A_664 = arith.constant 0 : i32
    %dma_start3A_665 = tpu.memref_slice %arg4[%dma_start3A_663, %dma_start3A_664] : memref<8192x4096xf32, #tpu.memory_space<hbm>> -> memref<8192x4096xf32, #tpu.memory_space<hbm>>
    tpu.enqueue_indirect_dma source(%arg7 : memref<8x4096xf32, #tpu.memory_space<vmem>>) target(%dma_start3A_665 : memref<8192x4096xf32, #tpu.memory_space<hbm>>) offsets(%dma_start3A_662 : memref<8xi32, #tpu.memory_space<vmem>>) semaphore(%arg10 : memref<!tpu.dma_semaphore, #tpu.memory_space<semaphore_mem>>)
    %add3A_666 = arith.constant 224 : i32
    %add3A_667 = arith.addi %mul3A_2, %add3A_666 : i32
    %dma_start3A_668 = arith.constant 0 : i32
    %dma_start3A_669 = tpu.memref_slice %arg2[%add3A_667, %dma_start3A_668] : memref<8192x4096xf32, #tpu.memory_space<hbm>> -> memref<8x4096xf32, #tpu.memory_space<hbm>>
    %dma_start3A_670 = arith.constant 0 : i32
    %dma_start3A_671 = tpu.memref_slice %arg2[%add3A_667, %dma_start3A_670] : memref<8192x4096xf32, #tpu.memory_space<hbm>> -> memref<8x4096xf32, #tpu.memory_space<hbm>>
    tpu.enqueue_dma source(%dma_start3A_671 : memref<8x4096xf32, #tpu.memory_space<hbm>>) target(%arg6 : memref<8x4096xf32, #tpu.memory_space<vmem>>) target_semaphore(%arg8 : memref<!tpu.dma_semaphore, #tpu.memory_space<semaphore_mem>>)
    %dma_wait3A_672 = arith.constant 27 : i32
    %dma_wait3A_673 = arith.constant 0 : i32
    %dma_wait3A_674 = tpu.memref_slice %arg5[%dma_wait3A_672, %dma_wait3A_673] : memref<32x8xi32, #tpu.memory_space<vmem>> -> memref<1x8xi32, #tpu.memory_space<vmem>>
    %dma_wait3A_675 = tpu.memref_squeeze %dma_wait3A_674 : memref<1x8xi32, #tpu.memory_space<vmem>> -> memref<8xi32, #tpu.memory_space<vmem>>
    %dma_wait3A_676 = arith.constant 0 : i32
    %dma_wait3A_677 = arith.constant 0 : i32
    %dma_wait3A_678 = tpu.memref_slice %arg4[%dma_wait3A_676, %dma_wait3A_677] : memref<8192x4096xf32, #tpu.memory_space<hbm>> -> memref<8192x4096xf32, #tpu.memory_space<hbm>>
    tpu.wait_indirect_dma semaphore(%arg10 : memref<!tpu.dma_semaphore, #tpu.memory_space<semaphore_mem>>) src(%arg7 : memref<8x4096xf32, #tpu.memory_space<vmem>>) dst(%dma_wait3A_678 : memref<8192x4096xf32, #tpu.memory_space<hbm>>)
    %dma_wait3A_679 = arith.constant 0 : i32
    %dma_wait3A_680 = tpu.memref_slice %arg2[%add3A_667, %dma_wait3A_679] : memref<8192x4096xf32, #tpu.memory_space<hbm>> -> memref<8x4096xf32, #tpu.memory_space<hbm>>
    %dma_wait3A_681 = arith.constant 0 : i32
    %dma_wait3A_682 = tpu.memref_slice %arg2[%add3A_667, %dma_wait3A_681] : memref<8192x4096xf32, #tpu.memory_space<hbm>> -> memref<8x4096xf32, #tpu.memory_space<hbm>>
    tpu.wait_dma2 semaphore(%arg8 : memref<!tpu.dma_semaphore, #tpu.memory_space<semaphore_mem>>) src(%dma_wait3A_682 : memref<8x4096xf32, #tpu.memory_space<hbm>>) dst(%arg6 : memref<8x4096xf32, #tpu.memory_space<vmem>>)
    %dma_start3A_683 = arith.constant 28 : i32
    %dma_start3A_684 = arith.constant 0 : i32
    %dma_start3A_685 = tpu.memref_slice %arg5[%dma_start3A_683, %dma_start3A_684] : memref<32x8xi32, #tpu.memory_space<vmem>> -> memref<1x8xi32, #tpu.memory_space<vmem>>
    %dma_start3A_686 = tpu.memref_squeeze %dma_start3A_685 : memref<1x8xi32, #tpu.memory_space<vmem>> -> memref<8xi32, #tpu.memory_space<vmem>>
    %dma_start3A_687 = arith.constant 0 : i32
    %dma_start3A_688 = arith.constant 0 : i32
    %dma_start3A_689 = tpu.memref_slice %arg4[%dma_start3A_687, %dma_start3A_688] : memref<8192x4096xf32, #tpu.memory_space<hbm>> -> memref<8192x4096xf32, #tpu.memory_space<hbm>>
    tpu.enqueue_indirect_dma source(%arg6 : memref<8x4096xf32, #tpu.memory_space<vmem>>) target(%dma_start3A_689 : memref<8192x4096xf32, #tpu.memory_space<hbm>>) offsets(%dma_start3A_686 : memref<8xi32, #tpu.memory_space<vmem>>) semaphore(%arg9 : memref<!tpu.dma_semaphore, #tpu.memory_space<semaphore_mem>>)
    %add3A_690 = arith.constant 232 : i32
    %add3A_691 = arith.addi %mul3A_2, %add3A_690 : i32
    %dma_start3A_692 = arith.constant 0 : i32
    %dma_start3A_693 = tpu.memref_slice %arg2[%add3A_691, %dma_start3A_692] : memref<8192x4096xf32, #tpu.memory_space<hbm>> -> memref<8x4096xf32, #tpu.memory_space<hbm>>
    %dma_start3A_694 = arith.constant 0 : i32
    %dma_start3A_695 = tpu.memref_slice %arg2[%add3A_691, %dma_start3A_694] : memref<8192x4096xf32, #tpu.memory_space<hbm>> -> memref<8x4096xf32, #tpu.memory_space<hbm>>
    tpu.enqueue_dma source(%dma_start3A_695 : memref<8x4096xf32, #tpu.memory_space<hbm>>) target(%arg7 : memref<8x4096xf32, #tpu.memory_space<vmem>>) target_semaphore(%arg8 : memref<!tpu.dma_semaphore, #tpu.memory_space<semaphore_mem>>)
    %dma_wait3A_696 = arith.constant 28 : i32
    %dma_wait3A_697 = arith.constant 0 : i32
    %dma_wait3A_698 = tpu.memref_slice %arg5[%dma_wait3A_696, %dma_wait3A_697] : memref<32x8xi32, #tpu.memory_space<vmem>> -> memref<1x8xi32, #tpu.memory_space<vmem>>
    %dma_wait3A_699 = tpu.memref_squeeze %dma_wait3A_698 : memref<1x8xi32, #tpu.memory_space<vmem>> -> memref<8xi32, #tpu.memory_space<vmem>>
    %dma_wait3A_700 = arith.constant 0 : i32
    %dma_wait3A_701 = arith.constant 0 : i32
    %dma_wait3A_702 = tpu.memref_slice %arg4[%dma_wait3A_700, %dma_wait3A_701] : memref<8192x4096xf32, #tpu.memory_space<hbm>> -> memref<8192x4096xf32, #tpu.memory_space<hbm>>
    tpu.wait_indirect_dma semaphore(%arg9 : memref<!tpu.dma_semaphore, #tpu.memory_space<semaphore_mem>>) src(%arg6 : memref<8x4096xf32, #tpu.memory_space<vmem>>) dst(%dma_wait3A_702 : memref<8192x4096xf32, #tpu.memory_space<hbm>>)
    %dma_wait3A_703 = arith.constant 0 : i32
    %dma_wait3A_704 = tpu.memref_slice %arg2[%add3A_691, %dma_wait3A_703] : memref<8192x4096xf32, #tpu.memory_space<hbm>> -> memref<8x4096xf32, #tpu.memory_space<hbm>>
    %dma_wait3A_705 = arith.constant 0 : i32
    %dma_wait3A_706 = tpu.memref_slice %arg2[%add3A_691, %dma_wait3A_705] : memref<8192x4096xf32, #tpu.memory_space<hbm>> -> memref<8x4096xf32, #tpu.memory_space<hbm>>
    tpu.wait_dma2 semaphore(%arg8 : memref<!tpu.dma_semaphore, #tpu.memory_space<semaphore_mem>>) src(%dma_wait3A_706 : memref<8x4096xf32, #tpu.memory_space<hbm>>) dst(%arg7 : memref<8x4096xf32, #tpu.memory_space<vmem>>)
    %dma_start3A_707 = arith.constant 29 : i32
    %dma_start3A_708 = arith.constant 0 : i32
    %dma_start3A_709 = tpu.memref_slice %arg5[%dma_start3A_707, %dma_start3A_708] : memref<32x8xi32, #tpu.memory_space<vmem>> -> memref<1x8xi32, #tpu.memory_space<vmem>>
    %dma_start3A_710 = tpu.memref_squeeze %dma_start3A_709 : memref<1x8xi32, #tpu.memory_space<vmem>> -> memref<8xi32, #tpu.memory_space<vmem>>
    %dma_start3A_711 = arith.constant 0 : i32
    %dma_start3A_712 = arith.constant 0 : i32
    %dma_start3A_713 = tpu.memref_slice %arg4[%dma_start3A_711, %dma_start3A_712] : memref<8192x4096xf32, #tpu.memory_space<hbm>> -> memref<8192x4096xf32, #tpu.memory_space<hbm>>
    tpu.enqueue_indirect_dma source(%arg7 : memref<8x4096xf32, #tpu.memory_space<vmem>>) target(%dma_start3A_713 : memref<8192x4096xf32, #tpu.memory_space<hbm>>) offsets(%dma_start3A_710 : memref<8xi32, #tpu.memory_space<vmem>>) semaphore(%arg10 : memref<!tpu.dma_semaphore, #tpu.memory_space<semaphore_mem>>)
    %add3A_714 = arith.constant 240 : i32
    %add3A_715 = arith.addi %mul3A_2, %add3A_714 : i32
    %dma_start3A_716 = arith.constant 0 : i32
    %dma_start3A_717 = tpu.memref_slice %arg2[%add3A_715, %dma_start3A_716] : memref<8192x4096xf32, #tpu.memory_space<hbm>> -> memref<8x4096xf32, #tpu.memory_space<hbm>>
    %dma_start3A_718 = arith.constant 0 : i32
    %dma_start3A_719 = tpu.memref_slice %arg2[%add3A_715, %dma_start3A_718] : memref<8192x4096xf32, #tpu.memory_space<hbm>> -> memref<8x4096xf32, #tpu.memory_space<hbm>>
    tpu.enqueue_dma source(%dma_start3A_719 : memref<8x4096xf32, #tpu.memory_space<hbm>>) target(%arg6 : memref<8x4096xf32, #tpu.memory_space<vmem>>) target_semaphore(%arg8 : memref<!tpu.dma_semaphore, #tpu.memory_space<semaphore_mem>>)
    %dma_wait3A_720 = arith.constant 29 : i32
    %dma_wait3A_721 = arith.constant 0 : i32
    %dma_wait3A_722 = tpu.memref_slice %arg5[%dma_wait3A_720, %dma_wait3A_721] : memref<32x8xi32, #tpu.memory_space<vmem>> -> memref<1x8xi32, #tpu.memory_space<vmem>>
    %dma_wait3A_723 = tpu.memref_squeeze %dma_wait3A_722 : memref<1x8xi32, #tpu.memory_space<vmem>> -> memref<8xi32, #tpu.memory_space<vmem>>
    %dma_wait3A_724 = arith.constant 0 : i32
    %dma_wait3A_725 = arith.constant 0 : i32
    %dma_wait3A_726 = tpu.memref_slice %arg4[%dma_wait3A_724, %dma_wait3A_725] : memref<8192x4096xf32, #tpu.memory_space<hbm>> -> memref<8192x4096xf32, #tpu.memory_space<hbm>>
    tpu.wait_indirect_dma semaphore(%arg10 : memref<!tpu.dma_semaphore, #tpu.memory_space<semaphore_mem>>) src(%arg7 : memref<8x4096xf32, #tpu.memory_space<vmem>>) dst(%dma_wait3A_726 : memref<8192x4096xf32, #tpu.memory_space<hbm>>)
    %dma_wait3A_727 = arith.constant 0 : i32
    %dma_wait3A_728 = tpu.memref_slice %arg2[%add3A_715, %dma_wait3A_727] : memref<8192x4096xf32, #tpu.memory_space<hbm>> -> memref<8x4096xf32, #tpu.memory_space<hbm>>
    %dma_wait3A_729 = arith.constant 0 : i32
    %dma_wait3A_730 = tpu.memref_slice %arg2[%add3A_715, %dma_wait3A_729] : memref<8192x4096xf32, #tpu.memory_space<hbm>> -> memref<8x4096xf32, #tpu.memory_space<hbm>>
    tpu.wait_dma2 semaphore(%arg8 : memref<!tpu.dma_semaphore, #tpu.memory_space<semaphore_mem>>) src(%dma_wait3A_730 : memref<8x4096xf32, #tpu.memory_space<hbm>>) dst(%arg6 : memref<8x4096xf32, #tpu.memory_space<vmem>>)
    %dma_start3A_731 = arith.constant 30 : i32
    %dma_start3A_732 = arith.constant 0 : i32
    %dma_start3A_733 = tpu.memref_slice %arg5[%dma_start3A_731, %dma_start3A_732] : memref<32x8xi32, #tpu.memory_space<vmem>> -> memref<1x8xi32, #tpu.memory_space<vmem>>
    %dma_start3A_734 = tpu.memref_squeeze %dma_start3A_733 : memref<1x8xi32, #tpu.memory_space<vmem>> -> memref<8xi32, #tpu.memory_space<vmem>>
    %dma_start3A_735 = arith.constant 0 : i32
    %dma_start3A_736 = arith.constant 0 : i32
    %dma_start3A_737 = tpu.memref_slice %arg4[%dma_start3A_735, %dma_start3A_736] : memref<8192x4096xf32, #tpu.memory_space<hbm>> -> memref<8192x4096xf32, #tpu.memory_space<hbm>>
    tpu.enqueue_indirect_dma source(%arg6 : memref<8x4096xf32, #tpu.memory_space<vmem>>) target(%dma_start3A_737 : memref<8192x4096xf32, #tpu.memory_space<hbm>>) offsets(%dma_start3A_734 : memref<8xi32, #tpu.memory_space<vmem>>) semaphore(%arg9 : memref<!tpu.dma_semaphore, #tpu.memory_space<semaphore_mem>>)
    %add3A_738 = arith.constant 248 : i32
    %add3A_739 = arith.addi %mul3A_2, %add3A_738 : i32
    %dma_start3A_740 = arith.constant 0 : i32
    %dma_start3A_741 = tpu.memref_slice %arg2[%add3A_739, %dma_start3A_740] : memref<8192x4096xf32, #tpu.memory_space<hbm>> -> memref<8x4096xf32, #tpu.memory_space<hbm>>
    %dma_start3A_742 = arith.constant 0 : i32
    %dma_start3A_743 = tpu.memref_slice %arg2[%add3A_739, %dma_start3A_742] : memref<8192x4096xf32, #tpu.memory_space<hbm>> -> memref<8x4096xf32, #tpu.memory_space<hbm>>
    tpu.enqueue_dma source(%dma_start3A_743 : memref<8x4096xf32, #tpu.memory_space<hbm>>) target(%arg7 : memref<8x4096xf32, #tpu.memory_space<vmem>>) target_semaphore(%arg8 : memref<!tpu.dma_semaphore, #tpu.memory_space<semaphore_mem>>)
    %dma_wait3A_744 = arith.constant 30 : i32
    %dma_wait3A_745 = arith.constant 0 : i32
    %dma_wait3A_746 = tpu.memref_slice %arg5[%dma_wait3A_744, %dma_wait3A_745] : memref<32x8xi32, #tpu.memory_space<vmem>> -> memref<1x8xi32, #tpu.memory_space<vmem>>
    %dma_wait3A_747 = tpu.memref_squeeze %dma_wait3A_746 : memref<1x8xi32, #tpu.memory_space<vmem>> -> memref<8xi32, #tpu.memory_space<vmem>>
    %dma_wait3A_748 = arith.constant 0 : i32
    %dma_wait3A_749 = arith.constant 0 : i32
    %dma_wait3A_750 = tpu.memref_slice %arg4[%dma_wait3A_748, %dma_wait3A_749] : memref<8192x4096xf32, #tpu.memory_space<hbm>> -> memref<8192x4096xf32, #tpu.memory_space<hbm>>
    tpu.wait_indirect_dma semaphore(%arg9 : memref<!tpu.dma_semaphore, #tpu.memory_space<semaphore_mem>>) src(%arg6 : memref<8x4096xf32, #tpu.memory_space<vmem>>) dst(%dma_wait3A_750 : memref<8192x4096xf32, #tpu.memory_space<hbm>>)
    %dma_wait3A_751 = arith.constant 0 : i32
    %dma_wait3A_752 = tpu.memref_slice %arg2[%add3A_739, %dma_wait3A_751] : memref<8192x4096xf32, #tpu.memory_space<hbm>> -> memref<8x4096xf32, #tpu.memory_space<hbm>>
    %dma_wait3A_753 = arith.constant 0 : i32
    %dma_wait3A_754 = tpu.memref_slice %arg2[%add3A_739, %dma_wait3A_753] : memref<8192x4096xf32, #tpu.memory_space<hbm>> -> memref<8x4096xf32, #tpu.memory_space<hbm>>
    tpu.wait_dma2 semaphore(%arg8 : memref<!tpu.dma_semaphore, #tpu.memory_space<semaphore_mem>>) src(%dma_wait3A_754 : memref<8x4096xf32, #tpu.memory_space<hbm>>) dst(%arg7 : memref<8x4096xf32, #tpu.memory_space<vmem>>)
    %dma_start3A_755 = arith.constant 31 : i32
    %dma_start3A_756 = arith.constant 0 : i32
    %dma_start3A_757 = tpu.memref_slice %arg5[%dma_start3A_755, %dma_start3A_756] : memref<32x8xi32, #tpu.memory_space<vmem>> -> memref<1x8xi32, #tpu.memory_space<vmem>>
    %dma_start3A_758 = tpu.memref_squeeze %dma_start3A_757 : memref<1x8xi32, #tpu.memory_space<vmem>> -> memref<8xi32, #tpu.memory_space<vmem>>
    %dma_start3A_759 = arith.constant 0 : i32
    %dma_start3A_760 = arith.constant 0 : i32
    %dma_start3A_761 = tpu.memref_slice %arg4[%dma_start3A_759, %dma_start3A_760] : memref<8192x4096xf32, #tpu.memory_space<hbm>> -> memref<8192x4096xf32, #tpu.memory_space<hbm>>
    tpu.enqueue_indirect_dma source(%arg7 : memref<8x4096xf32, #tpu.memory_space<vmem>>) target(%dma_start3A_761 : memref<8192x4096xf32, #tpu.memory_space<hbm>>) offsets(%dma_start3A_758 : memref<8xi32, #tpu.memory_space<vmem>>) semaphore(%arg10 : memref<!tpu.dma_semaphore, #tpu.memory_space<semaphore_mem>>)
    %dma_wait3A_762 = arith.constant 31 : i32
    %dma_wait3A_763 = arith.constant 0 : i32
    %dma_wait3A_764 = tpu.memref_slice %arg5[%dma_wait3A_762, %dma_wait3A_763] : memref<32x8xi32, #tpu.memory_space<vmem>> -> memref<1x8xi32, #tpu.memory_space<vmem>>
    %dma_wait3A_765 = tpu.memref_squeeze %dma_wait3A_764 : memref<1x8xi32, #tpu.memory_space<vmem>> -> memref<8xi32, #tpu.memory_space<vmem>>
    %dma_wait3A_766 = arith.constant 0 : i32
    %dma_wait3A_767 = arith.constant 0 : i32
    %dma_wait3A_768 = tpu.memref_slice %arg4[%dma_wait3A_766, %dma_wait3A_767] : memref<8192x4096xf32, #tpu.memory_space<hbm>> -> memref<8192x4096xf32, #tpu.memory_space<hbm>>
    tpu.wait_indirect_dma semaphore(%arg10 : memref<!tpu.dma_semaphore, #tpu.memory_space<semaphore_mem>>) src(%arg7 : memref<8x4096xf32, #tpu.memory_space<vmem>>) dst(%dma_wait3A_768 : memref<8192x4096xf32, #tpu.memory_space<hbm>>)
    return
  }
}

module attributes {stable_mosaic.version = 14 : i64} {
  func.func @_labels_body(%arg0: i32, %arg1: memref<512x4096xf32, #tpu.memory_space<vmem>>, %arg2: memref<4096x64xf32, #tpu.memory_space<vmem>>, %arg3: memref<512x1xi32, #tpu.memory_space<vmem>>) attributes {dimension_semantics = [#tpu.dimension_semantics<arbitrary>], iteration_bounds = array<i64: 16>, scalar_prefetch = 0 : i64, scratch_operands = 0 : i64, tpu.core_type = #tpu.core_type<tc>, window_params = [{transform_indices = @transform_0, window_bounds = array<i64: 512, 4096>}, {pipeline_mode = #tpu.pipeline_mode<synchronous>, transform_indices = @transform_1, window_bounds = array<i64: 4096, 64>}, {transform_indices = @transform_2, window_bounds = array<i64: 512, 1>}]} {
    %get3A = arith.constant 0 : index
    %get3A_0 = arith.constant 0 : index
    %get3A_1 = vector.load %arg1[%get3A, %get3A_0] : memref<512x4096xf32, #tpu.memory_space<vmem>>, vector<512x4096xf32>
    %get3A_2 = arith.constant 0 : index
    %get3A_3 = arith.constant 0 : index
    %get3A_4 = vector.load %arg2[%get3A_2, %get3A_3] : memref<4096x64xf32, #tpu.memory_space<vmem>>, vector<4096x64xf32>
    %dot_general3A = arith.constant dense<0.000000e+00> : vector<512x64xf32>
    %dot_general3A_5 = tpu.matmul %get3A_1, %get3A_4, %dot_general3A {dimension_numbers = #tpu.dot_dimension_numbers<[1], [0], [0], [1], [0, 0, 1, 1], [], []>, transpose_lhs_hint = false} : vector<512x4096xf32>, vector<4096x64xf32>, vector<512x64xf32> -> vector<512x64xf32>
    %reduce_max3A = arith.constant dense<0xFF800000> : vector<512xf32>
    %reduce_max3A_6 = vector.multi_reduction <maximumf>, %dot_general3A_5, %reduce_max3A [1] : vector<512x64xf32> to vector<512xf32>
    %broadcast_in_dim3A = vector.shape_cast %reduce_max3A_6 : vector<512xf32> to vector<512x1xf32>
    %reduce_min3A = arith.constant dense<0x7F800000> : vector<512xf32>
    %reduce_min3A_7 = vector.multi_reduction <minimumf>, %dot_general3A_5, %reduce_min3A [1] : vector<512x64xf32> to vector<512xf32>
    %broadcast_in_dim3A_8 = vector.shape_cast %reduce_min3A_7 : vector<512xf32> to vector<512x1xf32>
    %iota3A = tpu.iota {dimensions = array<i32: 1>} : vector<512x64xi32>
    %eq3A = vector.broadcast %broadcast_in_dim3A : vector<512x1xf32> to vector<512x64xf32>
    %eq3A_9 = arith.cmpf oeq, %dot_general3A_5, %eq3A : vector<512x64xf32>
    %jit3A = arith.constant 64 : i32
    %broadcast_in_dim3A_10 = vector.broadcast %jit3A : i32 to vector<512x64xi32>
    %select_n3A = arith.select %eq3A_9, %iota3A, %broadcast_in_dim3A_10 : vector<512x64xi1>, vector<512x64xi32>
    %reduce_min3A_11 = arith.constant dense<2147483647> : vector<512xi32>
    %reduce_min3A_12 = vector.multi_reduction <minsi>, %select_n3A, %reduce_min3A_11 [1] : vector<512x64xi32> to vector<512xi32>
    %broadcast_in_dim3A_13 = vector.shape_cast %reduce_min3A_12 : vector<512xi32> to vector<512x1xi32>
    %eq3A_14 = vector.broadcast %broadcast_in_dim3A_8 : vector<512x1xf32> to vector<512x64xf32>
    %eq3A_15 = arith.cmpf oeq, %dot_general3A_5, %eq3A_14 : vector<512x64xf32>
    %jit3A_16 = arith.constant 64 : i32
    %broadcast_in_dim3A_17 = vector.broadcast %jit3A_16 : i32 to vector<512x64xi32>
    %select_n3A_18 = arith.select %eq3A_15, %iota3A, %broadcast_in_dim3A_17 : vector<512x64xi1>, vector<512x64xi32>
    %reduce_min3A_19 = arith.constant dense<2147483647> : vector<512xi32>
    %reduce_min3A_20 = vector.multi_reduction <minsi>, %select_n3A_18, %reduce_min3A_19 [1] : vector<512x64xi32> to vector<512xi32>
    %broadcast_in_dim3A_21 = vector.shape_cast %reduce_min3A_20 : vector<512xi32> to vector<512x1xi32>
    %neg3A = arith.constant 0.000000e+00 : f32
    %neg3A_22 = vector.broadcast %neg3A : f32 to vector<512x1xf32>
    %neg3A_23 = arith.subf %neg3A_22, %broadcast_in_dim3A_8 : vector<512x1xf32>
    %ge3A = arith.cmpf oge, %broadcast_in_dim3A, %neg3A_23 : vector<512x1xf32>
    %add3A = arith.constant 64 : i32
    %add3A_24 = vector.broadcast %add3A : i32 to vector<512x1xi32>
    %add3A_25 = arith.addi %add3A_24, %broadcast_in_dim3A_21 : vector<512x1xi32>
    %select_n3A_26 = arith.select %ge3A, %broadcast_in_dim3A_13, %add3A_25 : vector<512x1xi1>, vector<512x1xi32>
    %swap3A = arith.constant 0 : index
    %swap3A_27 = arith.constant 0 : index
    %swap3A_28 = vector.load %arg3[%swap3A, %swap3A_27] : memref<512x1xi32, #tpu.memory_space<vmem>>, vector<512x1xi32>
    tpu.vector_store %arg3[%swap3A, %swap3A_27], %select_n3A_26 {strides = array<i32>} : memref<512x1xi32, #tpu.memory_space<vmem>>, vector<512x1xi32>,
    return
  }
  func.func @transform_0(%arg0: i32) -> (i32, i32) {
    %c0_i32 = arith.constant 0 : i32
    %c0_i32_0 = arith.constant 0 : i32
    return %arg0, %c0_i32 : i32, i32
  }
  func.func @transform_1(%arg0: i32) -> (i32, i32) {
    %c0_i32 = arith.constant 0 : i32
    %c0_i32_0 = arith.constant 0 : i32
    %c0_i32_1 = arith.constant 0 : i32
    return %c0_i32, %c0_i32_0 : i32, i32
  }
  func.func @transform_2(%arg0: i32) -> (i32, i32) {
    %c0_i32 = arith.constant 0 : i32
    %c0_i32_0 = arith.constant 0 : i32
    return %arg0, %c0_i32 : i32, i32
  }
}

module attributes {stable_mosaic.version = 14 : i64} {
  func.func @_pos_body(%arg0: memref<8192x1xi32, #tpu.memory_space<vmem>>, %arg1: memref<8192x1xi32, #tpu.memory_space<vmem>>) attributes {dimension_semantics = [], scalar_prefetch = 0 : i64, scratch_operands = 0 : i64, tpu.core_type = #tpu.core_type<tc>} {
    %iota3A = tpu.iota {dimensions = array<i32: 1>} : vector<256x128xi32>
    %iota3A_0 = tpu.iota {dimensions = array<i32: 0>} : vector<256x256xi32>
    %iota3A_1 = tpu.iota {dimensions = array<i32: 1>} : vector<256x256xi32>
    %lt3A = arith.cmpi slt, %iota3A_1, %iota3A_0 : vector<256x256xi32>
    %convert_element_type3A = arith.extui %lt3A : vector<256x256xi1> to vector<256x256xi32>
    %convert_element_type3A_2 = arith.sitofp %convert_element_type3A : vector<256x256xi32> to vector<256x256xf32>
    %iota3A_3 = tpu.iota {dimensions = array<i32: 0>} : vector<128x128xi32>
    %iota3A_4 = tpu.iota {dimensions = array<i32: 1>} : vector<128x128xi32>
    %lt3A_5 = arith.cmpi slt, %iota3A_3, %iota3A_4 : vector<128x128xi32>
    %convert_element_type3A_6 = arith.extui %lt3A_5 : vector<128x128xi1> to vector<128x128xi32>
    %convert_element_type3A_7 = arith.sitofp %convert_element_type3A_6 : vector<128x128xi32> to vector<128x128xf32>
    %broadcast_in_dim3A = arith.constant 0.000000e+00 : f32
    %broadcast_in_dim3A_8 = vector.broadcast %broadcast_in_dim3A : f32 to vector<1x128xf32>
    %scan3A = arith.constant 0 : i32
    %scan3A_9 = arith.constant 32 : i32
    %scan3A_10 = arith.addi %scan3A, %scan3A_9 : i32
    %scan3A_11 = arith.constant 1 : i32
    %scan3A_12 = scf.for %scan3A_23 = %scan3A to %scan3A_10 step %scan3A_11 iter_args(%scan3A_24 = %broadcast_in_dim3A_8) -> (vector<1x128xf32>)  : i32 {
      %mul3A = arith.constant 256 : i32
      %mul3A_25 = arith.muli %scan3A_23, %mul3A : i32
      %get3A = arith.index_cast %mul3A_25 : i32 to index
      %get3A_26 = arith.constant 0 : index
      %get3A_27 = vector.load %arg0[%get3A, %get3A_26] : memref<8192x1xi32, #tpu.memory_space<vmem>>, vector<256x1xi32>
      %eq3A = vector.broadcast %get3A_27 : vector<256x1xi32> to vector<256x128xi32>
      %eq3A_28 = arith.cmpi eq, %eq3A, %iota3A : vector<256x128xi32>
      %convert_element_type3A_29 = arith.extui %eq3A_28 : vector<256x128xi1> to vector<256x128xi32>
      %convert_element_type3A_30 = arith.sitofp %convert_element_type3A_29 : vector<256x128xi32> to vector<256x128xf32>
      %reduce_sum3A = arith.constant dense<0.000000e+00> : vector<128xf32>
      %reduce_sum3A_31 = vector.multi_reduction <add>, %convert_element_type3A_30, %reduce_sum3A [0] : vector<256x128xf32> to vector<128xf32>
      %broadcast_in_dim3A_32 = vector.shape_cast %reduce_sum3A_31 : vector<128xf32> to vector<1x128xf32>
      %add3A = arith.addf %scan3A_24, %broadcast_in_dim3A_32 : vector<1x128xf32>
      scf.yield %add3A : vector<1x128xf32>
    }
    %scan3A_13 = arith.constant 32 : i32
    %dot_general3A = arith.constant dense<0.000000e+00> : vector<1x128xf32>
    %dot_general3A_14 = tpu.matmul %scan3A_12, %convert_element_type3A_7, %dot_general3A {dimension_numbers = #tpu.dot_dimension_numbers<[1], [0], [0], [1], [0, 0, 1, 1], [], []>, transpose_lhs_hint = false} : vector<1x128xf32>, vector<128x128xf32>, vector<1x128xf32> -> vector<1x128xf32>
    %broadcast_in_dim3A_15 = arith.constant 0.000000e+00 : f32
    %broadcast_in_dim3A_16 = vector.broadcast %broadcast_in_dim3A_15 : f32 to vector<1x128xf32>
    %scan3A_17 = arith.constant 0 : i32
    %scan3A_18 = arith.constant 32 : i32
    %scan3A_19 = arith.addi %scan3A_17, %scan3A_18 : i32
    %scan3A_20 = arith.constant 1 : i32
    %scan3A_21 = scf.for %scan3A_23 = %scan3A_17 to %scan3A_19 step %scan3A_20 iter_args(%scan3A_24 = %broadcast_in_dim3A_16) -> (vector<1x128xf32>)  : i32 {
      %mul3A = arith.constant 256 : i32
      %mul3A_25 = arith.muli %scan3A_23, %mul3A : i32
      %get3A = arith.index_cast %mul3A_25 : i32 to index
      %get3A_26 = arith.constant 0 : index
      %get3A_27 = vector.load %arg0[%get3A, %get3A_26] : memref<8192x1xi32, #tpu.memory_space<vmem>>, vector<256x1xi32>
      %eq3A = vector.broadcast %get3A_27 : vector<256x1xi32> to vector<256x128xi32>
      %eq3A_28 = arith.cmpi eq, %eq3A, %iota3A : vector<256x128xi32>
      %convert_element_type3A_29 = arith.extui %eq3A_28 : vector<256x128xi1> to vector<256x128xi32>
      %convert_element_type3A_30 = arith.sitofp %convert_element_type3A_29 : vector<256x128xi32> to vector<256x128xf32>
      %dot_general3A_31 = arith.constant dense<0.000000e+00> : vector<256x128xf32>
      %dot_general3A_32 = tpu.matmul %convert_element_type3A_2, %convert_element_type3A_30, %dot_general3A_31 {dimension_numbers = #tpu.dot_dimension_numbers<[1], [0], [0], [1], [0, 0, 1, 1], [], []>, transpose_lhs_hint = false} : vector<256x256xf32>, vector<256x128xf32>, vector<256x128xf32> -> vector<256x128xf32>
      %add3A = vector.broadcast %scan3A_24 : vector<1x128xf32> to vector<256x128xf32>
      %add3A_33 = arith.addf %dot_general3A_32, %add3A : vector<256x128xf32>
      %add3A_34 = vector.broadcast %dot_general3A_14 : vector<1x128xf32> to vector<256x128xf32>
      %add3A_35 = arith.addf %add3A_33, %add3A_34 : vector<256x128xf32>
      %mul3A_36 = arith.mulf %convert_element_type3A_30, %add3A_35 : vector<256x128xf32>
      %reduce_sum3A = arith.constant dense<0.000000e+00> : vector<256xf32>
      %reduce_sum3A_37 = vector.multi_reduction <add>, %mul3A_36, %reduce_sum3A [1] : vector<256x128xf32> to vector<256xf32>
      %broadcast_in_dim3A_38 = vector.shape_cast %reduce_sum3A_37 : vector<256xf32> to vector<256x1xf32>
      %convert_element_type3A_39 = arith.fptosi %broadcast_in_dim3A_38 : vector<256x1xf32> to vector<256x1xi32>
      %mul3A_40 = arith.constant 256 : i32
      %mul3A_41 = arith.muli %scan3A_23, %mul3A_40 : i32
      %swap3A = arith.index_cast %mul3A_41 : i32 to index
      %swap3A_42 = arith.constant 0 : index
      %swap3A_43 = vector.load %arg1[%swap3A, %swap3A_42] : memref<8192x1xi32, #tpu.memory_space<vmem>>, vector<256x1xi32>
      tpu.vector_store %arg1[%swap3A, %swap3A_42], %convert_element_type3A_39 {strides = array<i32>} : memref<8192x1xi32, #tpu.memory_space<vmem>>, vector<256x1xi32>,
      %reduce_sum3A_44 = arith.constant dense<0.000000e+00> : vector<128xf32>
      %reduce_sum3A_45 = vector.multi_reduction <add>, %convert_element_type3A_30, %reduce_sum3A_44 [0] : vector<256x128xf32> to vector<128xf32>
      %broadcast_in_dim3A_46 = vector.shape_cast %reduce_sum3A_45 : vector<128xf32> to vector<1x128xf32>
      %add3A_47 = arith.addf %scan3A_24, %broadcast_in_dim3A_46 : vector<1x128xf32>
      scf.yield %add3A_47 : vector<1x128xf32>
    }
    %scan3A_22 = arith.constant 32 : i32
    return
  }
}

</mosaic_0001>

<sc_bundles>
// kernel: kernel.5.cloned.1.call-start
scs
__scs_entry_jumppad:
0x0: {  	(pc) =	sbr.rel $0x88, $3  }
0x1: {  	(tag) =	ssettag $0x0;
	lr =	simm.s32 $0x1  }
0x2: {  	[smem:$0x3F9F] =	sst lr;
	_ =	strace $0xD0000000  }
0x3: {  	_ = 	snop  }
0x4: {  	_ = 	snop  }
0x5: {  	_ = 	snop  }
0x6: {  	_ = 	snop  }
0x7: {  	_ = 	snop  }
__scs_overlays_trampoline_lowered:
0x8: {  	[smem:$0x3FAE] =	sst s0  }
0x9: {  	[smem:$0x3FAF] =	sst s1  }
0xa: {  	[smem:$0x3FB0] =	sst s2  }
0xb: {  	[smem:$0x3FB1] =	sst s3  }
0xc: {  	[smem:$0x3FB2] =	sst s4  }
0xd: {  	[smem:$0x3FB3] =	sst s5  }
0xe: {  	[smem:$0x3FB4] =	sst s6  }
0xf: {  	[smem:$0x3FB5] =	sst s7  }
0x10: {  	[smem:$0x3FB6] =	sst s8  }
0x11: {  	[smem:$0x3FB7] =	sst s9;
	s0 =	simm.s32 @!p0 $0x0  }
0x12: {  	s1 =	sld [smem:$0x3F9D];
	s0 =	simm.s32 @p0 $0x1  }
0x13: {  	[smem:$0x3FB8] =	sst s0;
	s0 =	simm.s32 @!p1 $0x0  }
0x14: {  	s2 =	sld [smem:$0x3F9C];
	s0 =	simm.s32 @p1 $0x1  }
0x15: {  	[smem:$0x3FB9] =	sst s0;
	s0 =	simm.s32 @!p2 $0x0  }
0x16: {  	s3 =	sld [smem:$0x3FDB];
	s0 =	simm.s32 @p2 $0x1  }
0x17: {  	s4 =	simm.s32 $0x1BF5;
	[smem:$0x3FBB] =	sst s0  }
0x18: {  	s0 =	sld [smem:$0x3F9E];
	_ =	swait.ge [sflag:s4], $0x0  }
0x19: {  	s7 =	sld [smem:$0x3F9F]  }
0x1a: {  	s8 =	sadd.s32 $0xFFFFE003, lr  }
0x1b: {  	s9 =	sadd.s32 $0xFFFFFEF7, lr;
	s5 =	simm.s32 $0xFFFFFFFF;
	p2 =	slt.u32 s8, $0xFFFFF086  }
0x1c: {  	p1 =	slt.u32 s9, $0xF7A;
	s5 =	simm.s32 @!p2 $0x0  }
0x1d: {  	s5 =	simm.s32 @p1 $0x1;
	p0 =	seq.s32 s7, s2  }
0x1e: {  	s7 =	smul.u32 @!p0 $0xF7A, s2;
	p2 =	seq.s32 @!p0 s5, $0x0  }
0x1f: {  	s9 =	smul.u32 $0xF7A, s1;
	s8 =	simm.s32 @!p0 $0x1BF5;
	p2 =	por !p2, p0  }
0x20: {  	[sflag:s8] =	ssyncset.s32 @!p0 $0xFFFFF086;
	s6 =	sadd.s32 @!p0 s3, s7;
	s7 =	simm.s32 @!p0 $0x108  }
0x21: {  	s3 =	sadd.s32 s3, s9;
	s6 =	sadd.s32 @!p0 $0x88, s6;
	s7 =	simm.s32 @p2 $0x1082  }
0x22: {  	[simem:s7], [sflag:s8] =	dma.local @!p0 [hbm:s6], $0xF7A  }
0x23: {  	s9 =	sor.u32 $0xD0000000, s2;
	s6 =	simm.s32 $0x108;
	_ =	swait.ge @!p0 [sflag:s8], $0x0  }
0x24: {  	s3 =	sadd.s32 $0x88, s3;
	s6 =	simm.s32 @!p1 $0x1082;
	[sflag:s4] =	ssyncset.s32 $0xFFFFF086  }
0x25: {  	[simem:s6], [sflag:s4] =	dma.local [hbm:s3], $0xF7A  }
0x26: {  	[smem:$0x3F9F] =	sst s1;
	(tag) =	ssettag s2;
	_ =	strace s9  }
0x27: {  	s1 =	sld [smem:$0x3FAF]  }
0x28: {  	s2 =	sld [smem:$0x3FB0]  }
0x29: {  	s4 =	sld [smem:$0x3FB2]  }
0x2a: {  	p0 =	seq.s32 s5, $0x0;
	s5 =	sld [smem:$0x3FB3]  }
0x2b: {  	s6 =	sld [smem:$0x3FB4]  }
0x2c: {  	s7 =	sld [smem:$0x3FB5]  }
0x2d: {  	s3 =	simm.s32 $0x108;
	s8 =	sld [smem:$0x3FB6]  }
0x2e: {  	s3 =	simm.s32 @!p0 $0x1082;
	s9 =	sld [smem:$0x3FB7]  }
0x2f: {  	lr =	sadd.s32 s0, s3;
	s0 =	sld [smem:$0x3FAE]  }
0x30: {  	s3 =	sld [smem:$0x3FB1]  }
0x31: {  	[smem:$0x3FBA] =	sst s10  }
0x32: {  	s10 =	sld [smem:$0x3FB8];
	_ =	sdelay $0x3  }
0x33: {  	p0 =	seq.s32 s10, $0x1;
	s10 =	sld [smem:$0x3FBA];
	_ =	sdelay $0x3  }
0x34: {  	[smem:$0x3FBA] =	sst s10  }
0x35: {  	s10 =	sld [smem:$0x3FB9];
	_ =	sdelay $0x3  }
0x36: {  	p1 =	seq.s32 s10, $0x1;
	s10 =	sld [smem:$0x3FBA];
	_ =	sdelay $0x3  }
0x37: {  	[smem:$0x3FBA] =	sst s10  }
0x38: {  	s10 =	sld [smem:$0x3FBB]  }
0x39: {  	_ = 	snop;
	(pc) =	sbr.ind lr, $3  }
0x3a: {  	_ = 	snop  }
0x3b: {  	_ = 	snop  }
0x3c: {  	p2 =	seq.s32 s10, $0x1;
	s10 =	sld [smem:$0x3FBA]  }
0x3d: {  	_ =	shalt  }
0x3e: {  	_ =	shalt  }
0x3f: {  	_ =	shalt  }
0x40: {  	_ =	shalt  }
0x41: {  	_ =	shalt  }
0x42: {  	_ =	shalt  }
0x43: {  	_ =	shalt  }
0x44: {  	_ =	shalt  }
0x45: {  	_ =	shalt  }
0x46: {  	_ =	shalt  }
0x47: {  	_ =	shalt  }
0x48: {  	_ =	shalt  }
0x49: {  	_ =	shalt  }
0x4a: {  	_ =	shalt  }
0x4b: {  	_ =	shalt  }
0x4c: {  	_ =	shalt  }
0x4d: {  	_ =	shalt  }
0x4e: {  	_ =	shalt  }
0x4f: {  	_ =	shalt  }
0x50: {  	_ =	shalt  }
0x51: {  	_ =	shalt  }
0x52: {  	_ =	shalt  }
0x53: {  	_ =	shalt  }
0x54: {  	_ =	shalt  }
0x55: {  	_ =	shalt  }
0x56: {  	_ =	shalt  }
0x57: {  	_ =	shalt  }
0x58: {  	_ =	shalt  }
0x59: {  	_ =	shalt  }
0x5a: {  	_ =	shalt  }
0x5b: {  	_ =	shalt  }
0x5c: {  	_ =	shalt  }
0x5d: {  	_ =	shalt  }
0x5e: {  	_ =	shalt  }
0x5f: {  	_ =	shalt  }
0x60: {  	_ =	shalt  }
0x61: {  	_ =	shalt  }
0x62: {  	_ =	shalt  }
0x63: {  	_ =	shalt  }
0x64: {  	_ =	shalt  }
0x65: {  	_ =	shalt  }
0x66: {  	_ =	shalt  }
0x67: {  	_ =	shalt  }
0x68: {  	_ =	shalt  }
0x69: {  	_ =	shalt  }
0x6a: {  	_ =	shalt  }
0x6b: {  	_ =	shalt  }
0x6c: {  	_ =	shalt  }
0x6d: {  	_ =	shalt  }
0x6e: {  	_ =	shalt  }
0x6f: {  	_ =	shalt  }
0x70: {  	_ =	shalt  }
0x71: {  	_ =	shalt  }
0x72: {  	_ =	shalt  }
0x73: {  	_ =	shalt  }
0x74: {  	_ =	shalt  }
0x75: {  	_ =	shalt  }
0x76: {  	_ =	shalt  }
0x77: {  	_ =	shalt  }
0x78: {  	_ =	shalt  }
0x79: {  	_ =	shalt  }
0x7a: {  	_ =	shalt  }
0x7b: {  	_ =	shalt  }
0x7c: {  	_ =	shalt  }
0x7d: {  	_ =	shalt  }
0x7e: {  	_ =	shalt  }
0x7f: {  	_ =	shalt  }
0x80: {  	_ =	shalt  }
0x81: {  	_ =	shalt  }
0x82: {  	_ =	shalt  }
0x83: {  	_ =	shalt  }
0x84: {  	_ =	shalt  }
0x85: {  	_ =	shalt  }
0x86: {  	_ =	shalt  }
0x87: {  	_ =	shalt  }
.Lfunc_end0:
.L_simem_size_0:
called_computation_lowered:
.L_overlay_start_0:
0x88: {  	s2 =	sld [smem:$0x3FD9]  }
0x89: {  	s3 =	sld [smem:$0x3FFE];
	_ =	sdelay $0x1  }
0x8a: {  	s1 =	srdreg.scid  }
0x8b: {  	s0 =	sand.u32 $0x1, s1  }
0x8c: {  	s17 =	sshll.u32 s0, $0xA;
	s2 =	sadd.s32 s3, s2  }
0x8d: {  	s2 =	sadd.s32 s2, s17  }
0x8e: {  	[smem:$0x3FC6] =	sst s2  }
0x8f: {  	_ = 	snop  }
0x90: {  	s2 =	sld [smem:$0x3FC9]  }
0x91: {  	s18 =	sld [smem:$0x3FD0];
	(tm) =	ssettm $0x1  }
0x92: {  	s4 =	sld [smem:$0x3FFB];
	_ =	sdelay $0x3  }
0x93: {  	_ =	strace s4  }
0x94: {  	s4 =	sld [smem:$0x3FFC];
	_ =	sdelay $0x3  }
0x95: {  	_ =	strace s4  }
0x96: {  	s4 =	sld [smem:$0x3FFD];
	_ =	sdelay $0x3  }
0x97: {  	_ =	strace s4  }
0x98: {  	_ =	strace $0x8FFFFFFF  }
0x99: {  	s19 =	sld [smem:$0x3FDB];
	_ =	sdelay $0x1  }
0x9a: {  	s5 =	simm.s32 $_scs_section_size  }
0x9b: {  	s6 =	simm.s32 $_size__tile_overlayer_lowered;
	s7 =	simm.s32 $_tile_overlayer_lowered  }
0x9c: {  	s22 =	simm.s32 $0x1BFF;
	s21 =	sshll.u32 s7, $0x1;
	s4 =	sadd.s32 s5, s19  }
0x9d: {  	s8 =	simm.s32 $0x0;
	s20 =	sshll.u32 s6, $0x1;
	s6 =	sadd.s32 s21, s4  }
0x9e: {  	[timem:s8], [sflag:s22] =	dma.local [hbm:s6], s20  }
0x9f: {  	_ =	swait.ge [sflag:s22], s20  }
0xa0: {  	s5 =	ssub.s32 $0x0, s20;
	[sflag:s22] =	ssyncset.done $0x0  }
0xa1: {  	[sflag:s22] =	ssyncadd.s32 s5;
	_ =	sdelay $0x1  }
0xa2: {  	s23 =	simm.s32 $0x1B8B  }
0xa3: {  	_ =	swait.ge [sflag:s23], $0x1  }
0xa4: {  	[sflag:s23] =	ssyncset.done $0x0  }
0xa5: {  	s25 =	simm.s32 $0x1B8E;
	s24 =	sld [smem:$0x3FFE];
	[sflag:s23] =	ssyncadd.s32 $0xFFFFFFFF  }
0xa6: {  	s26 =	simm.s32 $execute0_lowered;
	[smem:$0x3FD2] =	sst s25  }
0xa7: {  	s6 =	sshll.u32 s26, $0x1;
	_ =	strace $0x80000046;
	[dreg:$0x1] =	wrdreg $0xFFFFFFFF  }
0xa8: {  	s28 =	simm.s32 $_size_execute0_lowered;
	s4 =	sadd.s32 s4, s6;
	[dreg:$0x0] =	wrdreg $0x0  }
0xa9: {  	s6 =	sshll.u32 s28, $0x1;
	[dreg:$0x2] =	wrdreg s4  }
0xaa: {  	[dreg:$0x3] =	wrdreg s6  }
0xab: {  	[dreg:$0x4] =	wrdreg $0xC0  }
0xac: {  	_ =	task [dreg:s8], $0x5FFFF  }
0xad: {  	[dreg:$0x1] =	wrdreg $0xFFFFFFFF  }
0xae: {  	[dreg:$0x0] =	wrdreg $0x60  }
0xaf: {  	[dreg:$0x2] =	wrdreg s2  }
0xb0: {  	[dreg:$0x3] =	wrdreg s24  }
0xb1: {  	[dreg:$0x4] =	wrdreg s18  }
0xb2: {  	[dreg:$0x5] =	wrdreg $0x9  }
0xb3: {  	_ =	task.clear_ibuf [dreg:s8], $0x6FFFF;
	_ =	strace $0x90000046  }
0xb4: {  	s29 =	simm.s32 $0x9;
	_ =	strace $0x80000048  }
0xb5: {  	_ =	swait.ge [sflag:s29], $0x1  }
0xb6: {  	[sflag:s29] =	ssyncadd.s32 $0xFFFFFFFF  }
0xb7: {  	_ =	strace $0x90000048  }
0xb8: {  	_ =	sfence  }
0xb9: {  	s30 =	sld [smem:$0x0];
	_ =	sdelay $0x2  }
0xba: {  	s31 =	sshll.u32 s1, $0xD;
	s1 =	sshrl.u32 s1, $0x2  }
0xbb: {  	s3 =	sand.u32 $0x4000, s31;
	s1 =	sadd.s32 s1, s30  }
0xbc: {  	s0 =	sor.u32 s3, s0;
	s1 =	sshll.u32 s1, $0x11  }
0xbd: {  	s0 =	sor.u32 s1, s0  }
0xbe: {  	s0 =	sadd.s32 $0x8F2B, s0  }
0xbf: {  	[sflag:s0] =	ssyncadd.remote.s32 $0x1  }
0xc0: {  	_ =	sfence.sel $0xFFFF  }
0xc1: {  	[dreg:$0x0] =	wrdreg $0xFFFFFFFF;
	(pc) =	sbr.abs _section_cstart, $3  }
0xc2: {  	[dreg:$0x1] =	wrdreg $0xFFFFFFFF  }
0xc3: {  	_ =	task.clear_ibuf [dreg:s8], $0x2FFFF;
	_ =	strace $0x9FFFFFFF  }
0xc4: {  	(tm) =	ssettm $0x7FFFFFFF  }
0xc5: {  	_ =	shalt  }
tec
execute0_lowered:
.L_overlay_start_1:
0x0: {  	(tag) =	ssettag $0x1  }
0x1: {  	s3 =	srdreg.scid;
	s5 =	stileid.u32  }
0x2: {  	s0 =	rddreg [dreg:$0x0];
	s4 =	sand.u32 $0x1, s3;
	s5 =	sshll.u32 s5, $0x1  }
0x3: {  	s1 =	rddreg [dreg:$0x1];
	s5 =	sor.u32 s4, s5  }
0x4: {  	s2 =	rddreg [dreg:$0x2];
	s3 =	simm.s32 $0x0;
	s6 =	sshll.u32 s5, $0x9  }
0x5: {  	[smem:$0x7FF] =	sst s3;
	s5 =	sshll.u32 s5, $0x11;
	s1 =	sadd.s32 s1, s6  }
0x6: {  	_ =	strace $0x80000047;
	s19 =	sadd.s32 s0, s5;
	[dreg:$0x4] =	wrdreg s1  }
0x7: {  	s0 =	sadd.s32 $0x1000, s19;
	[smem:$0x7FC] =	sst s19  }
0x8: {  	s24 =	sadd.s32 $0x2000, s19;
	[dreg:$0x5] =	wrdreg s0  }
0x9: {  	s25 =	sadd.s32 $0x3000, s19;
	[dreg:$0x6] =	wrdreg s24  }
0xa: {  	s26 =	sadd.s32 $0x4000, s19;
	[dreg:$0x7] =	wrdreg s25  }
0xb: {  	s28 =	sadd.s32 $0x5000, s19;
	[dreg:$0x8] =	wrdreg s26  }
0xc: {  	s30 =	sadd.s32 $0x6000, s19;
	[dreg:$0x9] =	wrdreg s28  }
0xd: {  	s31 =	sadd.s32 $0x7000, s19;
	[dreg:$0xa] =	wrdreg s30  }
0xe: {  	s1 =	sadd.s32 $0x8000, s19;
	[dreg:$0xb] =	wrdreg s31  }
0xf: {  	s5 =	sadd.s32 $0x9000, s19;
	[dreg:$0xc] =	wrdreg s1  }
0x10: {  	s6 =	sadd.s32 $0xA000, s19;
	[dreg:$0xd] =	wrdreg s5  }
0x11: {  	s7 =	sadd.s32 $0xB000, s19;
	[dreg:$0xe] =	wrdreg s6  }
0x12: {  	s8 =	sadd.s32 $0xC000, s19;
	[dreg:$0xf] =	wrdreg s7  }
0x13: {  	s9 =	sadd.s32 $0xD000, s19;
	[dreg:$0x10] =	wrdreg s8  }
0x14: {  	s10 =	sadd.s32 $0xE000, s19;
	[dreg:$0x11] =	wrdreg s9  }
0x15: {  	s29 =	simm.s32 $0x2;
	s12 =	sadd.s32 $0xF000, s19;
	[dreg:$0x12] =	wrdreg s10  }
0x16: {  	s11 =	ssub.s32 $0x2, s4;
	s13 =	sadd.s32 $0x10000, s19;
	[dreg:$0x13] =	wrdreg s12  }
0x17: {  	s4 =	sshrl.u32 s11, $0x1;
	s14 =	sadd.s32 $0x11000, s19;
	[dreg:$0x14] =	wrdreg s13  }
0x18: {  	s15 =	sadd.s32 $0x12000, s19;
	s16 =	sadd.s32 $0x13000, s19;
	[dreg:$0x15] =	wrdreg s14  }
0x19: {  	s17 =	sadd.s32 $0x14000, s19;
	s18 =	sadd.s32 $0x15000, s19;
	[dreg:$0x16] =	wrdreg s15  }
0x1a: {  	s20 =	sadd.s32 $0x16000, s19;
	s21 =	sadd.s32 $0x17000, s19;
	[dreg:$0x17] =	wrdreg s16  }
0x1b: {  	s22 =	sadd.s32 $0x18000, s19;
	s23 =	sadd.s32 $0x19000, s19;
	[dreg:$0x18] =	wrdreg s17  }
0x1c: {  	s1 =	ssub.s32 s11, s4;
	s5 =	sadd.s32 $0x100, s2;
	[dreg:$0x19] =	wrdreg s18  }
0x1d: {  	s6 =	sadd.s32 $0x200, s2;
	s7 =	sadd.s32 $0x300, s2;
	[dreg:$0x1a] =	wrdreg s20  }
0x1e: {  	s8 =	sadd.s32 $0x400, s2;
	s9 =	sadd.s32 $0x500, s2;
	[dreg:$0x1b] =	wrdreg s21  }
0x1f: {  	s10 =	sadd.s32 $0x600, s2;
	s11 =	sadd.s32 $0x700, s2;
	[dreg:$0x1c] =	wrdreg s22  }
0x20: {  	s12 =	sadd.s32 $0x800, s2;
	s13 =	sadd.s32 $0x900, s2;
	[dreg:$0x1d] =	wrdreg s23  }
0x21: {  	s24 =	sadd.s32 $0x1A000, s19;
	s14 =	sadd.s32 $0xA00, s2;
	s25 =	sadd.s32 $0x1B000, s19  }
0x22: {  	s15 =	sadd.s32 $0xB00, s2;
	s26 =	sadd.s32 $0x1C000, s19;
	[dreg:$0x1e] =	wrdreg s24  }
0x23: {  	s16 =	sadd.s32 $0xC00, s2;
	s28 =	sadd.s32 $0x1D000, s19;
	[dreg:$0x1f] =	wrdreg s25  }
0x24: {  	s17 =	sadd.s32 $0xD00, s2;
	s30 =	sadd.s32 $0x1E000, s19;
	[smem:$0x7F9] =	sst s26  }
0x25: {  	v0 =	vlaneseq.u32;
	s18 =	sadd.s32 $0xE00, s2;
	s31 =	sadd.s32 $0x1F000, s19;
	[smem:$0x7FA] =	sst s28  }
0x26: {  	v1 =	vshrl.u32 v0, $0x3;
	s19 =	sadd.s32 $0xF00, s2;
	s23 =	simm.s32 $0x1;
	[smem:$0x7FB] =	sst s30  }
0x27: {  	vm0 =	vmmov $0xffff;
	v0 =	vand.u32 $0x7, v0;
	v1 =	vmul.u32 $0x8, v1;
	s4 =	simm.s32 $0x3;
	[smem:$0x7FD] =	sst s31;
	s20 =	smax.u32 s1, $0x1  }
.LBB2_1:
0x28: {  	[smem:$0x7F8] =	sst s20  }
0x29: {  	s21 =	rddreg [dreg:$0x4];
	s22 =	simm.s32 $0x4  }
0x2a: {  	[tilespmem:s3], [sflag:$0x4] =	stream.linear.gather [hbm4b:s21+s3], $0x1000, $0x38;
	[tilespmem:$0x11000] =	vst v63  }
0x2b: {  	_ =	swait.ge [sflag:s22], $0x1000  }
0x2c: {  	s24 =	sld [smem:$0x7FC]  }
0x2d: {  	[sflag:s22] =	ssyncset.done $0x0  }
0x2e: {  	s0 =	simm.s32 $0x1000;
	[sflag:s22] =	ssyncadd.s32 $0xFFFFF000  }
0x2f: {  	[tilespmem:s0], [sflag:$0x1] =	stream.linear.gather [hbm4b:s24+s3], $0x8000, $0x38;
	[tilespmem:$0x11000] =	vst v63  }
0x30: {  	_ =	swait.ge [sflag:s23], $0x8000  }
0x31: {  	[sflag:s23] =	ssyncset.done $0x0  }
0x32: {  	[sflag:s23] =	ssyncadd.s32 $0xFFFF8000  }
0x33: {  	v2 =	vld.msk [tilespmem:$0x0], $0xff;
	_ =	sdelay $0x4  }
0x34: {  	v3 =	vshll.u32 v2, $0x5  }
0x35: {  	v2 =	vand.u32 $0x7, v2;
	v3 =	vand.u32 $0xFFFFFF00, v3  }
0x36: {  	v2 =	vor.u32 v2, v3  }
0x37: {  	v2 =	vperm.xlane v2, v0;
	_ =	sdelay $0x1  }
0x38: {  	v2 =	vadd.s32 v1, v2;
	_ =	sdelay $0x3  }
0x39: {  	s25 =	simm.s32 $0x1000;
	s1 =	rddreg [dreg:$0x2]  }
0x3a: {  	[hbm4b:s1+s3] =	stream.indirect_vreg.scatter [tilespmem:s25], [sflag:$0x2], $0x80, v2, vm0, $0xb8;
	[tilespmem:$0x11000] =	vst v63  }
0x3b: {  	s26 =	simm.s32 $0x1800  }
0x3c: {  	[hbm4b:s5+s3] =	stream.indirect_vreg.scatter [tilespmem:s26], [sflag:$0x2], $0x80, v2, vm0, $0xb8;
	[tilespmem:$0x11000] =	vst v63  }
0x3d: {  	s28 =	simm.s32 $0x2000  }
0x3e: {  	[hbm4b:s6+s3] =	stream.indirect_vreg.scatter [tilespmem:s28], [sflag:$0x2], $0x80, v2, vm0, $0xb8;
	[tilespmem:$0x11000] =	vst v63  }
0x3f: {  	s30 =	simm.s32 $0x2800  }
0x40: {  	[hbm4b:s7+s3] =	stream.indirect_vreg.scatter [tilespmem:s30], [sflag:$0x2], $0x80, v2, vm0, $0xb8;
	[tilespmem:$0x11000] =	vst v63  }
0x41: {  	s31 =	simm.s32 $0x3000  }
0x42: {  	[hbm4b:s8+s3] =	stream.indirect_vreg.scatter [tilespmem:s31], [sflag:$0x2], $0x80, v2, vm0, $0xb8;
	[tilespmem:$0x11000] =	vst v63  }
0x43: {  	s2 =	simm.s32 $0x3800  }
0x44: {  	[hbm4b:s9+s3] =	stream.indirect_vreg.scatter [tilespmem:s2], [sflag:$0x2], $0x80, v2, vm0, $0xb8;
	[tilespmem:$0x11000] =	vst v63  }
0x45: {  	s20 =	simm.s32 $0x4000  }
0x46: {  	[hbm4b:s10+s3] =	stream.indirect_vreg.scatter [tilespmem:s20], [sflag:$0x2], $0x80, v2, vm0, $0xb8;
	[tilespmem:$0x11000] =	vst v63  }
0x47: {  	s21 =	simm.s32 $0x4800  }
0x48: {  	[hbm4b:s11+s3] =	stream.indirect_vreg.scatter [tilespmem:s21], [sflag:$0x2], $0x80, v2, vm0, $0xb8;
	[tilespmem:$0x11000] =	vst v63  }
0x49: {  	s30 =	simm.s32 $0x5000  }
0x4a: {  	[hbm4b:s12+s3] =	stream.indirect_vreg.scatter [tilespmem:s30], [sflag:$0x2], $0x80, v2, vm0, $0xb8;
	[tilespmem:$0x11000] =	vst v63  }
0x4b: {  	s31 =	simm.s32 $0x5800  }
0x4c: {  	[hbm4b:s13+s3] =	stream.indirect_vreg.scatter [tilespmem:s31], [sflag:$0x2], $0x80, v2, vm0, $0xb8;
	[tilespmem:$0x11000] =	vst v63  }
0x4d: {  	s20 =	simm.s32 $0x6000  }
0x4e: {  	[hbm4b:s14+s3] =	stream.indirect_vreg.scatter [tilespmem:s20], [sflag:$0x2], $0x80, v2, vm0, $0xb8;
	[tilespmem:$0x11000] =	vst v63  }
0x4f: {  	s30 =	simm.s32 $0x6800  }
0x50: {  	[hbm4b:s15+s3] =	stream.indirect_vreg.scatter [tilespmem:s30], [sflag:$0x2], $0x80, v2, vm0, $0xb8;
	[tilespmem:$0x11000] =	vst v63  }
0x51: {  	s31 =	simm.s32 $0x7000  }
0x52: {  	[hbm4b:s16+s3] =	stream.indirect_vreg.scatter [tilespmem:s31], [sflag:$0x2], $0x80, v2, vm0, $0xb8;
	[tilespmem:$0x11000] =	vst v63  }
0x53: {  	s20 =	simm.s32 $0x7800  }
0x54: {  	[hbm4b:s17+s3] =	stream.indirect_vreg.scatter [tilespmem:s20], [sflag:$0x2], $0x80, v2, vm0, $0xb8;
	[tilespmem:$0x11000] =	vst v63  }
0x55: {  	s30 =	simm.s32 $0x8000  }
0x56: {  	[hbm4b:s18+s3] =	stream.indirect_vreg.scatter [tilespmem:s30], [sflag:$0x2], $0x80, v2, vm0, $0xb8;
	[tilespmem:$0x11000] =	vst v63  }
0x57: {  	s31 =	simm.s32 $0x8800  }
0x58: {  	[hbm4b:s19+s3] =	stream.indirect_vreg.scatter [tilespmem:s31], [sflag:$0x2], $0x80, v2, vm0, $0xb8;
	[tilespmem:$0x11000] =	vst v63  }
0x59: {  	s0 =	simm.s32 $0x9000;
	s20 =	rddreg [dreg:$0x5]  }
0x5a: {  	[tilespmem:s0], [sflag:$0x1] =	stream.linear.gather [hbm4b:s20+s3], $0x8000, $0x38;
	[tilespmem:$0x11000] =	vst v63  }
0x5b: {  	_ =	swait.ge [sflag:s29], $0x8000  }
0x5c: {  	[sflag:s29] =	ssyncset.done $0x0  }
0x5d: {  	[sflag:s29] =	ssyncadd.s32 $0xFFFF8000  }
0x5e: {  	_ =	swait.ge [sflag:s23], $0x8000  }
0x5f: {  	[sflag:s23] =	ssyncset.done $0x0  }
0x60: {  	[sflag:s23] =	ssyncadd.s32 $0xFFFF8000  }
0x61: {  	v2 =	vld.msk [tilespmem:$0x80], $0xff;
	_ =	sdelay $0x4  }
0x62: {  	v3 =	vshll.u32 v2, $0x5  }
0x63: {  	v2 =	vand.u32 $0x7, v2;
	v3 =	vand.u32 $0xFFFFFF00, v3  }
0x64: {  	v2 =	vor.u32 v2, v3  }
0x65: {  	v2 =	vperm.xlane v2, v0;
	_ =	sdelay $0x1  }
0x66: {  	v2 =	vadd.s32 v1, v2;
	_ =	sdelay $0x3  }
0x67: {  	s20 =	simm.s32 $0x9000  }
0x68: {  	[hbm4b:s1+s3] =	stream.indirect_vreg.scatter [tilespmem:s20], [sflag:$0x3], $0x80, v2, vm0, $0xb8;
	[tilespmem:$0x11000] =	vst v63  }
0x69: {  	s20 =	simm.s32 $0x9800  }
0x6a: {  	[hbm4b:s5+s3] =	stream.indirect_vreg.scatter [tilespmem:s20], [sflag:$0x3], $0x80, v2, vm0, $0xb8;
	[tilespmem:$0x11000] =	vst v63  }
0x6b: {  	s20 =	simm.s32 $0xA000  }
0x6c: {  	[hbm4b:s6+s3] =	stream.indirect_vreg.scatter [tilespmem:s20], [sflag:$0x3], $0x80, v2, vm0, $0xb8;
	[tilespmem:$0x11000] =	vst v63  }
0x6d: {  	s20 =	simm.s32 $0xA800  }
0x6e: {  	[hbm4b:s7+s3] =	stream.indirect_vreg.scatter [tilespmem:s20], [sflag:$0x3], $0x80, v2, vm0, $0xb8;
	[tilespmem:$0x11000] =	vst v63  }
0x6f: {  	s20 =	simm.s32 $0xB000  }
0x70: {  	[hbm4b:s8+s3] =	stream.indirect_vreg.scatter [tilespmem:s20], [sflag:$0x3], $0x80, v2, vm0, $0xb8;
	[tilespmem:$0x11000] =	vst v63  }
0x71: {  	s20 =	simm.s32 $0xB800  }
0x72: {  	[hbm4b:s9+s3] =	stream.indirect_vreg.scatter [tilespmem:s20], [sflag:$0x3], $0x80, v2, vm0, $0xb8;
	[tilespmem:$0x11000] =	vst v63  }
0x73: {  	s20 =	simm.s32 $0xC000  }
0x74: {  	[hbm4b:s10+s3] =	stream.indirect_vreg.scatter [tilespmem:s20], [sflag:$0x3], $0x80, v2, vm0, $0xb8;
	[tilespmem:$0x11000] =	vst v63  }
0x75: {  	s20 =	simm.s32 $0xC800  }
0x76: {  	[hbm4b:s11+s3] =	stream.indirect_vreg.scatter [tilespmem:s20], [sflag:$0x3], $0x80, v2, vm0, $0xb8;
	[tilespmem:$0x11000] =	vst v63  }
0x77: {  	s20 =	simm.s32 $0xD000  }
0x78: {  	[hbm4b:s12+s3] =	stream.indirect_vreg.scatter [tilespmem:s20], [sflag:$0x3], $0x80, v2, vm0, $0xb8;
	[tilespmem:$0x11000] =	vst v63  }
0x79: {  	s20 =	simm.s32 $0xD800  }
0x7a: {  	[hbm4b:s13+s3] =	stream.indirect_vreg.scatter [tilespmem:s20], [sflag:$0x3], $0x80, v2, vm0, $0xb8;
	[tilespmem:$0x11000] =	vst v63  }
0x7b: {  	s20 =	simm.s32 $0xE000  }
0x7c: {  	[hbm4b:s14+s3] =	stream.indirect_vreg.scatter [tilespmem:s20], [sflag:$0x3], $0x80, v2, vm0, $0xb8;
	[tilespmem:$0x11000] =	vst v63  }
0x7d: {  	s20 =	simm.s32 $0xE800  }
0x7e: {  	[hbm4b:s15+s3] =	stream.indirect_vreg.scatter [tilespmem:s20], [sflag:$0x3], $0x80, v2, vm0, $0xb8;
	[tilespmem:$0x11000] =	vst v63  }
0x7f: {  	s20 =	simm.s32 $0xF000  }
0x80: {  	[hbm4b:s16+s3] =	stream.indirect_vreg.scatter [tilespmem:s20], [sflag:$0x3], $0x80, v2, vm0, $0xb8;
	[tilespmem:$0x11000] =	vst v63  }
0x81: {  	s20 =	simm.s32 $0xF800  }
0x82: {  	[hbm4b:s17+s3] =	stream.indirect_vreg.scatter [tilespmem:s20], [sflag:$0x3], $0x80, v2, vm0, $0xb8;
	[tilespmem:$0x11000] =	vst v63  }
0x83: {  	s20 =	simm.s32 $0x10000  }
0x84: {  	[hbm4b:s18+s3] =	stream.indirect_vreg.scatter [tilespmem:s20], [sflag:$0x3], $0x80, v2, vm0, $0xb8;
	[tilespmem:$0x11000] =	vst v63  }
0x85: {  	s0 =	simm.s32 $0x10800  }
0x86: {  	[hbm4b:s19+s3] =	stream.indirect_vreg.scatter [tilespmem:s0], [sflag:$0x3], $0x80, v2, vm0, $0xb8;
	[tilespmem:$0x11000] =	vst v63  }
0x87: {  	s20 =	rddreg [dreg:$0x6];
	s0 =	simm.s32 $0x1000  }
0x88: {  	[tilespmem:s0], [sflag:$0x1] =	stream.linear.gather [hbm4b:s20+s3], $0x8000, $0x38;
	[tilespmem:$0x11000] =	vst v63  }
0x89: {  	_ =	swait.ge [sflag:s4], $0x8000  }
0x8a: {  	[sflag:s4] =	ssyncset.done $0x0  }
0x8b: {  	[sflag:s4] =	ssyncadd.s32 $0xFFFF8000  }
0x8c: {  	_ =	swait.ge [sflag:s23], $0x8000  }
0x8d: {  	[sflag:s23] =	ssyncset.done $0x0  }
0x8e: {  	[sflag:s23] =	ssyncadd.s32 $0xFFFF8000  }
0x8f: {  	v2 =	vld.msk [tilespmem:$0x100], $0xff;
	_ =	sdelay $0x4  }
0x90: {  	v3 =	vshll.u32 v2, $0x5  }
0x91: {  	v2 =	vand.u32 $0x7, v2;
	v3 =	vand.u32 $0xFFFFFF00, v3  }
0x92: {  	v2 =	vor.u32 v2, v3  }
0x93: {  	v2 =	vperm.xlane v2, v0;
	_ =	sdelay $0x1  }
0x94: {  	v2 =	vadd.s32 v1, v2;
	_ =	sdelay $0x4  }
0x95: {  	[hbm4b:s1+s3] =	stream.indirect_vreg.scatter [tilespmem:s0], [sflag:$0x2], $0x80, v2, vm0, $0xb8;
	[tilespmem:$0x11000] =	vst v63  }
0x96: {  	s22 =	simm.s32 $0x1800  }
0x97: {  	[hbm4b:s5+s3] =	stream.indirect_vreg.scatter [tilespmem:s22], [sflag:$0x2], $0x80, v2, vm0, $0xb8;
	[tilespmem:$0x11000] =	vst v63  }
0x98: {  	s24 =	simm.s32 $0x2000  }
0x99: {  	[hbm4b:s6+s3] =	stream.indirect_vreg.scatter [tilespmem:s24], [sflag:$0x2], $0x80, v2, vm0, $0xb8;
	[tilespmem:$0x11000] =	vst v63  }
0x9a: {  	s25 =	simm.s32 $0x2800  }
0x9b: {  	[hbm4b:s7+s3] =	stream.indirect_vreg.scatter [tilespmem:s25], [sflag:$0x2], $0x80, v2, vm0, $0xb8;
	[tilespmem:$0x11000] =	vst v63  }
0x9c: {  	s26 =	simm.s32 $0x3000  }
0x9d: {  	[hbm4b:s8+s3] =	stream.indirect_vreg.scatter [tilespmem:s26], [sflag:$0x2], $0x80, v2, vm0, $0xb8;
	[tilespmem:$0x11000] =	vst v63  }
0x9e: {  	s28 =	simm.s32 $0x3800  }
0x9f: {  	[hbm4b:s9+s3] =	stream.indirect_vreg.scatter [tilespmem:s28], [sflag:$0x2], $0x80, v2, vm0, $0xb8;
	[tilespmem:$0x11000] =	vst v63  }
0xa0: {  	s2 =	simm.s32 $0x4000  }
0xa1: {  	[hbm4b:s10+s3] =	stream.indirect_vreg.scatter [tilespmem:s2], [sflag:$0x2], $0x80, v2, vm0, $0xb8;
	[tilespmem:$0x11000] =	vst v63  }
0xa2: {  	s26 =	simm.s32 $0x4800  }
0xa3: {  	[hbm4b:s11+s3] =	stream.indirect_vreg.scatter [tilespmem:s26], [sflag:$0x2], $0x80, v2, vm0, $0xb8;
	[tilespmem:$0x11000] =	vst v63  }
0xa4: {  	s21 =	simm.s32 $0x5000  }
0xa5: {  	[hbm4b:s12+s3] =	stream.indirect_vreg.scatter [tilespmem:s21], [sflag:$0x2], $0x80, v2, vm0, $0xb8;
	[tilespmem:$0x11000] =	vst v63  }
0xa6: {  	s28 =	simm.s32 $0x5800  }
0xa7: {  	[hbm4b:s13+s3] =	stream.indirect_vreg.scatter [tilespmem:s28], [sflag:$0x2], $0x80, v2, vm0, $0xb8;
	[tilespmem:$0x11000] =	vst v63  }
0xa8: {  	s2 =	simm.s32 $0x6000  }
0xa9: {  	[hbm4b:s14+s3] =	stream.indirect_vreg.scatter [tilespmem:s2], [sflag:$0x2], $0x80, v2, vm0, $0xb8;
	[tilespmem:$0x11000] =	vst v63  }
0xaa: {  	s21 =	simm.s32 $0x6800  }
0xab: {  	[hbm4b:s15+s3] =	stream.indirect_vreg.scatter [tilespmem:s21], [sflag:$0x2], $0x80, v2, vm0, $0xb8;
	[tilespmem:$0x11000] =	vst v63  }
0xac: {  	s24 =	simm.s32 $0x7000  }
0xad: {  	[hbm4b:s16+s3] =	stream.indirect_vreg.scatter [tilespmem:s24], [sflag:$0x2], $0x80, v2, vm0, $0xb8;
	[tilespmem:$0x11000] =	vst v63  }
0xae: {  	s26 =	simm.s32 $0x7800  }
0xaf: {  	[hbm4b:s17+s3] =	stream.indirect_vreg.scatter [tilespmem:s26], [sflag:$0x2], $0x80, v2, vm0, $0xb8;
	[tilespmem:$0x11000] =	vst v63  }
0xb0: {  	s30 =	simm.s32 $0x8000  }
0xb1: {  	[hbm4b:s18+s3] =	stream.indirect_vreg.scatter [tilespmem:s30], [sflag:$0x2], $0x80, v2, vm0, $0xb8;
	[tilespmem:$0x11000] =	vst v63  }
0xb2: {  	s31 =	simm.s32 $0x8800  }
0xb3: {  	[hbm4b:s19+s3] =	stream.indirect_vreg.scatter [tilespmem:s31], [sflag:$0x2], $0x80, v2, vm0, $0xb8;
	[tilespmem:$0x11000] =	vst v63  }
0xb4: {  	s0 =	simm.s32 $0x9000;
	s30 =	rddreg [dreg:$0x7]  }
0xb5: {  	[tilespmem:s0], [sflag:$0x1] =	stream.linear.gather [hbm4b:s30+s3], $0x8000, $0x38;
	[tilespmem:$0x11000] =	vst v63  }
0xb6: {  	_ =	swait.ge [sflag:s29], $0x8000  }
0xb7: {  	[sflag:s29] =	ssyncset.done $0x0  }
0xb8: {  	[sflag:s29] =	ssyncadd.s32 $0xFFFF8000  }
0xb9: {  	_ =	swait.ge [sflag:s23], $0x8000  }
0xba: {  	[sflag:s23] =	ssyncset.done $0x0  }
0xbb: {  	[sflag:s23] =	ssyncadd.s32 $0xFFFF8000  }
0xbc: {  	v2 =	vld.msk [tilespmem:$0x180], $0xff;
	_ =	sdelay $0x4  }
0xbd: {  	v3 =	vshll.u32 v2, $0x5  }
0xbe: {  	v2 =	vand.u32 $0x7, v2;
	v3 =	vand.u32 $0xFFFFFF00, v3  }
0xbf: {  	v2 =	vor.u32 v2, v3  }
0xc0: {  	v2 =	vperm.xlane v2, v0;
	_ =	sdelay $0x1  }
0xc1: {  	v2 =	vadd.s32 v1, v2;
	_ =	sdelay $0x4  }
0xc2: {  	[hbm4b:s1+s3] =	stream.indirect_vreg.scatter [tilespmem:s0], [sflag:$0x3], $0x80, v2, vm0, $0xb8;
	[tilespmem:$0x11000] =	vst v63  }
0xc3: {  	s30 =	simm.s32 $0x9800  }
0xc4: {  	[hbm4b:s5+s3] =	stream.indirect_vreg.scatter [tilespmem:s30], [sflag:$0x3], $0x80, v2, vm0, $0xb8;
	[tilespmem:$0x11000] =	vst v63  }
0xc5: {  	s31 =	simm.s32 $0xA000  }
0xc6: {  	[hbm4b:s6+s3] =	stream.indirect_vreg.scatter [tilespmem:s31], [sflag:$0x3], $0x80, v2, vm0, $0xb8;
	[tilespmem:$0x11000] =	vst v63  }
0xc7: {  	s25 =	simm.s32 $0xA800  }
0xc8: {  	[hbm4b:s7+s3] =	stream.indirect_vreg.scatter [tilespmem:s25], [sflag:$0x3], $0x80, v2, vm0, $0xb8;
	[tilespmem:$0x11000] =	vst v63  }
0xc9: {  	s22 =	simm.s32 $0xB000  }
0xca: {  	[hbm4b:s8+s3] =	stream.indirect_vreg.scatter [tilespmem:s22], [sflag:$0x3], $0x80, v2, vm0, $0xb8;
	[tilespmem:$0x11000] =	vst v63  }
0xcb: {  	s28 =	simm.s32 $0xB800  }
0xcc: {  	[hbm4b:s9+s3] =	stream.indirect_vreg.scatter [tilespmem:s28], [sflag:$0x3], $0x80, v2, vm0, $0xb8;
	[tilespmem:$0x11000] =	vst v63  }
0xcd: {  	s20 =	simm.s32 $0xC000  }
0xce: {  	[hbm4b:s10+s3] =	stream.indirect_vreg.scatter [tilespmem:s20], [sflag:$0x3], $0x80, v2, vm0, $0xb8;
	[tilespmem:$0x11000] =	vst v63  }
0xcf: {  	s20 =	simm.s32 $0xC800  }
0xd0: {  	[hbm4b:s11+s3] =	stream.indirect_vreg.scatter [tilespmem:s20], [sflag:$0x3], $0x80, v2, vm0, $0xb8;
	[tilespmem:$0x11000] =	vst v63  }
0xd1: {  	s20 =	simm.s32 $0xD000  }
0xd2: {  	[hbm4b:s12+s3] =	stream.indirect_vreg.scatter [tilespmem:s20], [sflag:$0x3], $0x80, v2, vm0, $0xb8;
	[tilespmem:$0x11000] =	vst v63  }
0xd3: {  	s20 =	simm.s32 $0xD800  }
0xd4: {  	[hbm4b:s13+s3] =	stream.indirect_vreg.scatter [tilespmem:s20], [sflag:$0x3], $0x80, v2, vm0, $0xb8;
	[tilespmem:$0x11000] =	vst v63  }
0xd5: {  	s20 =	simm.s32 $0xE000  }
0xd6: {  	[hbm4b:s14+s3] =	stream.indirect_vreg.scatter [tilespmem:s20], [sflag:$0x3], $0x80, v2, vm0, $0xb8;
	[tilespmem:$0x11000] =	vst v63  }
0xd7: {  	s20 =	simm.s32 $0xE800  }
0xd8: {  	[hbm4b:s15+s3] =	stream.indirect_vreg.scatter [tilespmem:s20], [sflag:$0x3], $0x80, v2, vm0, $0xb8;
	[tilespmem:$0x11000] =	vst v63  }
0xd9: {  	s20 =	simm.s32 $0xF000  }
0xda: {  	[hbm4b:s16+s3] =	stream.indirect_vreg.scatter [tilespmem:s20], [sflag:$0x3], $0x80, v2, vm0, $0xb8;
	[tilespmem:$0x11000] =	vst v63  }
0xdb: {  	s20 =	simm.s32 $0xF800  }
0xdc: {  	[hbm4b:s17+s3] =	stream.indirect_vreg.scatter [tilespmem:s20], [sflag:$0x3], $0x80, v2, vm0, $0xb8;
	[tilespmem:$0x11000] =	vst v63  }
0xdd: {  	s20 =	simm.s32 $0x10000  }
0xde: {  	[hbm4b:s18+s3] =	stream.indirect_vreg.scatter [tilespmem:s20], [sflag:$0x3], $0x80, v2, vm0, $0xb8;
	[tilespmem:$0x11000] =	vst v63  }
0xdf: {  	s0 =	smov.u32 s1;
	s1 =	simm.s32 $0x10800  }
0xe0: {  	[hbm4b:s19+s3] =	stream.indirect_vreg.scatter [tilespmem:s1], [sflag:$0x3], $0x80, v2, vm0, $0xb8;
	[tilespmem:$0x11000] =	vst v63  }
0xe1: {  	s20 =	rddreg [dreg:$0x8];
	s1 =	simm.s32 $0x1000  }
0xe2: {  	[tilespmem:s1], [sflag:$0x1] =	stream.linear.gather [hbm4b:s20+s3], $0x8000, $0x38;
	[tilespmem:$0x11000] =	vst v63  }
0xe3: {  	_ =	swait.ge [sflag:s4], $0x8000  }
0xe4: {  	[sflag:s4] =	ssyncset.done $0x0  }
0xe5: {  	[sflag:s4] =	ssyncadd.s32 $0xFFFF8000  }
0xe6: {  	_ =	swait.ge [sflag:s23], $0x8000  }
0xe7: {  	[sflag:s23] =	ssyncset.done $0x0  }
0xe8: {  	[sflag:s23] =	ssyncadd.s32 $0xFFFF8000  }
0xe9: {  	v2 =	vld.msk [tilespmem:$0x200], $0xff;
	_ =	sdelay $0x4  }
0xea: {  	v3 =	vshll.u32 v2, $0x5  }
0xeb: {  	v2 =	vand.u32 $0x7, v2;
	v3 =	vand.u32 $0xFFFFFF00, v3  }
0xec: {  	v2 =	vor.u32 v2, v3  }
0xed: {  	v2 =	vperm.xlane v2, v0;
	_ =	sdelay $0x1  }
0xee: {  	v2 =	vadd.s32 v1, v2;
	_ =	sdelay $0x4  }
0xef: {  	[hbm4b:s0+s3] =	stream.indirect_vreg.scatter [tilespmem:s1], [sflag:$0x2], $0x80, v2, vm0, $0xb8;
	[tilespmem:$0x11000] =	vst v63  }
0xf0: {  	s20 =	simm.s32 $0x1800  }
0xf1: {  	[hbm4b:s5+s3] =	stream.indirect_vreg.scatter [tilespmem:s20], [sflag:$0x2], $0x80, v2, vm0, $0xb8;
	[tilespmem:$0x11000] =	vst v63  }
0xf2: {  	s20 =	simm.s32 $0x2000  }
0xf3: {  	[hbm4b:s6+s3] =	stream.indirect_vreg.scatter [tilespmem:s20], [sflag:$0x2], $0x80, v2, vm0, $0xb8;
	[tilespmem:$0x11000] =	vst v63  }
0xf4: {  	s20 =	simm.s32 $0x2800  }
0xf5: {  	[hbm4b:s7+s3] =	stream.indirect_vreg.scatter [tilespmem:s20], [sflag:$0x2], $0x80, v2, vm0, $0xb8;
	[tilespmem:$0x11000] =	vst v63  }
0xf6: {  	s20 =	simm.s32 $0x3000  }
0xf7: {  	[hbm4b:s8+s3] =	stream.indirect_vreg.scatter [tilespmem:s20], [sflag:$0x2], $0x80, v2, vm0, $0xb8;
	[tilespmem:$0x11000] =	vst v63  }
0xf8: {  	s20 =	simm.s32 $0x3800  }
0xf9: {  	[hbm4b:s9+s3] =	stream.indirect_vreg.scatter [tilespmem:s20], [sflag:$0x2], $0x80, v2, vm0, $0xb8;
	[tilespmem:$0x11000] =	vst v63  }
0xfa: {  	s20 =	simm.s32 $0x4000  }
0xfb: {  	[hbm4b:s10+s3] =	stream.indirect_vreg.scatter [tilespmem:s20], [sflag:$0x2], $0x80, v2, vm0, $0xb8;
	[tilespmem:$0x11000] =	vst v63  }
0xfc: {  	s20 =	simm.s32 $0x4800  }
0xfd: {  	[hbm4b:s11+s3] =	stream.indirect_vreg.scatter [tilespmem:s20], [sflag:$0x2], $0x80, v2, vm0, $0xb8;
	[tilespmem:$0x11000] =	vst v63  }
0xfe: {  	s20 =	simm.s32 $0x5000  }
0xff: {  	[hbm4b:s12+s3] =	stream.indirect_vreg.scatter [tilespmem:s20], [sflag:$0x2], $0x80, v2, vm0, $0xb8;
	[tilespmem:$0x11000] =	vst v63  }
0x100: {  	s20 =	simm.s32 $0x5800  }
0x101: {  	[hbm4b:s13+s3] =	stream.indirect_vreg.scatter [tilespmem:s20], [sflag:$0x2], $0x80, v2, vm0, $0xb8;
	[tilespmem:$0x11000] =	vst v63  }
0x102: {  	_ = 	snop  }
0x103: {  	[hbm4b:s14+s3] =	stream.indirect_vreg.scatter [tilespmem:s2], [sflag:$0x2], $0x80, v2, vm0, $0xb8;
	[tilespmem:$0x11000] =	vst v63  }
0x104: {  	_ = 	snop  }
0x105: {  	[hbm4b:s15+s3] =	stream.indirect_vreg.scatter [tilespmem:s21], [sflag:$0x2], $0x80, v2, vm0, $0xb8;
	[tilespmem:$0x11000] =	vst v63  }
0x106: {  	_ = 	snop  }
0x107: {  	[hbm4b:s16+s3] =	stream.indirect_vreg.scatter [tilespmem:s24], [sflag:$0x2], $0x80, v2, vm0, $0xb8;
	[tilespmem:$0x11000] =	vst v63  }
0x108: {  	_ = 	snop  }
0x109: {  	[hbm4b:s17+s3] =	stream.indirect_vreg.scatter [tilespmem:s26], [sflag:$0x2], $0x80, v2, vm0, $0xb8;
	[tilespmem:$0x11000] =	vst v63  }
0x10a: {  	s24 =	simm.s32 $0x8000  }
0x10b: {  	[hbm4b:s18+s3] =	stream.indirect_vreg.scatter [tilespmem:s24], [sflag:$0x2], $0x80, v2, vm0, $0xb8;
	[tilespmem:$0x11000] =	vst v63  }
0x10c: {  	s21 =	simm.s32 $0x8800  }
0x10d: {  	[hbm4b:s19+s3] =	stream.indirect_vreg.scatter [tilespmem:s21], [sflag:$0x2], $0x80, v2, vm0, $0xb8;
	[tilespmem:$0x11000] =	vst v63  }
0x10e: {  	s26 =	rddreg [dreg:$0x9];
	s24 =	simm.s32 $0x9000  }
0x10f: {  	[tilespmem:s24], [sflag:$0x1] =	stream.linear.gather [hbm4b:s26+s3], $0x8000, $0x38;
	[tilespmem:$0x11000] =	vst v63  }
0x110: {  	_ =	swait.ge [sflag:s29], $0x8000  }
0x111: {  	[sflag:s29] =	ssyncset.done $0x0  }
0x112: {  	[sflag:s29] =	ssyncadd.s32 $0xFFFF8000  }
0x113: {  	_ =	swait.ge [sflag:s23], $0x8000  }
0x114: {  	[sflag:s23] =	ssyncset.done $0x0  }
0x115: {  	[sflag:s23] =	ssyncadd.s32 $0xFFFF8000  }
0x116: {  	v2 =	vld.msk [tilespmem:$0x280], $0xff;
	_ =	sdelay $0x4  }
0x117: {  	v3 =	vshll.u32 v2, $0x5  }
0x118: {  	v2 =	vand.u32 $0x7, v2;
	v3 =	vand.u32 $0xFFFFFF00, v3  }
0x119: {  	v2 =	vor.u32 v2, v3  }
0x11a: {  	v2 =	vperm.xlane v2, v0;
	_ =	sdelay $0x1  }
0x11b: {  	v2 =	vadd.s32 v1, v2;
	_ =	sdelay $0x3  }
0x11c: {  	s1 =	smov.u32 s0  }
0x11d: {  	[hbm4b:s1+s3] =	stream.indirect_vreg.scatter [tilespmem:s24], [sflag:$0x3], $0x80, v2, vm0, $0xb8;
	[tilespmem:$0x11000] =	vst v63  }
0x11e: {  	_ = 	snop  }
0x11f: {  	[hbm4b:s5+s3] =	stream.indirect_vreg.scatter [tilespmem:s30], [sflag:$0x3], $0x80, v2, vm0, $0xb8;
	[tilespmem:$0x11000] =	vst v63  }
0x120: {  	_ = 	snop  }
0x121: {  	[hbm4b:s6+s3] =	stream.indirect_vreg.scatter [tilespmem:s31], [sflag:$0x3], $0x80, v2, vm0, $0xb8;
	[tilespmem:$0x11000] =	vst v63  }
0x122: {  	_ = 	snop  }
0x123: {  	[hbm4b:s7+s3] =	stream.indirect_vreg.scatter [tilespmem:s25], [sflag:$0x3], $0x80, v2, vm0, $0xb8;
	[tilespmem:$0x11000] =	vst v63  }
0x124: {  	_ = 	snop  }
0x125: {  	[hbm4b:s8+s3] =	stream.indirect_vreg.scatter [tilespmem:s22], [sflag:$0x3], $0x80, v2, vm0, $0xb8;
	[tilespmem:$0x11000] =	vst v63  }
0x126: {  	_ = 	snop  }
0x127: {  	[hbm4b:s9+s3] =	stream.indirect_vreg.scatter [tilespmem:s28], [sflag:$0x3], $0x80, v2, vm0, $0xb8;
	[tilespmem:$0x11000] =	vst v63  }
0x128: {  	s25 =	simm.s32 $0xC000  }
0x129: {  	[hbm4b:s10+s3] =	stream.indirect_vreg.scatter [tilespmem:s25], [sflag:$0x3], $0x80, v2, vm0, $0xb8;
	[tilespmem:$0x11000] =	vst v63  }
0x12a: {  	s26 =	simm.s32 $0xC800  }
0x12b: {  	[hbm4b:s11+s3] =	stream.indirect_vreg.scatter [tilespmem:s26], [sflag:$0x3], $0x80, v2, vm0, $0xb8;
	[tilespmem:$0x11000] =	vst v63  }
0x12c: {  	s28 =	simm.s32 $0xD000  }
0x12d: {  	[hbm4b:s12+s3] =	stream.indirect_vreg.scatter [tilespmem:s28], [sflag:$0x3], $0x80, v2, vm0, $0xb8;
	[tilespmem:$0x11000] =	vst v63  }
0x12e: {  	s30 =	simm.s32 $0xD800  }
0x12f: {  	[hbm4b:s13+s3] =	stream.indirect_vreg.scatter [tilespmem:s30], [sflag:$0x3], $0x80, v2, vm0, $0xb8;
	[tilespmem:$0x11000] =	vst v63  }
0x130: {  	s31 =	simm.s32 $0xE000  }
0x131: {  	[hbm4b:s14+s3] =	stream.indirect_vreg.scatter [tilespmem:s31], [sflag:$0x3], $0x80, v2, vm0, $0xb8;
	[tilespmem:$0x11000] =	vst v63  }
0x132: {  	s20 =	simm.s32 $0xE800  }
0x133: {  	[hbm4b:s15+s3] =	stream.indirect_vreg.scatter [tilespmem:s20], [sflag:$0x3], $0x80, v2, vm0, $0xb8;
	[tilespmem:$0x11000] =	vst v63  }
0x134: {  	s21 =	simm.s32 $0xF000  }
0x135: {  	[hbm4b:s16+s3] =	stream.indirect_vreg.scatter [tilespmem:s21], [sflag:$0x3], $0x80, v2, vm0, $0xb8;
	[tilespmem:$0x11000] =	vst v63  }
0x136: {  	s22 =	simm.s32 $0xF800  }
0x137: {  	[hbm4b:s17+s3] =	stream.indirect_vreg.scatter [tilespmem:s22], [sflag:$0x3], $0x80, v2, vm0, $0xb8;
	[tilespmem:$0x11000] =	vst v63  }
0x138: {  	s24 =	simm.s32 $0x10000  }
0x139: {  	[hbm4b:s18+s3] =	stream.indirect_vreg.scatter [tilespmem:s24], [sflag:$0x3], $0x80, v2, vm0, $0xb8;
	[tilespmem:$0x11000] =	vst v63  }
0x13a: {  	s26 =	simm.s32 $0x10800  }
0x13b: {  	[hbm4b:s19+s3] =	stream.indirect_vreg.scatter [tilespmem:s26], [sflag:$0x3], $0x80, v2, vm0, $0xb8;
	[tilespmem:$0x11000] =	vst v63  }
0x13c: {  	s25 =	rddreg [dreg:$0xa];
	s28 =	simm.s32 $0x1000  }
0x13d: {  	[tilespmem:s28], [sflag:$0x1] =	stream.linear.gather [hbm4b:s25+s3], $0x8000, $0x38;
	[tilespmem:$0x11000] =	vst v63  }
0x13e: {  	_ =	swait.ge [sflag:s4], $0x8000  }
0x13f: {  	[sflag:s4] =	ssyncset.done $0x0  }
0x140: {  	[sflag:s4] =	ssyncadd.s32 $0xFFFF8000  }
0x141: {  	_ =	swait.ge [sflag:s23], $0x8000  }
0x142: {  	[sflag:s23] =	ssyncset.done $0x0  }
0x143: {  	[sflag:s23] =	ssyncadd.s32 $0xFFFF8000  }
0x144: {  	v2 =	vld.msk [tilespmem:$0x300], $0xff;
	_ =	sdelay $0x4  }
0x145: {  	v3 =	vshll.u32 v2, $0x5  }
0x146: {  	v2 =	vand.u32 $0x7, v2;
	v3 =	vand.u32 $0xFFFFFF00, v3  }
0x147: {  	v2 =	vor.u32 v2, v3  }
0x148: {  	v2 =	vperm.xlane v2, v0;
	_ =	sdelay $0x1  }
0x149: {  	v2 =	vadd.s32 v1, v2;
	_ =	sdelay $0x4  }
0x14a: {  	[hbm4b:s1+s3] =	stream.indirect_vreg.scatter [tilespmem:s28], [sflag:$0x2], $0x80, v2, vm0, $0xb8;
	[tilespmem:$0x11000] =	vst v63  }
0x14b: {  	s21 =	simm.s32 $0x1800  }
0x14c: {  	[hbm4b:s5+s3] =	stream.indirect_vreg.scatter [tilespmem:s21], [sflag:$0x2], $0x80, v2, vm0, $0xb8;
	[tilespmem:$0x11000] =	vst v63  }
0x14d: {  	s22 =	simm.s32 $0x2000  }
0x14e: {  	[hbm4b:s6+s3] =	stream.indirect_vreg.scatter [tilespmem:s22], [sflag:$0x2], $0x80, v2, vm0, $0xb8;
	[tilespmem:$0x11000] =	vst v63  }
0x14f: {  	s24 =	simm.s32 $0x2800  }
0x150: {  	[hbm4b:s7+s3] =	stream.indirect_vreg.scatter [tilespmem:s24], [sflag:$0x2], $0x80, v2, vm0, $0xb8;
	[tilespmem:$0x11000] =	vst v63  }
0x151: {  	s25 =	simm.s32 $0x3000  }
0x152: {  	[hbm4b:s8+s3] =	stream.indirect_vreg.scatter [tilespmem:s25], [sflag:$0x2], $0x80, v2, vm0, $0xb8;
	[tilespmem:$0x11000] =	vst v63  }
0x153: {  	s26 =	simm.s32 $0x3800  }
0x154: {  	[hbm4b:s9+s3] =	stream.indirect_vreg.scatter [tilespmem:s26], [sflag:$0x2], $0x80, v2, vm0, $0xb8;
	[tilespmem:$0x11000] =	vst v63  }
0x155: {  	s30 =	simm.s32 $0x4000  }
0x156: {  	[hbm4b:s10+s3] =	stream.indirect_vreg.scatter [tilespmem:s30], [sflag:$0x2], $0x80, v2, vm0, $0xb8;
	[tilespmem:$0x11000] =	vst v63  }
0x157: {  	s30 =	simm.s32 $0x4800  }
0x158: {  	[hbm4b:s11+s3] =	stream.indirect_vreg.scatter [tilespmem:s30], [sflag:$0x2], $0x80, v2, vm0, $0xb8;
	[tilespmem:$0x11000] =	vst v63  }
0x159: {  	s31 =	simm.s32 $0x5000  }
0x15a: {  	[hbm4b:s12+s3] =	stream.indirect_vreg.scatter [tilespmem:s31], [sflag:$0x2], $0x80, v2, vm0, $0xb8;
	[tilespmem:$0x11000] =	vst v63  }
0x15b: {  	s31 =	simm.s32 $0x5800  }
0x15c: {  	[hbm4b:s13+s3] =	stream.indirect_vreg.scatter [tilespmem:s31], [sflag:$0x2], $0x80, v2, vm0, $0xb8;
	[tilespmem:$0x11000] =	vst v63  }
0x15d: {  	s2 =	simm.s32 $0x6000  }
0x15e: {  	[hbm4b:s14+s3] =	stream.indirect_vreg.scatter [tilespmem:s2], [sflag:$0x2], $0x80, v2, vm0, $0xb8;
	[tilespmem:$0x11000] =	vst v63  }
0x15f: {  	s2 =	simm.s32 $0x6800  }
0x160: {  	[hbm4b:s15+s3] =	stream.indirect_vreg.scatter [tilespmem:s2], [sflag:$0x2], $0x80, v2, vm0, $0xb8;
	[tilespmem:$0x11000] =	vst v63  }
0x161: {  	s20 =	simm.s32 $0x7000  }
0x162: {  	[hbm4b:s16+s3] =	stream.indirect_vreg.scatter [tilespmem:s20], [sflag:$0x2], $0x80, v2, vm0, $0xb8;
	[tilespmem:$0x11000] =	vst v63  }
0x163: {  	s28 =	simm.s32 $0x7800  }
0x164: {  	[hbm4b:s17+s3] =	stream.indirect_vreg.scatter [tilespmem:s28], [sflag:$0x2], $0x80, v2, vm0, $0xb8;
	[tilespmem:$0x11000] =	vst v63  }
0x165: {  	s28 =	simm.s32 $0x8000  }
0x166: {  	[hbm4b:s18+s3] =	stream.indirect_vreg.scatter [tilespmem:s28], [sflag:$0x2], $0x80, v2, vm0, $0xb8;
	[tilespmem:$0x11000] =	vst v63  }
0x167: {  	s0 =	simm.s32 $0x8800  }
0x168: {  	[hbm4b:s19+s3] =	stream.indirect_vreg.scatter [tilespmem:s0], [sflag:$0x2], $0x80, v2, vm0, $0xb8;
	[tilespmem:$0x11000] =	vst v63  }
0x169: {  	s20 =	rddreg [dreg:$0xb];
	s0 =	simm.s32 $0x9000  }
0x16a: {  	[tilespmem:s0], [sflag:$0x1] =	stream.linear.gather [hbm4b:s20+s3], $0x8000, $0x38;
	[tilespmem:$0x11000] =	vst v63  }
0x16b: {  	_ =	swait.ge [sflag:s29], $0x8000  }
0x16c: {  	[sflag:s29] =	ssyncset.done $0x0  }
0x16d: {  	[sflag:s29] =	ssyncadd.s32 $0xFFFF8000  }
0x16e: {  	_ =	swait.ge [sflag:s23], $0x8000  }
0x16f: {  	[sflag:s23] =	ssyncset.done $0x0  }
0x170: {  	[sflag:s23] =	ssyncadd.s32 $0xFFFF8000  }
0x171: {  	v2 =	vld.msk [tilespmem:$0x380], $0xff;
	_ =	sdelay $0x4  }
0x172: {  	v3 =	vshll.u32 v2, $0x5  }
0x173: {  	v2 =	vand.u32 $0x7, v2;
	v3 =	vand.u32 $0xFFFFFF00, v3  }
0x174: {  	v2 =	vor.u32 v2, v3  }
0x175: {  	v2 =	vperm.xlane v2, v0;
	_ =	sdelay $0x1  }
0x176: {  	v2 =	vadd.s32 v1, v2;
	_ =	sdelay $0x4  }
0x177: {  	[hbm4b:s1+s3] =	stream.indirect_vreg.scatter [tilespmem:s0], [sflag:$0x3], $0x80, v2, vm0, $0xb8;
	[tilespmem:$0x11000] =	vst v63  }
0x178: {  	s20 =	simm.s32 $0x9800  }
0x179: {  	[hbm4b:s5+s3] =	stream.indirect_vreg.scatter [tilespmem:s20], [sflag:$0x3], $0x80, v2, vm0, $0xb8;
	[tilespmem:$0x11000] =	vst v63  }
0x17a: {  	s20 =	simm.s32 $0xA000  }
0x17b: {  	[hbm4b:s6+s3] =	stream.indirect_vreg.scatter [tilespmem:s20], [sflag:$0x3], $0x80, v2, vm0, $0xb8;
	[tilespmem:$0x11000] =	vst v63  }
0x17c: {  	s20 =	simm.s32 $0xA800  }
0x17d: {  	[hbm4b:s7+s3] =	stream.indirect_vreg.scatter [tilespmem:s20], [sflag:$0x3], $0x80, v2, vm0, $0xb8;
	[tilespmem:$0x11000] =	vst v63  }
0x17e: {  	s20 =	simm.s32 $0xB000  }
0x17f: {  	[hbm4b:s8+s3] =	stream.indirect_vreg.scatter [tilespmem:s20], [sflag:$0x3], $0x80, v2, vm0, $0xb8;
	[tilespmem:$0x11000] =	vst v63  }
0x180: {  	s20 =	simm.s32 $0xB800  }
0x181: {  	[hbm4b:s9+s3] =	stream.indirect_vreg.scatter [tilespmem:s20], [sflag:$0x3], $0x80, v2, vm0, $0xb8;
	[tilespmem:$0x11000] =	vst v63  }
0x182: {  	s20 =	simm.s32 $0xC000  }
0x183: {  	[hbm4b:s10+s3] =	stream.indirect_vreg.scatter [tilespmem:s20], [sflag:$0x3], $0x80, v2, vm0, $0xb8;
	[tilespmem:$0x11000] =	vst v63  }
0x184: {  	s20 =	simm.s32 $0xC800  }
0x185: {  	[hbm4b:s11+s3] =	stream.indirect_vreg.scatter [tilespmem:s20], [sflag:$0x3], $0x80, v2, vm0, $0xb8;
	[tilespmem:$0x11000] =	vst v63  }
0x186: {  	s20 =	simm.s32 $0xD000  }
0x187: {  	[hbm4b:s12+s3] =	stream.indirect_vreg.scatter [tilespmem:s20], [sflag:$0x3], $0x80, v2, vm0, $0xb8;
	[tilespmem:$0x11000] =	vst v63  }
0x188: {  	s20 =	simm.s32 $0xD800  }
0x189: {  	[hbm4b:s13+s3] =	stream.indirect_vreg.scatter [tilespmem:s20], [sflag:$0x3], $0x80, v2, vm0, $0xb8;
	[tilespmem:$0x11000] =	vst v63  }
0x18a: {  	s20 =	simm.s32 $0xE000  }
0x18b: {  	[hbm4b:s14+s3] =	stream.indirect_vreg.scatter [tilespmem:s20], [sflag:$0x3], $0x80, v2, vm0, $0xb8;
	[tilespmem:$0x11000] =	vst v63  }
0x18c: {  	s20 =	simm.s32 $0xE800  }
0x18d: {  	[hbm4b:s15+s3] =	stream.indirect_vreg.scatter [tilespmem:s20], [sflag:$0x3], $0x80, v2, vm0, $0xb8;
	[tilespmem:$0x11000] =	vst v63  }
0x18e: {  	s20 =	simm.s32 $0xF000  }
0x18f: {  	[hbm4b:s16+s3] =	stream.indirect_vreg.scatter [tilespmem:s20], [sflag:$0x3], $0x80, v2, vm0, $0xb8;
	[tilespmem:$0x11000] =	vst v63  }
0x190: {  	s20 =	simm.s32 $0xF800  }
0x191: {  	[hbm4b:s17+s3] =	stream.indirect_vreg.scatter [tilespmem:s20], [sflag:$0x3], $0x80, v2, vm0, $0xb8;
	[tilespmem:$0x11000] =	vst v63  }
0x192: {  	s20 =	simm.s32 $0x10000  }
0x193: {  	[hbm4b:s18+s3] =	stream.indirect_vreg.scatter [tilespmem:s20], [sflag:$0x3], $0x80, v2, vm0, $0xb8;
	[tilespmem:$0x11000] =	vst v63  }
0x194: {  	s0 =	simm.s32 $0x10800  }
0x195: {  	[hbm4b:s19+s3] =	stream.indirect_vreg.scatter [tilespmem:s0], [sflag:$0x3], $0x80, v2, vm0, $0xb8;
	[tilespmem:$0x11000] =	vst v63  }
0x196: {  	s20 =	rddreg [dreg:$0xc];
	s0 =	simm.s32 $0x1000  }
0x197: {  	[tilespmem:s0], [sflag:$0x1] =	stream.linear.gather [hbm4b:s20+s3], $0x8000, $0x38;
	[tilespmem:$0x11000] =	vst v63  }
0x198: {  	_ =	swait.ge [sflag:s4], $0x8000  }
0x199: {  	[sflag:s4] =	ssyncset.done $0x0  }
0x19a: {  	[sflag:s4] =	ssyncadd.s32 $0xFFFF8000  }
0x19b: {  	_ =	swait.ge [sflag:s23], $0x8000  }
0x19c: {  	[sflag:s23] =	ssyncset.done $0x0  }
0x19d: {  	[sflag:s23] =	ssyncadd.s32 $0xFFFF8000  }
0x19e: {  	v2 =	vld.msk [tilespmem:$0x400], $0xff;
	_ =	sdelay $0x4  }
0x19f: {  	v3 =	vshll.u32 v2, $0x5  }
0x1a0: {  	v2 =	vand.u32 $0x7, v2;
	v3 =	vand.u32 $0xFFFFFF00, v3  }
0x1a1: {  	v2 =	vor.u32 v2, v3  }
0x1a2: {  	v2 =	vperm.xlane v2, v0;
	_ =	sdelay $0x1  }
0x1a3: {  	v2 =	vadd.s32 v1, v2;
	_ =	sdelay $0x4  }
0x1a4: {  	[hbm4b:s1+s3] =	stream.indirect_vreg.scatter [tilespmem:s0], [sflag:$0x2], $0x80, v2, vm0, $0xb8;
	[tilespmem:$0x11000] =	vst v63  }
0x1a5: {  	_ = 	snop  }
0x1a6: {  	[hbm4b:s5+s3] =	stream.indirect_vreg.scatter [tilespmem:s21], [sflag:$0x2], $0x80, v2, vm0, $0xb8;
	[tilespmem:$0x11000] =	vst v63  }
0x1a7: {  	_ = 	snop  }
0x1a8: {  	[hbm4b:s6+s3] =	stream.indirect_vreg.scatter [tilespmem:s22], [sflag:$0x2], $0x80, v2, vm0, $0xb8;
	[tilespmem:$0x11000] =	vst v63  }
0x1a9: {  	_ = 	snop  }
0x1aa: {  	[hbm4b:s7+s3] =	stream.indirect_vreg.scatter [tilespmem:s24], [sflag:$0x2], $0x80, v2, vm0, $0xb8;
	[tilespmem:$0x11000] =	vst v63  }
0x1ab: {  	_ = 	snop  }
0x1ac: {  	[hbm4b:s8+s3] =	stream.indirect_vreg.scatter [tilespmem:s25], [sflag:$0x2], $0x80, v2, vm0, $0xb8;
	[tilespmem:$0x11000] =	vst v63  }
0x1ad: {  	_ = 	snop  }
0x1ae: {  	[hbm4b:s9+s3] =	stream.indirect_vreg.scatter [tilespmem:s26], [sflag:$0x2], $0x80, v2, vm0, $0xb8;
	[tilespmem:$0x11000] =	vst v63  }
0x1af: {  	s26 =	simm.s32 $0x4000  }
0x1b0: {  	[hbm4b:s10+s3] =	stream.indirect_vreg.scatter [tilespmem:s26], [sflag:$0x2], $0x80, v2, vm0, $0xb8;
	[tilespmem:$0x11000] =	vst v63  }
0x1b1: {  	_ = 	snop  }
0x1b2: {  	[hbm4b:s11+s3] =	stream.indirect_vreg.scatter [tilespmem:s30], [sflag:$0x2], $0x80, v2, vm0, $0xb8;
	[tilespmem:$0x11000] =	vst v63  }
0x1b3: {  	s30 =	simm.s32 $0x5000  }
0x1b4: {  	[hbm4b:s12+s3] =	stream.indirect_vreg.scatter [tilespmem:s30], [sflag:$0x2], $0x80, v2, vm0, $0xb8;
	[tilespmem:$0x11000] =	vst v63  }
0x1b5: {  	_ = 	snop  }
0x1b6: {  	[hbm4b:s13+s3] =	stream.indirect_vreg.scatter [tilespmem:s31], [sflag:$0x2], $0x80, v2, vm0, $0xb8;
	[tilespmem:$0x11000] =	vst v63  }
0x1b7: {  	s31 =	simm.s32 $0x6000  }
0x1b8: {  	[hbm4b:s14+s3] =	stream.indirect_vreg.scatter [tilespmem:s31], [sflag:$0x2], $0x80, v2, vm0, $0xb8;
	[tilespmem:$0x11000] =	vst v63  }
0x1b9: {  	_ = 	snop  }
0x1ba: {  	[hbm4b:s15+s3] =	stream.indirect_vreg.scatter [tilespmem:s2], [sflag:$0x2], $0x80, v2, vm0, $0xb8;
	[tilespmem:$0x11000] =	vst v63  }
0x1bb: {  	s25 =	simm.s32 $0x7000  }
0x1bc: {  	[hbm4b:s16+s3] =	stream.indirect_vreg.scatter [tilespmem:s25], [sflag:$0x2], $0x80, v2, vm0, $0xb8;
	[tilespmem:$0x11000] =	vst v63  }
0x1bd: {  	s30 =	simm.s32 $0x7800  }
0x1be: {  	[hbm4b:s17+s3] =	stream.indirect_vreg.scatter [tilespmem:s30], [sflag:$0x2], $0x80, v2, vm0, $0xb8;
	[tilespmem:$0x11000] =	vst v63  }
0x1bf: {  	_ = 	snop  }
0x1c0: {  	[hbm4b:s18+s3] =	stream.indirect_vreg.scatter [tilespmem:s28], [sflag:$0x2], $0x80, v2, vm0, $0xb8;
	[tilespmem:$0x11000] =	vst v63  }
0x1c1: {  	s25 =	simm.s32 $0x8800  }
0x1c2: {  	[hbm4b:s19+s3] =	stream.indirect_vreg.scatter [tilespmem:s25], [sflag:$0x2], $0x80, v2, vm0, $0xb8;
	[tilespmem:$0x11000] =	vst v63  }
0x1c3: {  	s31 =	rddreg [dreg:$0xd];
	s28 =	simm.s32 $0x9000  }
0x1c4: {  	[tilespmem:s28], [sflag:$0x1] =	stream.linear.gather [hbm4b:s31+s3], $0x8000, $0x38;
	[tilespmem:$0x11000] =	vst v63  }
0x1c5: {  	_ =	swait.ge [sflag:s29], $0x8000  }
0x1c6: {  	[sflag:s29] =	ssyncset.done $0x0  }
0x1c7: {  	[sflag:s29] =	ssyncadd.s32 $0xFFFF8000  }
0x1c8: {  	_ =	swait.ge [sflag:s23], $0x8000  }
0x1c9: {  	[sflag:s23] =	ssyncset.done $0x0  }
0x1ca: {  	[sflag:s23] =	ssyncadd.s32 $0xFFFF8000  }
0x1cb: {  	v2 =	vld.msk [tilespmem:$0x480], $0xff;
	_ =	sdelay $0x4  }
0x1cc: {  	v3 =	vshll.u32 v2, $0x5  }
0x1cd: {  	v2 =	vand.u32 $0x7, v2;
	v3 =	vand.u32 $0xFFFFFF00, v3  }
0x1ce: {  	v2 =	vor.u32 v2, v3  }
0x1cf: {  	v2 =	vperm.xlane v2, v0;
	_ =	sdelay $0x1  }
0x1d0: {  	v2 =	vadd.s32 v1, v2;
	_ =	sdelay $0x4  }
0x1d1: {  	[hbm4b:s1+s3] =	stream.indirect_vreg.scatter [tilespmem:s28], [sflag:$0x3], $0x80, v2, vm0, $0xb8;
	[tilespmem:$0x11000] =	vst v63  }
0x1d2: {  	s30 =	simm.s32 $0x9800  }
0x1d3: {  	[hbm4b:s5+s3] =	stream.indirect_vreg.scatter [tilespmem:s30], [sflag:$0x3], $0x80, v2, vm0, $0xb8;
	[tilespmem:$0x11000] =	vst v63  }
0x1d4: {  	s31 =	simm.s32 $0xA000  }
0x1d5: {  	[hbm4b:s6+s3] =	stream.indirect_vreg.scatter [tilespmem:s31], [sflag:$0x3], $0x80, v2, vm0, $0xb8;
	[tilespmem:$0x11000] =	vst v63  }
0x1d6: {  	s20 =	simm.s32 $0xA800  }
0x1d7: {  	[hbm4b:s7+s3] =	stream.indirect_vreg.scatter [tilespmem:s20], [sflag:$0x3], $0x80, v2, vm0, $0xb8;
	[tilespmem:$0x11000] =	vst v63  }
0x1d8: {  	s25 =	simm.s32 $0xB000  }
0x1d9: {  	[hbm4b:s8+s3] =	stream.indirect_vreg.scatter [tilespmem:s25], [sflag:$0x3], $0x80, v2, vm0, $0xb8;
	[tilespmem:$0x11000] =	vst v63  }
0x1da: {  	s28 =	simm.s32 $0xB800  }
0x1db: {  	[hbm4b:s9+s3] =	stream.indirect_vreg.scatter [tilespmem:s28], [sflag:$0x3], $0x80, v2, vm0, $0xb8;
	[tilespmem:$0x11000] =	vst v63  }
0x1dc: {  	s30 =	simm.s32 $0xC000  }
0x1dd: {  	[hbm4b:s10+s3] =	stream.indirect_vreg.scatter [tilespmem:s30], [sflag:$0x3], $0x80, v2, vm0, $0xb8;
	[tilespmem:$0x11000] =	vst v63  }
0x1de: {  	s31 =	simm.s32 $0xC800  }
0x1df: {  	[hbm4b:s11+s3] =	stream.indirect_vreg.scatter [tilespmem:s31], [sflag:$0x3], $0x80, v2, vm0, $0xb8;
	[tilespmem:$0x11000] =	vst v63  }
0x1e0: {  	s20 =	simm.s32 $0xD000  }
0x1e1: {  	[hbm4b:s12+s3] =	stream.indirect_vreg.scatter [tilespmem:s20], [sflag:$0x3], $0x80, v2, vm0, $0xb8;
	[tilespmem:$0x11000] =	vst v63  }
0x1e2: {  	s25 =	simm.s32 $0xD800  }
0x1e3: {  	[hbm4b:s13+s3] =	stream.indirect_vreg.scatter [tilespmem:s25], [sflag:$0x3], $0x80, v2, vm0, $0xb8;
	[tilespmem:$0x11000] =	vst v63  }
0x1e4: {  	s28 =	simm.s32 $0xE000  }
0x1e5: {  	[hbm4b:s14+s3] =	stream.indirect_vreg.scatter [tilespmem:s28], [sflag:$0x3], $0x80, v2, vm0, $0xb8;
	[tilespmem:$0x11000] =	vst v63  }
0x1e6: {  	s30 =	simm.s32 $0xE800  }
0x1e7: {  	[hbm4b:s15+s3] =	stream.indirect_vreg.scatter [tilespmem:s30], [sflag:$0x3], $0x80, v2, vm0, $0xb8;
	[tilespmem:$0x11000] =	vst v63  }
0x1e8: {  	s31 =	simm.s32 $0xF000  }
0x1e9: {  	[hbm4b:s16+s3] =	stream.indirect_vreg.scatter [tilespmem:s31], [sflag:$0x3], $0x80, v2, vm0, $0xb8;
	[tilespmem:$0x11000] =	vst v63  }
0x1ea: {  	s20 =	simm.s32 $0xF800  }
0x1eb: {  	[hbm4b:s17+s3] =	stream.indirect_vreg.scatter [tilespmem:s20], [sflag:$0x3], $0x80, v2, vm0, $0xb8;
	[tilespmem:$0x11000] =	vst v63  }
0x1ec: {  	s25 =	simm.s32 $0x10000  }
0x1ed: {  	[hbm4b:s18+s3] =	stream.indirect_vreg.scatter [tilespmem:s25], [sflag:$0x3], $0x80, v2, vm0, $0xb8;
	[tilespmem:$0x11000] =	vst v63  }
0x1ee: {  	s30 =	simm.s32 $0x10800  }
0x1ef: {  	[hbm4b:s19+s3] =	stream.indirect_vreg.scatter [tilespmem:s30], [sflag:$0x3], $0x80, v2, vm0, $0xb8;
	[tilespmem:$0x11000] =	vst v63  }
0x1f0: {  	s28 =	rddreg [dreg:$0xe];
	s31 =	simm.s32 $0x1000  }
0x1f1: {  	[tilespmem:s31], [sflag:$0x1] =	stream.linear.gather [hbm4b:s28+s3], $0x8000, $0x38;
	[tilespmem:$0x11000] =	vst v63  }
0x1f2: {  	_ =	swait.ge [sflag:s4], $0x8000  }
0x1f3: {  	[sflag:s4] =	ssyncset.done $0x0  }
0x1f4: {  	[sflag:s4] =	ssyncadd.s32 $0xFFFF8000  }
0x1f5: {  	_ =	swait.ge [sflag:s23], $0x8000  }
0x1f6: {  	[sflag:s23] =	ssyncset.done $0x0  }
0x1f7: {  	[sflag:s23] =	ssyncadd.s32 $0xFFFF8000  }
0x1f8: {  	v2 =	vld.msk [tilespmem:$0x500], $0xff;
	_ =	sdelay $0x4  }
0x1f9: {  	v3 =	vshll.u32 v2, $0x5  }
0x1fa: {  	v2 =	vand.u32 $0x7, v2;
	v3 =	vand.u32 $0xFFFFFF00, v3  }
0x1fb: {  	v2 =	vor.u32 v2, v3  }
0x1fc: {  	v2 =	vperm.xlane v2, v0;
	_ =	sdelay $0x1  }
0x1fd: {  	v2 =	vadd.s32 v1, v2;
	_ =	sdelay $0x4  }
0x1fe: {  	[hbm4b:s1+s3] =	stream.indirect_vreg.scatter [tilespmem:s31], [sflag:$0x2], $0x80, v2, vm0, $0xb8;
	[tilespmem:$0x11000] =	vst v63  }
0x1ff: {  	s0 =	simm.s32 $0x1800  }
0x200: {  	[hbm4b:s5+s3] =	stream.indirect_vreg.scatter [tilespmem:s0], [sflag:$0x2], $0x80, v2, vm0, $0xb8;
	[tilespmem:$0x11000] =	vst v63  }
0x201: {  	s22 =	simm.s32 $0x2000  }
0x202: {  	[hbm4b:s6+s3] =	stream.indirect_vreg.scatter [tilespmem:s22], [sflag:$0x2], $0x80, v2, vm0, $0xb8;
	[tilespmem:$0x11000] =	vst v63  }
0x203: {  	s24 =	simm.s32 $0x2800  }
0x204: {  	[hbm4b:s7+s3] =	stream.indirect_vreg.scatter [tilespmem:s24], [sflag:$0x2], $0x80, v2, vm0, $0xb8;
	[tilespmem:$0x11000] =	vst v63  }
0x205: {  	s24 =	simm.s32 $0x3000  }
0x206: {  	[hbm4b:s8+s3] =	stream.indirect_vreg.scatter [tilespmem:s24], [sflag:$0x2], $0x80, v2, vm0, $0xb8;
	[tilespmem:$0x11000] =	vst v63  }
0x207: {  	s25 =	simm.s32 $0x3800  }
0x208: {  	[hbm4b:s9+s3] =	stream.indirect_vreg.scatter [tilespmem:s25], [sflag:$0x2], $0x80, v2, vm0, $0xb8;
	[tilespmem:$0x11000] =	vst v63  }
0x209: {  	s2 =	simm.s32 $0x4000  }
0x20a: {  	[hbm4b:s10+s3] =	stream.indirect_vreg.scatter [tilespmem:s2], [sflag:$0x2], $0x80, v2, vm0, $0xb8;
	[tilespmem:$0x11000] =	vst v63  }
0x20b: {  	s26 =	simm.s32 $0x4800  }
0x20c: {  	[hbm4b:s11+s3] =	stream.indirect_vreg.scatter [tilespmem:s26], [sflag:$0x2], $0x80, v2, vm0, $0xb8;
	[tilespmem:$0x11000] =	vst v63  }
0x20d: {  	s21 =	simm.s32 $0x5000  }
0x20e: {  	[hbm4b:s12+s3] =	stream.indirect_vreg.scatter [tilespmem:s21], [sflag:$0x2], $0x80, v2, vm0, $0xb8;
	[tilespmem:$0x11000] =	vst v63  }
0x20f: {  	s28 =	simm.s32 $0x5800  }
0x210: {  	[hbm4b:s13+s3] =	stream.indirect_vreg.scatter [tilespmem:s28], [sflag:$0x2], $0x80, v2, vm0, $0xb8;
	[tilespmem:$0x11000] =	vst v63  }
0x211: {  	s22 =	simm.s32 $0x6000  }
0x212: {  	[hbm4b:s14+s3] =	stream.indirect_vreg.scatter [tilespmem:s22], [sflag:$0x2], $0x80, v2, vm0, $0xb8;
	[tilespmem:$0x11000] =	vst v63  }
0x213: {  	s30 =	simm.s32 $0x6800  }
0x214: {  	[hbm4b:s15+s3] =	stream.indirect_vreg.scatter [tilespmem:s30], [sflag:$0x2], $0x80, v2, vm0, $0xb8;
	[tilespmem:$0x11000] =	vst v63  }
0x215: {  	s31 =	simm.s32 $0x7000  }
0x216: {  	[hbm4b:s16+s3] =	stream.indirect_vreg.scatter [tilespmem:s31], [sflag:$0x2], $0x80, v2, vm0, $0xb8;
	[tilespmem:$0x11000] =	vst v63  }
0x217: {  	s26 =	simm.s32 $0x7800  }
0x218: {  	[hbm4b:s17+s3] =	stream.indirect_vreg.scatter [tilespmem:s26], [sflag:$0x2], $0x80, v2, vm0, $0xb8;
	[tilespmem:$0x11000] =	vst v63  }
0x219: {  	s26 =	simm.s32 $0x8000  }
0x21a: {  	[hbm4b:s18+s3] =	stream.indirect_vreg.scatter [tilespmem:s26], [sflag:$0x2], $0x80, v2, vm0, $0xb8;
	[tilespmem:$0x11000] =	vst v63  }
0x21b: {  	s22 =	simm.s32 $0x8800  }
0x21c: {  	[hbm4b:s19+s3] =	stream.indirect_vreg.scatter [tilespmem:s22], [sflag:$0x2], $0x80, v2, vm0, $0xb8;
	[tilespmem:$0x11000] =	vst v63  }
0x21d: {  	s0 =	rddreg [dreg:$0xf];
	s21 =	simm.s32 $0x9000  }
0x21e: {  	[tilespmem:s21], [sflag:$0x1] =	stream.linear.gather [hbm4b:s0+s3], $0x8000, $0x38;
	[tilespmem:$0x11000] =	vst v63  }
0x21f: {  	_ =	swait.ge [sflag:s29], $0x8000  }
0x220: {  	[sflag:s29] =	ssyncset.done $0x0  }
0x221: {  	[sflag:s29] =	ssyncadd.s32 $0xFFFF8000  }
0x222: {  	_ =	swait.ge [sflag:s23], $0x8000  }
0x223: {  	[sflag:s23] =	ssyncset.done $0x0  }
0x224: {  	[sflag:s23] =	ssyncadd.s32 $0xFFFF8000  }
0x225: {  	v2 =	vld.msk [tilespmem:$0x580], $0xff;
	_ =	sdelay $0x4  }
0x226: {  	v3 =	vshll.u32 v2, $0x5  }
0x227: {  	v2 =	vand.u32 $0x7, v2;
	v3 =	vand.u32 $0xFFFFFF00, v3  }
0x228: {  	v2 =	vor.u32 v2, v3  }
0x229: {  	v2 =	vperm.xlane v2, v0;
	_ =	sdelay $0x1  }
0x22a: {  	v2 =	vadd.s32 v1, v2;
	_ =	sdelay $0x4  }
0x22b: {  	[hbm4b:s1+s3] =	stream.indirect_vreg.scatter [tilespmem:s21], [sflag:$0x3], $0x80, v2, vm0, $0xb8;
	[tilespmem:$0x11000] =	vst v63  }
0x22c: {  	s21 =	simm.s32 $0x9800  }
0x22d: {  	[hbm4b:s5+s3] =	stream.indirect_vreg.scatter [tilespmem:s21], [sflag:$0x3], $0x80, v2, vm0, $0xb8;
	[tilespmem:$0x11000] =	vst v63  }
0x22e: {  	s20 =	simm.s32 $0xA000  }
0x22f: {  	[hbm4b:s6+s3] =	stream.indirect_vreg.scatter [tilespmem:s20], [sflag:$0x3], $0x80, v2, vm0, $0xb8;
	[tilespmem:$0x11000] =	vst v63  }
0x230: {  	s21 =	simm.s32 $0xA800  }
0x231: {  	[hbm4b:s7+s3] =	stream.indirect_vreg.scatter [tilespmem:s21], [sflag:$0x3], $0x80, v2, vm0, $0xb8;
	[tilespmem:$0x11000] =	vst v63  }
0x232: {  	s20 =	simm.s32 $0xB000  }
0x233: {  	[hbm4b:s8+s3] =	stream.indirect_vreg.scatter [tilespmem:s20], [sflag:$0x3], $0x80, v2, vm0, $0xb8;
	[tilespmem:$0x11000] =	vst v63  }
0x234: {  	s21 =	simm.s32 $0xB800  }
0x235: {  	[hbm4b:s9+s3] =	stream.indirect_vreg.scatter [tilespmem:s21], [sflag:$0x3], $0x80, v2, vm0, $0xb8;
	[tilespmem:$0x11000] =	vst v63  }
0x236: {  	s20 =	simm.s32 $0xC000  }
0x237: {  	[hbm4b:s10+s3] =	stream.indirect_vreg.scatter [tilespmem:s20], [sflag:$0x3], $0x80, v2, vm0, $0xb8;
	[tilespmem:$0x11000] =	vst v63  }
0x238: {  	s21 =	simm.s32 $0xC800  }
0x239: {  	[hbm4b:s11+s3] =	stream.indirect_vreg.scatter [tilespmem:s21], [sflag:$0x3], $0x80, v2, vm0, $0xb8;
	[tilespmem:$0x11000] =	vst v63  }
0x23a: {  	s20 =	simm.s32 $0xD000  }
0x23b: {  	[hbm4b:s12+s3] =	stream.indirect_vreg.scatter [tilespmem:s20], [sflag:$0x3], $0x80, v2, vm0, $0xb8;
	[tilespmem:$0x11000] =	vst v63  }
0x23c: {  	s21 =	simm.s32 $0xD800  }
0x23d: {  	[hbm4b:s13+s3] =	stream.indirect_vreg.scatter [tilespmem:s21], [sflag:$0x3], $0x80, v2, vm0, $0xb8;
	[tilespmem:$0x11000] =	vst v63  }
0x23e: {  	s20 =	simm.s32 $0xE000  }
0x23f: {  	[hbm4b:s14+s3] =	stream.indirect_vreg.scatter [tilespmem:s20], [sflag:$0x3], $0x80, v2, vm0, $0xb8;
	[tilespmem:$0x11000] =	vst v63  }
0x240: {  	s21 =	simm.s32 $0xE800  }
0x241: {  	[hbm4b:s15+s3] =	stream.indirect_vreg.scatter [tilespmem:s21], [sflag:$0x3], $0x80, v2, vm0, $0xb8;
	[tilespmem:$0x11000] =	vst v63  }
0x242: {  	s20 =	simm.s32 $0xF000  }
0x243: {  	[hbm4b:s16+s3] =	stream.indirect_vreg.scatter [tilespmem:s20], [sflag:$0x3], $0x80, v2, vm0, $0xb8;
	[tilespmem:$0x11000] =	vst v63  }
0x244: {  	s21 =	simm.s32 $0xF800  }
0x245: {  	[hbm4b:s17+s3] =	stream.indirect_vreg.scatter [tilespmem:s21], [sflag:$0x3], $0x80, v2, vm0, $0xb8;
	[tilespmem:$0x11000] =	vst v63  }
0x246: {  	s20 =	simm.s32 $0x10000  }
0x247: {  	[hbm4b:s18+s3] =	stream.indirect_vreg.scatter [tilespmem:s20], [sflag:$0x3], $0x80, v2, vm0, $0xb8;
	[tilespmem:$0x11000] =	vst v63  }
0x248: {  	s21 =	simm.s32 $0x10800  }
0x249: {  	[hbm4b:s19+s3] =	stream.indirect_vreg.scatter [tilespmem:s21], [sflag:$0x3], $0x80, v2, vm0, $0xb8;
	[tilespmem:$0x11000] =	vst v63  }
0x24a: {  	s20 =	rddreg [dreg:$0x10];
	s21 =	simm.s32 $0x1000  }
0x24b: {  	[tilespmem:s21], [sflag:$0x1] =	stream.linear.gather [hbm4b:s20+s3], $0x8000, $0x38;
	[tilespmem:$0x11000] =	vst v63  }
0x24c: {  	_ =	swait.ge [sflag:s4], $0x8000  }
0x24d: {  	[sflag:s4] =	ssyncset.done $0x0  }
0x24e: {  	[sflag:s4] =	ssyncadd.s32 $0xFFFF8000  }
0x24f: {  	_ =	swait.ge [sflag:s23], $0x8000  }
0x250: {  	[sflag:s23] =	ssyncset.done $0x0  }
0x251: {  	[sflag:s23] =	ssyncadd.s32 $0xFFFF8000  }
0x252: {  	v2 =	vld.msk [tilespmem:$0x600], $0xff;
	_ =	sdelay $0x4  }
0x253: {  	v3 =	vshll.u32 v2, $0x5  }
0x254: {  	v2 =	vand.u32 $0x7, v2;
	v3 =	vand.u32 $0xFFFFFF00, v3  }
0x255: {  	v2 =	vor.u32 v2, v3  }
0x256: {  	v2 =	vperm.xlane v2, v0;
	_ =	sdelay $0x1  }
0x257: {  	v2 =	vadd.s32 v1, v2;
	_ =	sdelay $0x4  }
0x258: {  	[hbm4b:s1+s3] =	stream.indirect_vreg.scatter [tilespmem:s21], [sflag:$0x2], $0x80, v2, vm0, $0xb8;
	[tilespmem:$0x11000] =	vst v63  }
0x259: {  	s21 =	simm.s32 $0x1800  }
0x25a: {  	[hbm4b:s5+s3] =	stream.indirect_vreg.scatter [tilespmem:s21], [sflag:$0x2], $0x80, v2, vm0, $0xb8;
	[tilespmem:$0x11000] =	vst v63  }
0x25b: {  	s20 =	simm.s32 $0x2000  }
0x25c: {  	[hbm4b:s6+s3] =	stream.indirect_vreg.scatter [tilespmem:s20], [sflag:$0x2], $0x80, v2, vm0, $0xb8;
	[tilespmem:$0x11000] =	vst v63  }
0x25d: {  	s20 =	simm.s32 $0x2800  }
0x25e: {  	[hbm4b:s7+s3] =	stream.indirect_vreg.scatter [tilespmem:s20], [sflag:$0x2], $0x80, v2, vm0, $0xb8;
	[tilespmem:$0x11000] =	vst v63  }
0x25f: {  	_ = 	snop  }
0x260: {  	[hbm4b:s8+s3] =	stream.indirect_vreg.scatter [tilespmem:s24], [sflag:$0x2], $0x80, v2, vm0, $0xb8;
	[tilespmem:$0x11000] =	vst v63  }
0x261: {  	_ = 	snop  }
0x262: {  	[hbm4b:s9+s3] =	stream.indirect_vreg.scatter [tilespmem:s25], [sflag:$0x2], $0x80, v2, vm0, $0xb8;
	[tilespmem:$0x11000] =	vst v63  }
0x263: {  	_ = 	snop  }
0x264: {  	[hbm4b:s10+s3] =	stream.indirect_vreg.scatter [tilespmem:s2], [sflag:$0x2], $0x80, v2, vm0, $0xb8;
	[tilespmem:$0x11000] =	vst v63  }
0x265: {  	s24 =	simm.s32 $0x4800  }
0x266: {  	[hbm4b:s11+s3] =	stream.indirect_vreg.scatter [tilespmem:s24], [sflag:$0x2], $0x80, v2, vm0, $0xb8;
	[tilespmem:$0x11000] =	vst v63  }
0x267: {  	s2 =	simm.s32 $0x5000  }
0x268: {  	[hbm4b:s12+s3] =	stream.indirect_vreg.scatter [tilespmem:s2], [sflag:$0x2], $0x80, v2, vm0, $0xb8;
	[tilespmem:$0x11000] =	vst v63  }
0x269: {  	_ = 	snop  }
0x26a: {  	[hbm4b:s13+s3] =	stream.indirect_vreg.scatter [tilespmem:s28], [sflag:$0x2], $0x80, v2, vm0, $0xb8;
	[tilespmem:$0x11000] =	vst v63  }
0x26b: {  	s20 =	simm.s32 $0x6000  }
0x26c: {  	[hbm4b:s14+s3] =	stream.indirect_vreg.scatter [tilespmem:s20], [sflag:$0x2], $0x80, v2, vm0, $0xb8;
	[tilespmem:$0x11000] =	vst v63  }
0x26d: {  	_ = 	snop  }
0x26e: {  	[hbm4b:s15+s3] =	stream.indirect_vreg.scatter [tilespmem:s30], [sflag:$0x2], $0x80, v2, vm0, $0xb8;
	[tilespmem:$0x11000] =	vst v63  }
0x26f: {  	_ = 	snop  }
0x270: {  	[hbm4b:s16+s3] =	stream.indirect_vreg.scatter [tilespmem:s31], [sflag:$0x2], $0x80, v2, vm0, $0xb8;
	[tilespmem:$0x11000] =	vst v63  }
0x271: {  	s25 =	simm.s32 $0x7800  }
0x272: {  	[hbm4b:s17+s3] =	stream.indirect_vreg.scatter [tilespmem:s25], [sflag:$0x2], $0x80, v2, vm0, $0xb8;
	[tilespmem:$0x11000] =	vst v63  }
0x273: {  	_ = 	snop  }
0x274: {  	[hbm4b:s18+s3] =	stream.indirect_vreg.scatter [tilespmem:s26], [sflag:$0x2], $0x80, v2, vm0, $0xb8;
	[tilespmem:$0x11000] =	vst v63  }
0x275: {  	_ = 	snop  }
0x276: {  	[hbm4b:s19+s3] =	stream.indirect_vreg.scatter [tilespmem:s22], [sflag:$0x2], $0x80, v2, vm0, $0xb8;
	[tilespmem:$0x11000] =	vst v63  }
0x277: {  	s28 =	rddreg [dreg:$0x11];
	s30 =	simm.s32 $0x9000  }
0x278: {  	[tilespmem:s30], [sflag:$0x1] =	stream.linear.gather [hbm4b:s28+s3], $0x8000, $0x38;
	[tilespmem:$0x11000] =	vst v63  }
0x279: {  	_ =	swait.ge [sflag:s29], $0x8000  }
0x27a: {  	[sflag:s29] =	ssyncset.done $0x0  }
0x27b: {  	[sflag:s29] =	ssyncadd.s32 $0xFFFF8000  }
0x27c: {  	_ =	swait.ge [sflag:s23], $0x8000  }
0x27d: {  	[sflag:s23] =	ssyncset.done $0x0  }
0x27e: {  	[sflag:s23] =	ssyncadd.s32 $0xFFFF8000  }
0x27f: {  	v2 =	vld.msk [tilespmem:$0x680], $0xff;
	_ =	sdelay $0x4  }
0x280: {  	v3 =	vshll.u32 v2, $0x5  }
0x281: {  	v2 =	vand.u32 $0x7, v2;
	v3 =	vand.u32 $0xFFFFFF00, v3  }
0x282: {  	v2 =	vor.u32 v2, v3  }
0x283: {  	v2 =	vperm.xlane v2, v0;
	_ =	sdelay $0x1  }
0x284: {  	v2 =	vadd.s32 v1, v2;
	_ =	sdelay $0x4  }
0x285: {  	[hbm4b:s1+s3] =	stream.indirect_vreg.scatter [tilespmem:s30], [sflag:$0x3], $0x80, v2, vm0, $0xb8;
	[tilespmem:$0x11000] =	vst v63  }
0x286: {  	s2 =	simm.s32 $0x9800  }
0x287: {  	[hbm4b:s5+s3] =	stream.indirect_vreg.scatter [tilespmem:s2], [sflag:$0x3], $0x80, v2, vm0, $0xb8;
	[tilespmem:$0x11000] =	vst v63  }
0x288: {  	s31 =	simm.s32 $0xA000  }
0x289: {  	[hbm4b:s6+s3] =	stream.indirect_vreg.scatter [tilespmem:s31], [sflag:$0x3], $0x80, v2, vm0, $0xb8;
	[tilespmem:$0x11000] =	vst v63  }
0x28a: {  	s22 =	simm.s32 $0xA800  }
0x28b: {  	[hbm4b:s7+s3] =	stream.indirect_vreg.scatter [tilespmem:s22], [sflag:$0x3], $0x80, v2, vm0, $0xb8;
	[tilespmem:$0x11000] =	vst v63  }
0x28c: {  	s25 =	simm.s32 $0xB000  }
0x28d: {  	[hbm4b:s8+s3] =	stream.indirect_vreg.scatter [tilespmem:s25], [sflag:$0x3], $0x80, v2, vm0, $0xb8;
	[tilespmem:$0x11000] =	vst v63  }
0x28e: {  	s26 =	simm.s32 $0xB800  }
0x28f: {  	[hbm4b:s9+s3] =	stream.indirect_vreg.scatter [tilespmem:s26], [sflag:$0x3], $0x80, v2, vm0, $0xb8;
	[tilespmem:$0x11000] =	vst v63  }
0x290: {  	s28 =	simm.s32 $0xC000  }
0x291: {  	[hbm4b:s10+s3] =	stream.indirect_vreg.scatter [tilespmem:s28], [sflag:$0x3], $0x80, v2, vm0, $0xb8;
	[tilespmem:$0x11000] =	vst v63  }
0x292: {  	s30 =	simm.s32 $0xC800  }
0x293: {  	[hbm4b:s11+s3] =	stream.indirect_vreg.scatter [tilespmem:s30], [sflag:$0x3], $0x80, v2, vm0, $0xb8;
	[tilespmem:$0x11000] =	vst v63  }
0x294: {  	s31 =	simm.s32 $0xD000  }
0x295: {  	[hbm4b:s12+s3] =	stream.indirect_vreg.scatter [tilespmem:s31], [sflag:$0x3], $0x80, v2, vm0, $0xb8;
	[tilespmem:$0x11000] =	vst v63  }
0x296: {  	s20 =	simm.s32 $0xD800  }
0x297: {  	[hbm4b:s13+s3] =	stream.indirect_vreg.scatter [tilespmem:s20], [sflag:$0x3], $0x80, v2, vm0, $0xb8;
	[tilespmem:$0x11000] =	vst v63  }
0x298: {  	s20 =	simm.s32 $0xE000  }
0x299: {  	[hbm4b:s14+s3] =	stream.indirect_vreg.scatter [tilespmem:s20], [sflag:$0x3], $0x80, v2, vm0, $0xb8;
	[tilespmem:$0x11000] =	vst v63  }
0x29a: {  	s20 =	simm.s32 $0xE800  }
0x29b: {  	[hbm4b:s15+s3] =	stream.indirect_vreg.scatter [tilespmem:s20], [sflag:$0x3], $0x80, v2, vm0, $0xb8;
	[tilespmem:$0x11000] =	vst v63  }
0x29c: {  	s20 =	simm.s32 $0xF000  }
0x29d: {  	[hbm4b:s16+s3] =	stream.indirect_vreg.scatter [tilespmem:s20], [sflag:$0x3], $0x80, v2, vm0, $0xb8;
	[tilespmem:$0x11000] =	vst v63  }
0x29e: {  	s20 =	simm.s32 $0xF800  }
0x29f: {  	[hbm4b:s17+s3] =	stream.indirect_vreg.scatter [tilespmem:s20], [sflag:$0x3], $0x80, v2, vm0, $0xb8;
	[tilespmem:$0x11000] =	vst v63  }
0x2a0: {  	s20 =	simm.s32 $0x10000  }
0x2a1: {  	[hbm4b:s18+s3] =	stream.indirect_vreg.scatter [tilespmem:s20], [sflag:$0x3], $0x80, v2, vm0, $0xb8;
	[tilespmem:$0x11000] =	vst v63  }
0x2a2: {  	s0 =	smov.u32 s1;
	s1 =	simm.s32 $0x10800  }
0x2a3: {  	[hbm4b:s19+s3] =	stream.indirect_vreg.scatter [tilespmem:s1], [sflag:$0x3], $0x80, v2, vm0, $0xb8;
	[tilespmem:$0x11000] =	vst v63  }
0x2a4: {  	s20 =	rddreg [dreg:$0x12];
	s1 =	simm.s32 $0x1000  }
0x2a5: {  	[tilespmem:s1], [sflag:$0x1] =	stream.linear.gather [hbm4b:s20+s3], $0x8000, $0x38;
	[tilespmem:$0x11000] =	vst v63  }
0x2a6: {  	_ =	swait.ge [sflag:s4], $0x8000  }
0x2a7: {  	[sflag:s4] =	ssyncset.done $0x0  }
0x2a8: {  	[sflag:s4] =	ssyncadd.s32 $0xFFFF8000  }
0x2a9: {  	_ =	swait.ge [sflag:s23], $0x8000  }
0x2aa: {  	[sflag:s23] =	ssyncset.done $0x0  }
0x2ab: {  	[sflag:s23] =	ssyncadd.s32 $0xFFFF8000  }
0x2ac: {  	v2 =	vld.msk [tilespmem:$0x700], $0xff;
	_ =	sdelay $0x4  }
0x2ad: {  	v3 =	vshll.u32 v2, $0x5  }
0x2ae: {  	v2 =	vand.u32 $0x7, v2;
	v3 =	vand.u32 $0xFFFFFF00, v3  }
0x2af: {  	v2 =	vor.u32 v2, v3  }
0x2b0: {  	v2 =	vperm.xlane v2, v0;
	_ =	sdelay $0x1  }
0x2b1: {  	v2 =	vadd.s32 v1, v2;
	_ =	sdelay $0x4  }
0x2b2: {  	[hbm4b:s0+s3] =	stream.indirect_vreg.scatter [tilespmem:s1], [sflag:$0x2], $0x80, v2, vm0, $0xb8;
	[tilespmem:$0x11000] =	vst v63  }
0x2b3: {  	_ = 	snop  }
0x2b4: {  	[hbm4b:s5+s3] =	stream.indirect_vreg.scatter [tilespmem:s21], [sflag:$0x2], $0x80, v2, vm0, $0xb8;
	[tilespmem:$0x11000] =	vst v63  }
0x2b5: {  	s20 =	simm.s32 $0x2000  }
0x2b6: {  	[hbm4b:s6+s3] =	stream.indirect_vreg.scatter [tilespmem:s20], [sflag:$0x2], $0x80, v2, vm0, $0xb8;
	[tilespmem:$0x11000] =	vst v63  }
0x2b7: {  	s20 =	simm.s32 $0x2800  }
0x2b8: {  	[hbm4b:s7+s3] =	stream.indirect_vreg.scatter [tilespmem:s20], [sflag:$0x2], $0x80, v2, vm0, $0xb8;
	[tilespmem:$0x11000] =	vst v63  }
0x2b9: {  	s20 =	simm.s32 $0x3000  }
0x2ba: {  	[hbm4b:s8+s3] =	stream.indirect_vreg.scatter [tilespmem:s20], [sflag:$0x2], $0x80, v2, vm0, $0xb8;
	[tilespmem:$0x11000] =	vst v63  }
0x2bb: {  	s20 =	simm.s32 $0x3800  }
0x2bc: {  	[hbm4b:s9+s3] =	stream.indirect_vreg.scatter [tilespmem:s20], [sflag:$0x2], $0x80, v2, vm0, $0xb8;
	[tilespmem:$0x11000] =	vst v63  }
0x2bd: {  	s20 =	simm.s32 $0x4000  }
0x2be: {  	[hbm4b:s10+s3] =	stream.indirect_vreg.scatter [tilespmem:s20], [sflag:$0x2], $0x80, v2, vm0, $0xb8;
	[tilespmem:$0x11000] =	vst v63  }
0x2bf: {  	_ = 	snop  }
0x2c0: {  	[hbm4b:s11+s3] =	stream.indirect_vreg.scatter [tilespmem:s24], [sflag:$0x2], $0x80, v2, vm0, $0xb8;
	[tilespmem:$0x11000] =	vst v63  }
0x2c1: {  	s24 =	simm.s32 $0x5000  }
0x2c2: {  	[hbm4b:s12+s3] =	stream.indirect_vreg.scatter [tilespmem:s24], [sflag:$0x2], $0x80, v2, vm0, $0xb8;
	[tilespmem:$0x11000] =	vst v63  }
0x2c3: {  	s20 =	simm.s32 $0x5800  }
0x2c4: {  	[hbm4b:s13+s3] =	stream.indirect_vreg.scatter [tilespmem:s20], [sflag:$0x2], $0x80, v2, vm0, $0xb8;
	[tilespmem:$0x11000] =	vst v63  }
0x2c5: {  	s20 =	simm.s32 $0x6000  }
0x2c6: {  	[hbm4b:s14+s3] =	stream.indirect_vreg.scatter [tilespmem:s20], [sflag:$0x2], $0x80, v2, vm0, $0xb8;
	[tilespmem:$0x11000] =	vst v63  }
0x2c7: {  	s20 =	simm.s32 $0x6800  }
0x2c8: {  	[hbm4b:s15+s3] =	stream.indirect_vreg.scatter [tilespmem:s20], [sflag:$0x2], $0x80, v2, vm0, $0xb8;
	[tilespmem:$0x11000] =	vst v63  }
0x2c9: {  	s20 =	simm.s32 $0x7000  }
0x2ca: {  	[hbm4b:s16+s3] =	stream.indirect_vreg.scatter [tilespmem:s20], [sflag:$0x2], $0x80, v2, vm0, $0xb8;
	[tilespmem:$0x11000] =	vst v63  }
0x2cb: {  	s20 =	simm.s32 $0x7800  }
0x2cc: {  	[hbm4b:s17+s3] =	stream.indirect_vreg.scatter [tilespmem:s20], [sflag:$0x2], $0x80, v2, vm0, $0xb8;
	[tilespmem:$0x11000] =	vst v63  }
0x2cd: {  	s20 =	simm.s32 $0x8000  }
0x2ce: {  	[hbm4b:s18+s3] =	stream.indirect_vreg.scatter [tilespmem:s20], [sflag:$0x2], $0x80, v2, vm0, $0xb8;
	[tilespmem:$0x11000] =	vst v63  }
0x2cf: {  	s1 =	smov.u32 s0;
	s0 =	simm.s32 $0x8800  }
0x2d0: {  	[hbm4b:s19+s3] =	stream.indirect_vreg.scatter [tilespmem:s0], [sflag:$0x2], $0x80, v2, vm0, $0xb8;
	[tilespmem:$0x11000] =	vst v63  }
0x2d1: {  	s20 =	rddreg [dreg:$0x13];
	s0 =	simm.s32 $0x9000  }
0x2d2: {  	[tilespmem:s0], [sflag:$0x1] =	stream.linear.gather [hbm4b:s20+s3], $0x8000, $0x38;
	[tilespmem:$0x11000] =	vst v63  }
0x2d3: {  	_ =	swait.ge [sflag:s29], $0x8000  }
0x2d4: {  	[sflag:s29] =	ssyncset.done $0x0  }
0x2d5: {  	[sflag:s29] =	ssyncadd.s32 $0xFFFF8000  }
0x2d6: {  	_ =	swait.ge [sflag:s23], $0x8000  }
0x2d7: {  	[sflag:s23] =	ssyncset.done $0x0  }
0x2d8: {  	[sflag:s23] =	ssyncadd.s32 $0xFFFF8000  }
0x2d9: {  	v2 =	vld.msk [tilespmem:$0x780], $0xff;
	_ =	sdelay $0x4  }
0x2da: {  	v3 =	vshll.u32 v2, $0x5  }
0x2db: {  	v2 =	vand.u32 $0x7, v2;
	v3 =	vand.u32 $0xFFFFFF00, v3  }
0x2dc: {  	v2 =	vor.u32 v2, v3  }
0x2dd: {  	v2 =	vperm.xlane v2, v0;
	_ =	sdelay $0x1  }
0x2de: {  	v2 =	vadd.s32 v1, v2;
	_ =	sdelay $0x4  }
0x2df: {  	[hbm4b:s1+s3] =	stream.indirect_vreg.scatter [tilespmem:s0], [sflag:$0x3], $0x80, v2, vm0, $0xb8;
	[tilespmem:$0x11000] =	vst v63  }
0x2e0: {  	_ = 	snop  }
0x2e1: {  	[hbm4b:s5+s3] =	stream.indirect_vreg.scatter [tilespmem:s2], [sflag:$0x3], $0x80, v2, vm0, $0xb8;
	[tilespmem:$0x11000] =	vst v63  }
0x2e2: {  	s20 =	simm.s32 $0xA000  }
0x2e3: {  	[hbm4b:s6+s3] =	stream.indirect_vreg.scatter [tilespmem:s20], [sflag:$0x3], $0x80, v2, vm0, $0xb8;
	[tilespmem:$0x11000] =	vst v63  }
0x2e4: {  	_ = 	snop  }
0x2e5: {  	[hbm4b:s7+s3] =	stream.indirect_vreg.scatter [tilespmem:s22], [sflag:$0x3], $0x80, v2, vm0, $0xb8;
	[tilespmem:$0x11000] =	vst v63  }
0x2e6: {  	_ = 	snop  }
0x2e7: {  	[hbm4b:s8+s3] =	stream.indirect_vreg.scatter [tilespmem:s25], [sflag:$0x3], $0x80, v2, vm0, $0xb8;
	[tilespmem:$0x11000] =	vst v63  }
0x2e8: {  	_ = 	snop  }
0x2e9: {  	[hbm4b:s9+s3] =	stream.indirect_vreg.scatter [tilespmem:s26], [sflag:$0x3], $0x80, v2, vm0, $0xb8;
	[tilespmem:$0x11000] =	vst v63  }
0x2ea: {  	_ = 	snop  }
0x2eb: {  	[hbm4b:s10+s3] =	stream.indirect_vreg.scatter [tilespmem:s28], [sflag:$0x3], $0x80, v2, vm0, $0xb8;
	[tilespmem:$0x11000] =	vst v63  }
0x2ec: {  	_ = 	snop  }
0x2ed: {  	[hbm4b:s11+s3] =	stream.indirect_vreg.scatter [tilespmem:s30], [sflag:$0x3], $0x80, v2, vm0, $0xb8;
	[tilespmem:$0x11000] =	vst v63  }
0x2ee: {  	_ = 	snop  }
0x2ef: {  	[hbm4b:s12+s3] =	stream.indirect_vreg.scatter [tilespmem:s31], [sflag:$0x3], $0x80, v2, vm0, $0xb8;
	[tilespmem:$0x11000] =	vst v63  }
0x2f0: {  	s22 =	simm.s32 $0xD800  }
0x2f1: {  	[hbm4b:s13+s3] =	stream.indirect_vreg.scatter [tilespmem:s22], [sflag:$0x3], $0x80, v2, vm0, $0xb8;
	[tilespmem:$0x11000] =	vst v63  }
0x2f2: {  	s25 =	simm.s32 $0xE000  }
0x2f3: {  	[hbm4b:s14+s3] =	stream.indirect_vreg.scatter [tilespmem:s25], [sflag:$0x3], $0x80, v2, vm0, $0xb8;
	[tilespmem:$0x11000] =	vst v63  }
0x2f4: {  	s26 =	simm.s32 $0xE800  }
0x2f5: {  	[hbm4b:s15+s3] =	stream.indirect_vreg.scatter [tilespmem:s26], [sflag:$0x3], $0x80, v2, vm0, $0xb8;
	[tilespmem:$0x11000] =	vst v63  }
0x2f6: {  	s28 =	simm.s32 $0xF000  }
0x2f7: {  	[hbm4b:s16+s3] =	stream.indirect_vreg.scatter [tilespmem:s28], [sflag:$0x3], $0x80, v2, vm0, $0xb8;
	[tilespmem:$0x11000] =	vst v63  }
0x2f8: {  	s30 =	simm.s32 $0xF800  }
0x2f9: {  	[hbm4b:s17+s3] =	stream.indirect_vreg.scatter [tilespmem:s30], [sflag:$0x3], $0x80, v2, vm0, $0xb8;
	[tilespmem:$0x11000] =	vst v63  }
0x2fa: {  	s31 =	simm.s32 $0x10000  }
0x2fb: {  	[hbm4b:s18+s3] =	stream.indirect_vreg.scatter [tilespmem:s31], [sflag:$0x3], $0x80, v2, vm0, $0xb8;
	[tilespmem:$0x11000] =	vst v63  }
0x2fc: {  	s31 =	simm.s32 $0x10800  }
0x2fd: {  	[hbm4b:s19+s3] =	stream.indirect_vreg.scatter [tilespmem:s31], [sflag:$0x3], $0x80, v2, vm0, $0xb8;
	[tilespmem:$0x11000] =	vst v63  }
0x2fe: {  	s2 =	rddreg [dreg:$0x14];
	s22 =	simm.s32 $0x1000  }
0x2ff: {  	[tilespmem:s22], [sflag:$0x1] =	stream.linear.gather [hbm4b:s2+s3], $0x8000, $0x38;
	[tilespmem:$0x11000] =	vst v63  }
0x300: {  	_ =	swait.ge [sflag:s4], $0x8000  }
0x301: {  	[sflag:s4] =	ssyncset.done $0x0  }
0x302: {  	[sflag:s4] =	ssyncadd.s32 $0xFFFF8000  }
0x303: {  	_ =	swait.ge [sflag:s23], $0x8000  }
0x304: {  	[sflag:s23] =	ssyncset.done $0x0  }
0x305: {  	[sflag:s23] =	ssyncadd.s32 $0xFFFF8000  }
0x306: {  	v2 =	vld.msk [tilespmem:$0x800], $0xff;
	_ =	sdelay $0x4  }
0x307: {  	v3 =	vshll.u32 v2, $0x5  }
0x308: {  	v2 =	vand.u32 $0x7, v2;
	v3 =	vand.u32 $0xFFFFFF00, v3  }
0x309: {  	v2 =	vor.u32 v2, v3  }
0x30a: {  	v2 =	vperm.xlane v2, v0;
	_ =	sdelay $0x1  }
0x30b: {  	v2 =	vadd.s32 v1, v2;
	_ =	sdelay $0x4  }
0x30c: {  	[hbm4b:s1+s3] =	stream.indirect_vreg.scatter [tilespmem:s22], [sflag:$0x2], $0x80, v2, vm0, $0xb8;
	[tilespmem:$0x11000] =	vst v63  }
0x30d: {  	s21 =	simm.s32 $0x1800  }
0x30e: {  	[hbm4b:s5+s3] =	stream.indirect_vreg.scatter [tilespmem:s21], [sflag:$0x2], $0x80, v2, vm0, $0xb8;
	[tilespmem:$0x11000] =	vst v63  }
0x30f: {  	s2 =	simm.s32 $0x2000  }
0x310: {  	[hbm4b:s6+s3] =	stream.indirect_vreg.scatter [tilespmem:s2], [sflag:$0x2], $0x80, v2, vm0, $0xb8;
	[tilespmem:$0x11000] =	vst v63  }
0x311: {  	s25 =	simm.s32 $0x2800  }
0x312: {  	[hbm4b:s7+s3] =	stream.indirect_vreg.scatter [tilespmem:s25], [sflag:$0x2], $0x80, v2, vm0, $0xb8;
	[tilespmem:$0x11000] =	vst v63  }
0x313: {  	s26 =	simm.s32 $0x3000  }
0x314: {  	[hbm4b:s8+s3] =	stream.indirect_vreg.scatter [tilespmem:s26], [sflag:$0x2], $0x80, v2, vm0, $0xb8;
	[tilespmem:$0x11000] =	vst v63  }
0x315: {  	s22 =	simm.s32 $0x3800  }
0x316: {  	[hbm4b:s9+s3] =	stream.indirect_vreg.scatter [tilespmem:s22], [sflag:$0x2], $0x80, v2, vm0, $0xb8;
	[tilespmem:$0x11000] =	vst v63  }
0x317: {  	s28 =	simm.s32 $0x4000  }
0x318: {  	[hbm4b:s10+s3] =	stream.indirect_vreg.scatter [tilespmem:s28], [sflag:$0x2], $0x80, v2, vm0, $0xb8;
	[tilespmem:$0x11000] =	vst v63  }
0x319: {  	s21 =	simm.s32 $0x4800  }
0x31a: {  	[hbm4b:s11+s3] =	stream.indirect_vreg.scatter [tilespmem:s21], [sflag:$0x2], $0x80, v2, vm0, $0xb8;
	[tilespmem:$0x11000] =	vst v63  }
0x31b: {  	s24 =	simm.s32 $0x5000  }
0x31c: {  	[hbm4b:s12+s3] =	stream.indirect_vreg.scatter [tilespmem:s24], [sflag:$0x2], $0x80, v2, vm0, $0xb8;
	[tilespmem:$0x11000] =	vst v63  }
0x31d: {  	s25 =	simm.s32 $0x5800  }
0x31e: {  	[hbm4b:s13+s3] =	stream.indirect_vreg.scatter [tilespmem:s25], [sflag:$0x2], $0x80, v2, vm0, $0xb8;
	[tilespmem:$0x11000] =	vst v63  }
0x31f: {  	s30 =	simm.s32 $0x6000  }
0x320: {  	[hbm4b:s14+s3] =	stream.indirect_vreg.scatter [tilespmem:s30], [sflag:$0x2], $0x80, v2, vm0, $0xb8;
	[tilespmem:$0x11000] =	vst v63  }
0x321: {  	s26 =	simm.s32 $0x6800  }
0x322: {  	[hbm4b:s15+s3] =	stream.indirect_vreg.scatter [tilespmem:s26], [sflag:$0x2], $0x80, v2, vm0, $0xb8;
	[tilespmem:$0x11000] =	vst v63  }
0x323: {  	s28 =	simm.s32 $0x7000  }
0x324: {  	[hbm4b:s16+s3] =	stream.indirect_vreg.scatter [tilespmem:s28], [sflag:$0x2], $0x80, v2, vm0, $0xb8;
	[tilespmem:$0x11000] =	vst v63  }
0x325: {  	s30 =	simm.s32 $0x7800  }
0x326: {  	[hbm4b:s17+s3] =	stream.indirect_vreg.scatter [tilespmem:s30], [sflag:$0x2], $0x80, v2, vm0, $0xb8;
	[tilespmem:$0x11000] =	vst v63  }
0x327: {  	s24 =	simm.s32 $0x8000  }
0x328: {  	[hbm4b:s18+s3] =	stream.indirect_vreg.scatter [tilespmem:s24], [sflag:$0x2], $0x80, v2, vm0, $0xb8;
	[tilespmem:$0x11000] =	vst v63  }
0x329: {  	s0 =	simm.s32 $0x8800  }
0x32a: {  	[hbm4b:s19+s3] =	stream.indirect_vreg.scatter [tilespmem:s0], [sflag:$0x2], $0x80, v2, vm0, $0xb8;
	[tilespmem:$0x11000] =	vst v63  }
0x32b: {  	s20 =	rddreg [dreg:$0x15];
	s0 =	simm.s32 $0x9000  }
0x32c: {  	[tilespmem:s0], [sflag:$0x1] =	stream.linear.gather [hbm4b:s20+s3], $0x8000, $0x38;
	[tilespmem:$0x11000] =	vst v63  }
0x32d: {  	_ =	swait.ge [sflag:s29], $0x8000  }
0x32e: {  	[sflag:s29] =	ssyncset.done $0x0  }
0x32f: {  	[sflag:s29] =	ssyncadd.s32 $0xFFFF8000  }
0x330: {  	_ =	swait.ge [sflag:s23], $0x8000  }
0x331: {  	[sflag:s23] =	ssyncset.done $0x0  }
0x332: {  	[sflag:s23] =	ssyncadd.s32 $0xFFFF8000  }
0x333: {  	v2 =	vld.msk [tilespmem:$0x880], $0xff;
	_ =	sdelay $0x4  }
0x334: {  	v3 =	vshll.u32 v2, $0x5  }
0x335: {  	v2 =	vand.u32 $0x7, v2;
	v3 =	vand.u32 $0xFFFFFF00, v3  }
0x336: {  	v2 =	vor.u32 v2, v3  }
0x337: {  	v2 =	vperm.xlane v2, v0;
	_ =	sdelay $0x1  }
0x338: {  	v2 =	vadd.s32 v1, v2;
	_ =	sdelay $0x4  }
0x339: {  	[hbm4b:s1+s3] =	stream.indirect_vreg.scatter [tilespmem:s0], [sflag:$0x3], $0x80, v2, vm0, $0xb8;
	[tilespmem:$0x11000] =	vst v63  }
0x33a: {  	s20 =	simm.s32 $0x9800  }
0x33b: {  	[hbm4b:s5+s3] =	stream.indirect_vreg.scatter [tilespmem:s20], [sflag:$0x3], $0x80, v2, vm0, $0xb8;
	[tilespmem:$0x11000] =	vst v63  }
0x33c: {  	s20 =	simm.s32 $0xA000  }
0x33d: {  	[hbm4b:s6+s3] =	stream.indirect_vreg.scatter [tilespmem:s20], [sflag:$0x3], $0x80, v2, vm0, $0xb8;
	[tilespmem:$0x11000] =	vst v63  }
0x33e: {  	s20 =	simm.s32 $0xA800  }
0x33f: {  	[hbm4b:s7+s3] =	stream.indirect_vreg.scatter [tilespmem:s20], [sflag:$0x3], $0x80, v2, vm0, $0xb8;
	[tilespmem:$0x11000] =	vst v63  }
0x340: {  	s20 =	simm.s32 $0xB000  }
0x341: {  	[hbm4b:s8+s3] =	stream.indirect_vreg.scatter [tilespmem:s20], [sflag:$0x3], $0x80, v2, vm0, $0xb8;
	[tilespmem:$0x11000] =	vst v63  }
0x342: {  	s20 =	simm.s32 $0xB800  }
0x343: {  	[hbm4b:s9+s3] =	stream.indirect_vreg.scatter [tilespmem:s20], [sflag:$0x3], $0x80, v2, vm0, $0xb8;
	[tilespmem:$0x11000] =	vst v63  }
0x344: {  	s20 =	simm.s32 $0xC000  }
0x345: {  	[hbm4b:s10+s3] =	stream.indirect_vreg.scatter [tilespmem:s20], [sflag:$0x3], $0x80, v2, vm0, $0xb8;
	[tilespmem:$0x11000] =	vst v63  }
0x346: {  	s20 =	simm.s32 $0xC800  }
0x347: {  	[hbm4b:s11+s3] =	stream.indirect_vreg.scatter [tilespmem:s20], [sflag:$0x3], $0x80, v2, vm0, $0xb8;
	[tilespmem:$0x11000] =	vst v63  }
0x348: {  	s20 =	simm.s32 $0xD000  }
0x349: {  	[hbm4b:s12+s3] =	stream.indirect_vreg.scatter [tilespmem:s20], [sflag:$0x3], $0x80, v2, vm0, $0xb8;
	[tilespmem:$0x11000] =	vst v63  }
0x34a: {  	s20 =	simm.s32 $0xD800  }
0x34b: {  	[hbm4b:s13+s3] =	stream.indirect_vreg.scatter [tilespmem:s20], [sflag:$0x3], $0x80, v2, vm0, $0xb8;
	[tilespmem:$0x11000] =	vst v63  }
0x34c: {  	s20 =	simm.s32 $0xE000  }
0x34d: {  	[hbm4b:s14+s3] =	stream.indirect_vreg.scatter [tilespmem:s20], [sflag:$0x3], $0x80, v2, vm0, $0xb8;
	[tilespmem:$0x11000] =	vst v63  }
0x34e: {  	s20 =	simm.s32 $0xE800  }
0x34f: {  	[hbm4b:s15+s3] =	stream.indirect_vreg.scatter [tilespmem:s20], [sflag:$0x3], $0x80, v2, vm0, $0xb8;
	[tilespmem:$0x11000] =	vst v63  }
0x350: {  	s20 =	simm.s32 $0xF000  }
0x351: {  	[hbm4b:s16+s3] =	stream.indirect_vreg.scatter [tilespmem:s20], [sflag:$0x3], $0x80, v2, vm0, $0xb8;
	[tilespmem:$0x11000] =	vst v63  }
0x352: {  	s20 =	simm.s32 $0xF800  }
0x353: {  	[hbm4b:s17+s3] =	stream.indirect_vreg.scatter [tilespmem:s20], [sflag:$0x3], $0x80, v2, vm0, $0xb8;
	[tilespmem:$0x11000] =	vst v63  }
0x354: {  	s20 =	simm.s32 $0x10000  }
0x355: {  	[hbm4b:s18+s3] =	stream.indirect_vreg.scatter [tilespmem:s20], [sflag:$0x3], $0x80, v2, vm0, $0xb8;
	[tilespmem:$0x11000] =	vst v63  }
0x356: {  	_ = 	snop  }
0x357: {  	[hbm4b:s19+s3] =	stream.indirect_vreg.scatter [tilespmem:s31], [sflag:$0x3], $0x80, v2, vm0, $0xb8;
	[tilespmem:$0x11000] =	vst v63  }
0x358: {  	s0 =	rddreg [dreg:$0x16];
	s31 =	simm.s32 $0x1000  }
0x359: {  	[tilespmem:s31], [sflag:$0x1] =	stream.linear.gather [hbm4b:s0+s3], $0x8000, $0x38;
	[tilespmem:$0x11000] =	vst v63  }
0x35a: {  	_ =	swait.ge [sflag:s4], $0x8000  }
0x35b: {  	[sflag:s4] =	ssyncset.done $0x0  }
0x35c: {  	[sflag:s4] =	ssyncadd.s32 $0xFFFF8000  }
0x35d: {  	_ =	swait.ge [sflag:s23], $0x8000  }
0x35e: {  	[sflag:s23] =	ssyncset.done $0x0  }
0x35f: {  	[sflag:s23] =	ssyncadd.s32 $0xFFFF8000  }
0x360: {  	v2 =	vld.msk [tilespmem:$0x900], $0xff;
	_ =	sdelay $0x4  }
0x361: {  	v3 =	vshll.u32 v2, $0x5  }
0x362: {  	v2 =	vand.u32 $0x7, v2;
	v3 =	vand.u32 $0xFFFFFF00, v3  }
0x363: {  	v2 =	vor.u32 v2, v3  }
0x364: {  	v2 =	vperm.xlane v2, v0;
	_ =	sdelay $0x1  }
0x365: {  	v2 =	vadd.s32 v1, v2;
	_ =	sdelay $0x4  }
0x366: {  	[hbm4b:s1+s3] =	stream.indirect_vreg.scatter [tilespmem:s31], [sflag:$0x2], $0x80, v2, vm0, $0xb8;
	[tilespmem:$0x11000] =	vst v63  }
0x367: {  	s31 =	smov.u32 s1;
	s1 =	simm.s32 $0x1800  }
0x368: {  	[hbm4b:s5+s3] =	stream.indirect_vreg.scatter [tilespmem:s1], [sflag:$0x2], $0x80, v2, vm0, $0xb8;
	[tilespmem:$0x11000] =	vst v63  }
0x369: {  	_ = 	snop  }
0x36a: {  	[hbm4b:s6+s3] =	stream.indirect_vreg.scatter [tilespmem:s2], [sflag:$0x2], $0x80, v2, vm0, $0xb8;
	[tilespmem:$0x11000] =	vst v63  }
0x36b: {  	s2 =	simm.s32 $0x2800  }
0x36c: {  	[hbm4b:s7+s3] =	stream.indirect_vreg.scatter [tilespmem:s2], [sflag:$0x2], $0x80, v2, vm0, $0xb8;
	[tilespmem:$0x11000] =	vst v63  }
0x36d: {  	s20 =	simm.s32 $0x3000  }
0x36e: {  	[hbm4b:s8+s3] =	stream.indirect_vreg.scatter [tilespmem:s20], [sflag:$0x2], $0x80, v2, vm0, $0xb8;
	[tilespmem:$0x11000] =	vst v63  }
0x36f: {  	_ = 	snop  }
0x370: {  	[hbm4b:s9+s3] =	stream.indirect_vreg.scatter [tilespmem:s22], [sflag:$0x2], $0x80, v2, vm0, $0xb8;
	[tilespmem:$0x11000] =	vst v63  }
0x371: {  	s2 =	simm.s32 $0x4000  }
0x372: {  	[hbm4b:s10+s3] =	stream.indirect_vreg.scatter [tilespmem:s2], [sflag:$0x2], $0x80, v2, vm0, $0xb8;
	[tilespmem:$0x11000] =	vst v63  }
0x373: {  	_ = 	snop  }
0x374: {  	[hbm4b:s11+s3] =	stream.indirect_vreg.scatter [tilespmem:s21], [sflag:$0x2], $0x80, v2, vm0, $0xb8;
	[tilespmem:$0x11000] =	vst v63  }
0x375: {  	s21 =	simm.s32 $0x5000  }
0x376: {  	[hbm4b:s12+s3] =	stream.indirect_vreg.scatter [tilespmem:s21], [sflag:$0x2], $0x80, v2, vm0, $0xb8;
	[tilespmem:$0x11000] =	vst v63  }
0x377: {  	_ = 	snop  }
0x378: {  	[hbm4b:s13+s3] =	stream.indirect_vreg.scatter [tilespmem:s25], [sflag:$0x2], $0x80, v2, vm0, $0xb8;
	[tilespmem:$0x11000] =	vst v63  }
0x379: {  	s22 =	simm.s32 $0x6000  }
0x37a: {  	[hbm4b:s14+s3] =	stream.indirect_vreg.scatter [tilespmem:s22], [sflag:$0x2], $0x80, v2, vm0, $0xb8;
	[tilespmem:$0x11000] =	vst v63  }
0x37b: {  	_ = 	snop  }
0x37c: {  	[hbm4b:s15+s3] =	stream.indirect_vreg.scatter [tilespmem:s26], [sflag:$0x2], $0x80, v2, vm0, $0xb8;
	[tilespmem:$0x11000] =	vst v63  }
0x37d: {  	_ = 	snop  }
0x37e: {  	[hbm4b:s16+s3] =	stream.indirect_vreg.scatter [tilespmem:s28], [sflag:$0x2], $0x80, v2, vm0, $0xb8;
	[tilespmem:$0x11000] =	vst v63  }
0x37f: {  	_ = 	snop  }
0x380: {  	[hbm4b:s17+s3] =	stream.indirect_vreg.scatter [tilespmem:s30], [sflag:$0x2], $0x80, v2, vm0, $0xb8;
	[tilespmem:$0x11000] =	vst v63  }
0x381: {  	_ = 	snop  }
0x382: {  	[hbm4b:s18+s3] =	stream.indirect_vreg.scatter [tilespmem:s24], [sflag:$0x2], $0x80, v2, vm0, $0xb8;
	[tilespmem:$0x11000] =	vst v63  }
0x383: {  	s26 =	simm.s32 $0x8800  }
0x384: {  	[hbm4b:s19+s3] =	stream.indirect_vreg.scatter [tilespmem:s26], [sflag:$0x2], $0x80, v2, vm0, $0xb8;
	[tilespmem:$0x11000] =	vst v63  }
0x385: {  	s25 =	rddreg [dreg:$0x17];
	s28 =	simm.s32 $0x9000  }
0x386: {  	[tilespmem:s28], [sflag:$0x1] =	stream.linear.gather [hbm4b:s25+s3], $0x8000, $0x38;
	[tilespmem:$0x11000] =	vst v63  }
0x387: {  	_ =	swait.ge [sflag:s29], $0x8000  }
0x388: {  	[sflag:s29] =	ssyncset.done $0x0  }
0x389: {  	[sflag:s29] =	ssyncadd.s32 $0xFFFF8000  }
0x38a: {  	_ =	swait.ge [sflag:s23], $0x8000  }
0x38b: {  	[sflag:s23] =	ssyncset.done $0x0  }
0x38c: {  	[sflag:s23] =	ssyncadd.s32 $0xFFFF8000  }
0x38d: {  	v2 =	vld.msk [tilespmem:$0x980], $0xff;
	_ =	sdelay $0x4  }
0x38e: {  	v3 =	vshll.u32 v2, $0x5  }
0x38f: {  	v2 =	vand.u32 $0x7, v2;
	v3 =	vand.u32 $0xFFFFFF00, v3  }
0x390: {  	v2 =	vor.u32 v2, v3  }
0x391: {  	v2 =	vperm.xlane v2, v0;
	_ =	sdelay $0x1  }
0x392: {  	v2 =	vadd.s32 v1, v2;
	_ =	sdelay $0x4  }
0x393: {  	[hbm4b:s31+s3] =	stream.indirect_vreg.scatter [tilespmem:s28], [sflag:$0x3], $0x80, v2, vm0, $0xb8;
	[tilespmem:$0x11000] =	vst v63  }
0x394: {  	s30 =	simm.s32 $0x9800  }
0x395: {  	[hbm4b:s5+s3] =	stream.indirect_vreg.scatter [tilespmem:s30], [sflag:$0x3], $0x80, v2, vm0, $0xb8;
	[tilespmem:$0x11000] =	vst v63  }
0x396: {  	s20 =	simm.s32 $0xA000  }
0x397: {  	[hbm4b:s6+s3] =	stream.indirect_vreg.scatter [tilespmem:s20], [sflag:$0x3], $0x80, v2, vm0, $0xb8;
	[tilespmem:$0x11000] =	vst v63  }
0x398: {  	s22 =	simm.s32 $0xA800  }
0x399: {  	[hbm4b:s7+s3] =	stream.indirect_vreg.scatter [tilespmem:s22], [sflag:$0x3], $0x80, v2, vm0, $0xb8;
	[tilespmem:$0x11000] =	vst v63  }
0x39a: {  	s25 =	simm.s32 $0xB000  }
0x39b: {  	[hbm4b:s8+s3] =	stream.indirect_vreg.scatter [tilespmem:s25], [sflag:$0x3], $0x80, v2, vm0, $0xb8;
	[tilespmem:$0x11000] =	vst v63  }
0x39c: {  	s26 =	simm.s32 $0xB800  }
0x39d: {  	[hbm4b:s9+s3] =	stream.indirect_vreg.scatter [tilespmem:s26], [sflag:$0x3], $0x80, v2, vm0, $0xb8;
	[tilespmem:$0x11000] =	vst v63  }
0x39e: {  	s28 =	simm.s32 $0xC000  }
0x39f: {  	[hbm4b:s10+s3] =	stream.indirect_vreg.scatter [tilespmem:s28], [sflag:$0x3], $0x80, v2, vm0, $0xb8;
	[tilespmem:$0x11000] =	vst v63  }
0x3a0: {  	s30 =	simm.s32 $0xC800  }
0x3a1: {  	[hbm4b:s11+s3] =	stream.indirect_vreg.scatter [tilespmem:s30], [sflag:$0x3], $0x80, v2, vm0, $0xb8;
	[tilespmem:$0x11000] =	vst v63  }
0x3a2: {  	s20 =	simm.s32 $0xD000  }
0x3a3: {  	[hbm4b:s12+s3] =	stream.indirect_vreg.scatter [tilespmem:s20], [sflag:$0x3], $0x80, v2, vm0, $0xb8;
	[tilespmem:$0x11000] =	vst v63  }
0x3a4: {  	s22 =	simm.s32 $0xD800  }
0x3a5: {  	[hbm4b:s13+s3] =	stream.indirect_vreg.scatter [tilespmem:s22], [sflag:$0x3], $0x80, v2, vm0, $0xb8;
	[tilespmem:$0x11000] =	vst v63  }
0x3a6: {  	s25 =	simm.s32 $0xE000  }
0x3a7: {  	[hbm4b:s14+s3] =	stream.indirect_vreg.scatter [tilespmem:s25], [sflag:$0x3], $0x80, v2, vm0, $0xb8;
	[tilespmem:$0x11000] =	vst v63  }
0x3a8: {  	s26 =	simm.s32 $0xE800  }
0x3a9: {  	[hbm4b:s15+s3] =	stream.indirect_vreg.scatter [tilespmem:s26], [sflag:$0x3], $0x80, v2, vm0, $0xb8;
	[tilespmem:$0x11000] =	vst v63  }
0x3aa: {  	s28 =	simm.s32 $0xF000  }
0x3ab: {  	[hbm4b:s16+s3] =	stream.indirect_vreg.scatter [tilespmem:s28], [sflag:$0x3], $0x80, v2, vm0, $0xb8;
	[tilespmem:$0x11000] =	vst v63  }
0x3ac: {  	s30 =	simm.s32 $0xF800  }
0x3ad: {  	[hbm4b:s17+s3] =	stream.indirect_vreg.scatter [tilespmem:s30], [sflag:$0x3], $0x80, v2, vm0, $0xb8;
	[tilespmem:$0x11000] =	vst v63  }
0x3ae: {  	s20 =	simm.s32 $0x10000  }
0x3af: {  	[hbm4b:s18+s3] =	stream.indirect_vreg.scatter [tilespmem:s20], [sflag:$0x3], $0x80, v2, vm0, $0xb8;
	[tilespmem:$0x11000] =	vst v63  }
0x3b0: {  	s25 =	simm.s32 $0x10800  }
0x3b1: {  	[hbm4b:s19+s3] =	stream.indirect_vreg.scatter [tilespmem:s25], [sflag:$0x3], $0x80, v2, vm0, $0xb8;
	[tilespmem:$0x11000] =	vst v63  }
0x3b2: {  	s22 =	rddreg [dreg:$0x18];
	s26 =	simm.s32 $0x1000  }
0x3b3: {  	[tilespmem:s26], [sflag:$0x1] =	stream.linear.gather [hbm4b:s22+s3], $0x8000, $0x38;
	[tilespmem:$0x11000] =	vst v63  }
0x3b4: {  	_ =	swait.ge [sflag:s4], $0x8000  }
0x3b5: {  	[sflag:s4] =	ssyncset.done $0x0  }
0x3b6: {  	[sflag:s4] =	ssyncadd.s32 $0xFFFF8000  }
0x3b7: {  	_ =	swait.ge [sflag:s23], $0x8000  }
0x3b8: {  	[sflag:s23] =	ssyncset.done $0x0  }
0x3b9: {  	[sflag:s23] =	ssyncadd.s32 $0xFFFF8000  }
0x3ba: {  	v2 =	vld.msk [tilespmem:$0xA00], $0xff;
	_ =	sdelay $0x4  }
0x3bb: {  	v3 =	vshll.u32 v2, $0x5  }
0x3bc: {  	v2 =	vand.u32 $0x7, v2;
	v3 =	vand.u32 $0xFFFFFF00, v3  }
0x3bd: {  	v2 =	vor.u32 v2, v3  }
0x3be: {  	v2 =	vperm.xlane v2, v0;
	_ =	sdelay $0x1  }
0x3bf: {  	v2 =	vadd.s32 v1, v2;
	_ =	sdelay $0x4  }
0x3c0: {  	[hbm4b:s31+s3] =	stream.indirect_vreg.scatter [tilespmem:s26], [sflag:$0x2], $0x80, v2, vm0, $0xb8;
	[tilespmem:$0x11000] =	vst v63  }
0x3c1: {  	_ = 	snop  }
0x3c2: {  	[hbm4b:s5+s3] =	stream.indirect_vreg.scatter [tilespmem:s1], [sflag:$0x2], $0x80, v2, vm0, $0xb8;
	[tilespmem:$0x11000] =	vst v63  }
0x3c3: {  	s1 =	simm.s32 $0x2000  }
0x3c4: {  	[hbm4b:s6+s3] =	stream.indirect_vreg.scatter [tilespmem:s1], [sflag:$0x2], $0x80, v2, vm0, $0xb8;
	[tilespmem:$0x11000] =	vst v63  }
0x3c5: {  	s28 =	simm.s32 $0x2800  }
0x3c6: {  	[hbm4b:s7+s3] =	stream.indirect_vreg.scatter [tilespmem:s28], [sflag:$0x2], $0x80, v2, vm0, $0xb8;
	[tilespmem:$0x11000] =	vst v63  }
0x3c7: {  	s22 =	simm.s32 $0x3000  }
0x3c8: {  	[hbm4b:s8+s3] =	stream.indirect_vreg.scatter [tilespmem:s22], [sflag:$0x2], $0x80, v2, vm0, $0xb8;
	[tilespmem:$0x11000] =	vst v63  }
0x3c9: {  	s30 =	simm.s32 $0x3800  }
0x3ca: {  	[hbm4b:s9+s3] =	stream.indirect_vreg.scatter [tilespmem:s30], [sflag:$0x2], $0x80, v2, vm0, $0xb8;
	[tilespmem:$0x11000] =	vst v63  }
0x3cb: {  	_ = 	snop  }
0x3cc: {  	[hbm4b:s10+s3] =	stream.indirect_vreg.scatter [tilespmem:s2], [sflag:$0x2], $0x80, v2, vm0, $0xb8;
	[tilespmem:$0x11000] =	vst v63  }
0x3cd: {  	s2 =	simm.s32 $0x4800  }
0x3ce: {  	[hbm4b:s11+s3] =	stream.indirect_vreg.scatter [tilespmem:s2], [sflag:$0x2], $0x80, v2, vm0, $0xb8;
	[tilespmem:$0x11000] =	vst v63  }
0x3cf: {  	_ = 	snop  }
0x3d0: {  	[hbm4b:s12+s3] =	stream.indirect_vreg.scatter [tilespmem:s21], [sflag:$0x2], $0x80, v2, vm0, $0xb8;
	[tilespmem:$0x11000] =	vst v63  }
0x3d1: {  	s21 =	simm.s32 $0x5800  }
0x3d2: {  	[hbm4b:s13+s3] =	stream.indirect_vreg.scatter [tilespmem:s21], [sflag:$0x2], $0x80, v2, vm0, $0xb8;
	[tilespmem:$0x11000] =	vst v63  }
0x3d3: {  	s30 =	simm.s32 $0x6000  }
0x3d4: {  	[hbm4b:s14+s3] =	stream.indirect_vreg.scatter [tilespmem:s30], [sflag:$0x2], $0x80, v2, vm0, $0xb8;
	[tilespmem:$0x11000] =	vst v63  }
0x3d5: {  	s20 =	simm.s32 $0x6800  }
0x3d6: {  	[hbm4b:s15+s3] =	stream.indirect_vreg.scatter [tilespmem:s20], [sflag:$0x2], $0x80, v2, vm0, $0xb8;
	[tilespmem:$0x11000] =	vst v63  }
0x3d7: {  	s26 =	simm.s32 $0x7000  }
0x3d8: {  	[hbm4b:s16+s3] =	stream.indirect_vreg.scatter [tilespmem:s26], [sflag:$0x2], $0x80, v2, vm0, $0xb8;
	[tilespmem:$0x11000] =	vst v63  }
0x3d9: {  	s28 =	simm.s32 $0x7800  }
0x3da: {  	[hbm4b:s17+s3] =	stream.indirect_vreg.scatter [tilespmem:s28], [sflag:$0x2], $0x80, v2, vm0, $0xb8;
	[tilespmem:$0x11000] =	vst v63  }
0x3db: {  	s24 =	simm.s32 $0x8000  }
0x3dc: {  	[hbm4b:s18+s3] =	stream.indirect_vreg.scatter [tilespmem:s24], [sflag:$0x2], $0x80, v2, vm0, $0xb8;
	[tilespmem:$0x11000] =	vst v63  }
0x3dd: {  	s24 =	simm.s32 $0x8800  }
0x3de: {  	[hbm4b:s19+s3] =	stream.indirect_vreg.scatter [tilespmem:s24], [sflag:$0x2], $0x80, v2, vm0, $0xb8;
	[tilespmem:$0x11000] =	vst v63  }
0x3df: {  	s20 =	rddreg [dreg:$0x19];
	s24 =	simm.s32 $0x9000  }
0x3e0: {  	[tilespmem:s24], [sflag:$0x1] =	stream.linear.gather [hbm4b:s20+s3], $0x8000, $0x38;
	[tilespmem:$0x11000] =	vst v63  }
0x3e1: {  	_ =	swait.ge [sflag:s29], $0x8000  }
0x3e2: {  	[sflag:s29] =	ssyncset.done $0x0  }
0x3e3: {  	[sflag:s29] =	ssyncadd.s32 $0xFFFF8000  }
0x3e4: {  	_ =	swait.ge [sflag:s23], $0x8000  }
0x3e5: {  	[sflag:s23] =	ssyncset.done $0x0  }
0x3e6: {  	[sflag:s23] =	ssyncadd.s32 $0xFFFF8000  }
0x3e7: {  	v2 =	vld.msk [tilespmem:$0xA80], $0xff;
	_ =	sdelay $0x4  }
0x3e8: {  	v3 =	vshll.u32 v2, $0x5  }
0x3e9: {  	v2 =	vand.u32 $0x7, v2;
	v3 =	vand.u32 $0xFFFFFF00, v3  }
0x3ea: {  	v2 =	vor.u32 v2, v3  }
0x3eb: {  	v2 =	vperm.xlane v2, v0;
	_ =	sdelay $0x1  }
0x3ec: {  	v2 =	vadd.s32 v1, v2;
	_ =	sdelay $0x4  }
0x3ed: {  	[hbm4b:s31+s3] =	stream.indirect_vreg.scatter [tilespmem:s24], [sflag:$0x3], $0x80, v2, vm0, $0xb8;
	[tilespmem:$0x11000] =	vst v63  }
0x3ee: {  	s24 =	simm.s32 $0x9800  }
0x3ef: {  	[hbm4b:s5+s3] =	stream.indirect_vreg.scatter [tilespmem:s24], [sflag:$0x3], $0x80, v2, vm0, $0xb8;
	[tilespmem:$0x11000] =	vst v63  }
0x3f0: {  	s20 =	simm.s32 $0xA000  }
0x3f1: {  	[hbm4b:s6+s3] =	stream.indirect_vreg.scatter [tilespmem:s20], [sflag:$0x3], $0x80, v2, vm0, $0xb8;
	[tilespmem:$0x11000] =	vst v63  }
0x3f2: {  	s24 =	simm.s32 $0xA800  }
0x3f3: {  	[hbm4b:s7+s3] =	stream.indirect_vreg.scatter [tilespmem:s24], [sflag:$0x3], $0x80, v2, vm0, $0xb8;
	[tilespmem:$0x11000] =	vst v63  }
0x3f4: {  	s20 =	simm.s32 $0xB000  }
0x3f5: {  	[hbm4b:s8+s3] =	stream.indirect_vreg.scatter [tilespmem:s20], [sflag:$0x3], $0x80, v2, vm0, $0xb8;
	[tilespmem:$0x11000] =	vst v63  }
0x3f6: {  	s24 =	simm.s32 $0xB800  }
0x3f7: {  	[hbm4b:s9+s3] =	stream.indirect_vreg.scatter [tilespmem:s24], [sflag:$0x3], $0x80, v2, vm0, $0xb8;
	[tilespmem:$0x11000] =	vst v63  }
0x3f8: {  	s20 =	simm.s32 $0xC000  }
0x3f9: {  	[hbm4b:s10+s3] =	stream.indirect_vreg.scatter [tilespmem:s20], [sflag:$0x3], $0x80, v2, vm0, $0xb8;
	[tilespmem:$0x11000] =	vst v63  }
0x3fa: {  	s24 =	simm.s32 $0xC800  }
0x3fb: {  	[hbm4b:s11+s3] =	stream.indirect_vreg.scatter [tilespmem:s24], [sflag:$0x3], $0x80, v2, vm0, $0xb8;
	[tilespmem:$0x11000] =	vst v63  }
0x3fc: {  	s20 =	simm.s32 $0xD000  }
0x3fd: {  	[hbm4b:s12+s3] =	stream.indirect_vreg.scatter [tilespmem:s20], [sflag:$0x3], $0x80, v2, vm0, $0xb8;
	[tilespmem:$0x11000] =	vst v63  }
0x3fe: {  	s24 =	simm.s32 $0xD800  }
0x3ff: {  	[hbm4b:s13+s3] =	stream.indirect_vreg.scatter [tilespmem:s24], [sflag:$0x3], $0x80, v2, vm0, $0xb8;
	[tilespmem:$0x11000] =	vst v63  }
0x400: {  	s20 =	simm.s32 $0xE000  }
0x401: {  	[hbm4b:s14+s3] =	stream.indirect_vreg.scatter [tilespmem:s20], [sflag:$0x3], $0x80, v2, vm0, $0xb8;
	[tilespmem:$0x11000] =	vst v63  }
0x402: {  	s24 =	simm.s32 $0xE800  }
0x403: {  	[hbm4b:s15+s3] =	stream.indirect_vreg.scatter [tilespmem:s24], [sflag:$0x3], $0x80, v2, vm0, $0xb8;
	[tilespmem:$0x11000] =	vst v63  }
0x404: {  	s20 =	simm.s32 $0xF000  }
0x405: {  	[hbm4b:s16+s3] =	stream.indirect_vreg.scatter [tilespmem:s20], [sflag:$0x3], $0x80, v2, vm0, $0xb8;
	[tilespmem:$0x11000] =	vst v63  }
0x406: {  	s24 =	simm.s32 $0xF800  }
0x407: {  	[hbm4b:s17+s3] =	stream.indirect_vreg.scatter [tilespmem:s24], [sflag:$0x3], $0x80, v2, vm0, $0xb8;
	[tilespmem:$0x11000] =	vst v63  }
0x408: {  	s20 =	simm.s32 $0x10000  }
0x409: {  	[hbm4b:s18+s3] =	stream.indirect_vreg.scatter [tilespmem:s20], [sflag:$0x3], $0x80, v2, vm0, $0xb8;
	[tilespmem:$0x11000] =	vst v63  }
0x40a: {  	_ = 	snop  }
0x40b: {  	[hbm4b:s19+s3] =	stream.indirect_vreg.scatter [tilespmem:s25], [sflag:$0x3], $0x80, v2, vm0, $0xb8;
	[tilespmem:$0x11000] =	vst v63  }
0x40c: {  	s24 =	rddreg [dreg:$0x1a];
	s25 =	simm.s32 $0x1000  }
0x40d: {  	[tilespmem:s25], [sflag:$0x1] =	stream.linear.gather [hbm4b:s24+s3], $0x8000, $0x38;
	[tilespmem:$0x11000] =	vst v63  }
0x40e: {  	_ =	swait.ge [sflag:s4], $0x8000  }
0x40f: {  	[sflag:s4] =	ssyncset.done $0x0  }
0x410: {  	[sflag:s4] =	ssyncadd.s32 $0xFFFF8000  }
0x411: {  	_ =	swait.ge [sflag:s23], $0x8000  }
0x412: {  	[sflag:s23] =	ssyncset.done $0x0  }
0x413: {  	[sflag:s23] =	ssyncadd.s32 $0xFFFF8000  }
0x414: {  	v2 =	vld.msk [tilespmem:$0xB00], $0xff;
	_ =	sdelay $0x4  }
0x415: {  	v3 =	vshll.u32 v2, $0x5  }
0x416: {  	v2 =	vand.u32 $0x7, v2;
	v3 =	vand.u32 $0xFFFFFF00, v3  }
0x417: {  	v2 =	vor.u32 v2, v3  }
0x418: {  	v2 =	vperm.xlane v2, v0;
	_ =	sdelay $0x1  }
0x419: {  	v2 =	vadd.s32 v1, v2;
	_ =	sdelay $0x4  }
0x41a: {  	[hbm4b:s31+s3] =	stream.indirect_vreg.scatter [tilespmem:s25], [sflag:$0x2], $0x80, v2, vm0, $0xb8;
	[tilespmem:$0x11000] =	vst v63  }
0x41b: {  	s24 =	simm.s32 $0x1800  }
0x41c: {  	[hbm4b:s5+s3] =	stream.indirect_vreg.scatter [tilespmem:s24], [sflag:$0x2], $0x80, v2, vm0, $0xb8;
	[tilespmem:$0x11000] =	vst v63  }
0x41d: {  	_ = 	snop  }
0x41e: {  	[hbm4b:s6+s3] =	stream.indirect_vreg.scatter [tilespmem:s1], [sflag:$0x2], $0x80, v2, vm0, $0xb8;
	[tilespmem:$0x11000] =	vst v63  }
0x41f: {  	s1 =	simm.s32 $0x2800  }
0x420: {  	[hbm4b:s7+s3] =	stream.indirect_vreg.scatter [tilespmem:s1], [sflag:$0x2], $0x80, v2, vm0, $0xb8;
	[tilespmem:$0x11000] =	vst v63  }
0x421: {  	_ = 	snop  }
0x422: {  	[hbm4b:s8+s3] =	stream.indirect_vreg.scatter [tilespmem:s22], [sflag:$0x2], $0x80, v2, vm0, $0xb8;
	[tilespmem:$0x11000] =	vst v63  }
0x423: {  	s20 =	simm.s32 $0x3800  }
0x424: {  	[hbm4b:s9+s3] =	stream.indirect_vreg.scatter [tilespmem:s20], [sflag:$0x2], $0x80, v2, vm0, $0xb8;
	[tilespmem:$0x11000] =	vst v63  }
0x425: {  	s22 =	simm.s32 $0x4000  }
0x426: {  	[hbm4b:s10+s3] =	stream.indirect_vreg.scatter [tilespmem:s22], [sflag:$0x2], $0x80, v2, vm0, $0xb8;
	[tilespmem:$0x11000] =	vst v63  }
0x427: {  	_ = 	snop  }
0x428: {  	[hbm4b:s11+s3] =	stream.indirect_vreg.scatter [tilespmem:s2], [sflag:$0x2], $0x80, v2, vm0, $0xb8;
	[tilespmem:$0x11000] =	vst v63  }
0x429: {  	s1 =	simm.s32 $0x5000  }
0x42a: {  	[hbm4b:s12+s3] =	stream.indirect_vreg.scatter [tilespmem:s1], [sflag:$0x2], $0x80, v2, vm0, $0xb8;
	[tilespmem:$0x11000] =	vst v63  }
0x42b: {  	_ = 	snop  }
0x42c: {  	[hbm4b:s13+s3] =	stream.indirect_vreg.scatter [tilespmem:s21], [sflag:$0x2], $0x80, v2, vm0, $0xb8;
	[tilespmem:$0x11000] =	vst v63  }
0x42d: {  	_ = 	snop  }
0x42e: {  	[hbm4b:s14+s3] =	stream.indirect_vreg.scatter [tilespmem:s30], [sflag:$0x2], $0x80, v2, vm0, $0xb8;
	[tilespmem:$0x11000] =	vst v63  }
0x42f: {  	s21 =	simm.s32 $0x6800  }
0x430: {  	[hbm4b:s15+s3] =	stream.indirect_vreg.scatter [tilespmem:s21], [sflag:$0x2], $0x80, v2, vm0, $0xb8;
	[tilespmem:$0x11000] =	vst v63  }
0x431: {  	_ = 	snop  }
0x432: {  	[hbm4b:s16+s3] =	stream.indirect_vreg.scatter [tilespmem:s26], [sflag:$0x2], $0x80, v2, vm0, $0xb8;
	[tilespmem:$0x11000] =	vst v63  }
0x433: {  	_ = 	snop  }
0x434: {  	[hbm4b:s17+s3] =	stream.indirect_vreg.scatter [tilespmem:s28], [sflag:$0x2], $0x80, v2, vm0, $0xb8;
	[tilespmem:$0x11000] =	vst v63  }
0x435: {  	s2 =	simm.s32 $0x8000  }
0x436: {  	[hbm4b:s18+s3] =	stream.indirect_vreg.scatter [tilespmem:s2], [sflag:$0x2], $0x80, v2, vm0, $0xb8;
	[tilespmem:$0x11000] =	vst v63  }
0x437: {  	s21 =	simm.s32 $0x8800  }
0x438: {  	[hbm4b:s19+s3] =	stream.indirect_vreg.scatter [tilespmem:s21], [sflag:$0x2], $0x80, v2, vm0, $0xb8;
	[tilespmem:$0x11000] =	vst v63  }
0x439: {  	s30 =	rddreg [dreg:$0x1b];
	s26 =	simm.s32 $0x9000  }
0x43a: {  	[tilespmem:s26], [sflag:$0x1] =	stream.linear.gather [hbm4b:s30+s3], $0x8000, $0x38;
	[tilespmem:$0x11000] =	vst v63  }
0x43b: {  	_ =	swait.ge [sflag:s29], $0x8000  }
0x43c: {  	[sflag:s29] =	ssyncset.done $0x0  }
0x43d: {  	[sflag:s29] =	ssyncadd.s32 $0xFFFF8000  }
0x43e: {  	_ =	swait.ge [sflag:s23], $0x8000  }
0x43f: {  	[sflag:s23] =	ssyncset.done $0x0  }
0x440: {  	[sflag:s23] =	ssyncadd.s32 $0xFFFF8000  }
0x441: {  	v2 =	vld.msk [tilespmem:$0xB80], $0xff;
	_ =	sdelay $0x4  }
0x442: {  	v3 =	vshll.u32 v2, $0x5  }
0x443: {  	v2 =	vand.u32 $0x7, v2;
	v3 =	vand.u32 $0xFFFFFF00, v3  }
0x444: {  	v2 =	vor.u32 v2, v3  }
0x445: {  	v2 =	vperm.xlane v2, v0;
	_ =	sdelay $0x1  }
0x446: {  	v2 =	vadd.s32 v1, v2;
	_ =	sdelay $0x4  }
0x447: {  	[hbm4b:s31+s3] =	stream.indirect_vreg.scatter [tilespmem:s26], [sflag:$0x3], $0x80, v2, vm0, $0xb8;
	[tilespmem:$0x11000] =	vst v63  }
0x448: {  	s28 =	simm.s32 $0x9800  }
0x449: {  	[hbm4b:s5+s3] =	stream.indirect_vreg.scatter [tilespmem:s28], [sflag:$0x3], $0x80, v2, vm0, $0xb8;
	[tilespmem:$0x11000] =	vst v63  }
0x44a: {  	s30 =	simm.s32 $0xA000  }
0x44b: {  	[hbm4b:s6+s3] =	stream.indirect_vreg.scatter [tilespmem:s30], [sflag:$0x3], $0x80, v2, vm0, $0xb8;
	[tilespmem:$0x11000] =	vst v63  }
0x44c: {  	s20 =	simm.s32 $0xA800  }
0x44d: {  	[hbm4b:s7+s3] =	stream.indirect_vreg.scatter [tilespmem:s20], [sflag:$0x3], $0x80, v2, vm0, $0xb8;
	[tilespmem:$0x11000] =	vst v63  }
0x44e: {  	s21 =	simm.s32 $0xB000  }
0x44f: {  	[hbm4b:s8+s3] =	stream.indirect_vreg.scatter [tilespmem:s21], [sflag:$0x3], $0x80, v2, vm0, $0xb8;
	[tilespmem:$0x11000] =	vst v63  }
0x450: {  	s26 =	simm.s32 $0xB800  }
0x451: {  	[hbm4b:s9+s3] =	stream.indirect_vreg.scatter [tilespmem:s26], [sflag:$0x3], $0x80, v2, vm0, $0xb8;
	[tilespmem:$0x11000] =	vst v63  }
0x452: {  	s28 =	simm.s32 $0xC000  }
0x453: {  	[hbm4b:s10+s3] =	stream.indirect_vreg.scatter [tilespmem:s28], [sflag:$0x3], $0x80, v2, vm0, $0xb8;
	[tilespmem:$0x11000] =	vst v63  }
0x454: {  	s30 =	simm.s32 $0xC800  }
0x455: {  	[hbm4b:s11+s3] =	stream.indirect_vreg.scatter [tilespmem:s30], [sflag:$0x3], $0x80, v2, vm0, $0xb8;
	[tilespmem:$0x11000] =	vst v63  }
0x456: {  	s20 =	simm.s32 $0xD000  }
0x457: {  	[hbm4b:s12+s3] =	stream.indirect_vreg.scatter [tilespmem:s20], [sflag:$0x3], $0x80, v2, vm0, $0xb8;
	[tilespmem:$0x11000] =	vst v63  }
0x458: {  	s21 =	simm.s32 $0xD800  }
0x459: {  	[hbm4b:s13+s3] =	stream.indirect_vreg.scatter [tilespmem:s21], [sflag:$0x3], $0x80, v2, vm0, $0xb8;
	[tilespmem:$0x11000] =	vst v63  }
0x45a: {  	s26 =	simm.s32 $0xE000  }
0x45b: {  	[hbm4b:s14+s3] =	stream.indirect_vreg.scatter [tilespmem:s26], [sflag:$0x3], $0x80, v2, vm0, $0xb8;
	[tilespmem:$0x11000] =	vst v63  }
0x45c: {  	s28 =	simm.s32 $0xE800  }
0x45d: {  	[hbm4b:s15+s3] =	stream.indirect_vreg.scatter [tilespmem:s28], [sflag:$0x3], $0x80, v2, vm0, $0xb8;
	[tilespmem:$0x11000] =	vst v63  }
0x45e: {  	s30 =	simm.s32 $0xF000  }
0x45f: {  	[hbm4b:s16+s3] =	stream.indirect_vreg.scatter [tilespmem:s30], [sflag:$0x3], $0x80, v2, vm0, $0xb8;
	[tilespmem:$0x11000] =	vst v63  }
0x460: {  	s20 =	simm.s32 $0xF800  }
0x461: {  	[hbm4b:s17+s3] =	stream.indirect_vreg.scatter [tilespmem:s20], [sflag:$0x3], $0x80, v2, vm0, $0xb8;
	[tilespmem:$0x11000] =	vst v63  }
0x462: {  	s21 =	simm.s32 $0x10000  }
0x463: {  	[hbm4b:s18+s3] =	stream.indirect_vreg.scatter [tilespmem:s21], [sflag:$0x3], $0x80, v2, vm0, $0xb8;
	[tilespmem:$0x11000] =	vst v63  }
0x464: {  	s28 =	simm.s32 $0x10800  }
0x465: {  	[hbm4b:s19+s3] =	stream.indirect_vreg.scatter [tilespmem:s28], [sflag:$0x3], $0x80, v2, vm0, $0xb8;
	[tilespmem:$0x11000] =	vst v63  }
0x466: {  	s26 =	rddreg [dreg:$0x1c];
	s30 =	simm.s32 $0x1000  }
0x467: {  	[tilespmem:s30], [sflag:$0x1] =	stream.linear.gather [hbm4b:s26+s3], $0x8000, $0x38;
	[tilespmem:$0x11000] =	vst v63  }
0x468: {  	_ =	swait.ge [sflag:s4], $0x8000  }
0x469: {  	[sflag:s4] =	ssyncset.done $0x0  }
0x46a: {  	[sflag:s4] =	ssyncadd.s32 $0xFFFF8000  }
0x46b: {  	_ =	swait.ge [sflag:s23], $0x8000  }
0x46c: {  	[sflag:s23] =	ssyncset.done $0x0  }
0x46d: {  	[sflag:s23] =	ssyncadd.s32 $0xFFFF8000  }
0x46e: {  	v2 =	vld.msk [tilespmem:$0xC00], $0xff;
	_ =	sdelay $0x4  }
0x46f: {  	v3 =	vshll.u32 v2, $0x5  }
0x470: {  	v2 =	vand.u32 $0x7, v2;
	v3 =	vand.u32 $0xFFFFFF00, v3  }
0x471: {  	v2 =	vor.u32 v2, v3  }
0x472: {  	v2 =	vperm.xlane v2, v0;
	_ =	sdelay $0x1  }
0x473: {  	v2 =	vadd.s32 v1, v2;
	_ =	sdelay $0x4  }
0x474: {  	[hbm4b:s31+s3] =	stream.indirect_vreg.scatter [tilespmem:s30], [sflag:$0x2], $0x80, v2, vm0, $0xb8;
	[tilespmem:$0x11000] =	vst v63  }
0x475: {  	_ = 	snop  }
0x476: {  	[hbm4b:s5+s3] =	stream.indirect_vreg.scatter [tilespmem:s24], [sflag:$0x2], $0x80, v2, vm0, $0xb8;
	[tilespmem:$0x11000] =	vst v63  }
0x477: {  	s25 =	simm.s32 $0x2000  }
0x478: {  	[hbm4b:s6+s3] =	stream.indirect_vreg.scatter [tilespmem:s25], [sflag:$0x2], $0x80, v2, vm0, $0xb8;
	[tilespmem:$0x11000] =	vst v63  }
0x479: {  	s21 =	simm.s32 $0x2800  }
0x47a: {  	[hbm4b:s7+s3] =	stream.indirect_vreg.scatter [tilespmem:s21], [sflag:$0x2], $0x80, v2, vm0, $0xb8;
	[tilespmem:$0x11000] =	vst v63  }
0x47b: {  	s26 =	simm.s32 $0x3000  }
0x47c: {  	[hbm4b:s8+s3] =	stream.indirect_vreg.scatter [tilespmem:s26], [sflag:$0x2], $0x80, v2, vm0, $0xb8;
	[tilespmem:$0x11000] =	vst v63  }
0x47d: {  	s0 =	smov.u32 s31;
	s31 =	simm.s32 $0x3800  }
0x47e: {  	[hbm4b:s9+s3] =	stream.indirect_vreg.scatter [tilespmem:s31], [sflag:$0x2], $0x80, v2, vm0, $0xb8;
	[tilespmem:$0x11000] =	vst v63  }
0x47f: {  	_ = 	snop  }
0x480: {  	[hbm4b:s10+s3] =	stream.indirect_vreg.scatter [tilespmem:s22], [sflag:$0x2], $0x80, v2, vm0, $0xb8;
	[tilespmem:$0x11000] =	vst v63  }
0x481: {  	s22 =	simm.s32 $0x4800  }
0x482: {  	[hbm4b:s11+s3] =	stream.indirect_vreg.scatter [tilespmem:s22], [sflag:$0x2], $0x80, v2, vm0, $0xb8;
	[tilespmem:$0x11000] =	vst v63  }
0x483: {  	_ = 	snop  }
0x484: {  	[hbm4b:s12+s3] =	stream.indirect_vreg.scatter [tilespmem:s1], [sflag:$0x2], $0x80, v2, vm0, $0xb8;
	[tilespmem:$0x11000] =	vst v63  }
0x485: {  	s24 =	simm.s32 $0x5800  }
0x486: {  	[hbm4b:s13+s3] =	stream.indirect_vreg.scatter [tilespmem:s24], [sflag:$0x2], $0x80, v2, vm0, $0xb8;
	[tilespmem:$0x11000] =	vst v63  }
0x487: {  	s30 =	simm.s32 $0x6000  }
0x488: {  	[hbm4b:s14+s3] =	stream.indirect_vreg.scatter [tilespmem:s30], [sflag:$0x2], $0x80, v2, vm0, $0xb8;
	[tilespmem:$0x11000] =	vst v63  }
0x489: {  	s20 =	simm.s32 $0x6800  }
0x48a: {  	[hbm4b:s15+s3] =	stream.indirect_vreg.scatter [tilespmem:s20], [sflag:$0x2], $0x80, v2, vm0, $0xb8;
	[tilespmem:$0x11000] =	vst v63  }
0x48b: {  	s1 =	simm.s32 $0x7000  }
0x48c: {  	[hbm4b:s16+s3] =	stream.indirect_vreg.scatter [tilespmem:s1], [sflag:$0x2], $0x80, v2, vm0, $0xb8;
	[tilespmem:$0x11000] =	vst v63  }
0x48d: {  	s25 =	simm.s32 $0x7800  }
0x48e: {  	[hbm4b:s17+s3] =	stream.indirect_vreg.scatter [tilespmem:s25], [sflag:$0x2], $0x80, v2, vm0, $0xb8;
	[tilespmem:$0x11000] =	vst v63  }
0x48f: {  	_ = 	snop  }
0x490: {  	[hbm4b:s18+s3] =	stream.indirect_vreg.scatter [tilespmem:s2], [sflag:$0x2], $0x80, v2, vm0, $0xb8;
	[tilespmem:$0x11000] =	vst v63  }
0x491: {  	s31 =	simm.s32 $0x8800  }
0x492: {  	[hbm4b:s19+s3] =	stream.indirect_vreg.scatter [tilespmem:s31], [sflag:$0x2], $0x80, v2, vm0, $0xb8;
	[tilespmem:$0x11000] =	vst v63  }
0x493: {  	s20 =	rddreg [dreg:$0x1d];
	s25 =	simm.s32 $0x9000  }
0x494: {  	[tilespmem:s25], [sflag:$0x1] =	stream.linear.gather [hbm4b:s20+s3], $0x8000, $0x38;
	[tilespmem:$0x11000] =	vst v63  }
0x495: {  	_ =	swait.ge [sflag:s29], $0x8000  }
0x496: {  	[sflag:s29] =	ssyncset.done $0x0  }
0x497: {  	[sflag:s29] =	ssyncadd.s32 $0xFFFF8000  }
0x498: {  	_ =	swait.ge [sflag:s23], $0x8000  }
0x499: {  	[sflag:s23] =	ssyncset.done $0x0  }
0x49a: {  	[sflag:s23] =	ssyncadd.s32 $0xFFFF8000  }
0x49b: {  	v2 =	vld.msk [tilespmem:$0xC80], $0xff;
	_ =	sdelay $0x4  }
0x49c: {  	v3 =	vshll.u32 v2, $0x5  }
0x49d: {  	v2 =	vand.u32 $0x7, v2;
	v3 =	vand.u32 $0xFFFFFF00, v3  }
0x49e: {  	v2 =	vor.u32 v2, v3  }
0x49f: {  	v2 =	vperm.xlane v2, v0;
	_ =	sdelay $0x1  }
0x4a0: {  	v2 =	vadd.s32 v1, v2;
	_ =	sdelay $0x4  }
0x4a1: {  	[hbm4b:s0+s3] =	stream.indirect_vreg.scatter [tilespmem:s25], [sflag:$0x3], $0x80, v2, vm0, $0xb8;
	[tilespmem:$0x11000] =	vst v63  }
0x4a2: {  	s31 =	simm.s32 $0x9800  }
0x4a3: {  	[hbm4b:s5+s3] =	stream.indirect_vreg.scatter [tilespmem:s31], [sflag:$0x3], $0x80, v2, vm0, $0xb8;
	[tilespmem:$0x11000] =	vst v63  }
0x4a4: {  	s20 =	simm.s32 $0xA000  }
0x4a5: {  	[hbm4b:s6+s3] =	stream.indirect_vreg.scatter [tilespmem:s20], [sflag:$0x3], $0x80, v2, vm0, $0xb8;
	[tilespmem:$0x11000] =	vst v63  }
0x4a6: {  	s25 =	simm.s32 $0xA800  }
0x4a7: {  	[hbm4b:s7+s3] =	stream.indirect_vreg.scatter [tilespmem:s25], [sflag:$0x3], $0x80, v2, vm0, $0xb8;
	[tilespmem:$0x11000] =	vst v63  }
0x4a8: {  	s31 =	simm.s32 $0xB000  }
0x4a9: {  	[hbm4b:s8+s3] =	stream.indirect_vreg.scatter [tilespmem:s31], [sflag:$0x3], $0x80, v2, vm0, $0xb8;
	[tilespmem:$0x11000] =	vst v63  }
0x4aa: {  	s20 =	simm.s32 $0xB800  }
0x4ab: {  	[hbm4b:s9+s3] =	stream.indirect_vreg.scatter [tilespmem:s20], [sflag:$0x3], $0x80, v2, vm0, $0xb8;
	[tilespmem:$0x11000] =	vst v63  }
0x4ac: {  	s25 =	simm.s32 $0xC000  }
0x4ad: {  	[hbm4b:s10+s3] =	stream.indirect_vreg.scatter [tilespmem:s25], [sflag:$0x3], $0x80, v2, vm0, $0xb8;
	[tilespmem:$0x11000] =	vst v63  }
0x4ae: {  	s31 =	simm.s32 $0xC800  }
0x4af: {  	[hbm4b:s11+s3] =	stream.indirect_vreg.scatter [tilespmem:s31], [sflag:$0x3], $0x80, v2, vm0, $0xb8;
	[tilespmem:$0x11000] =	vst v63  }
0x4b0: {  	s20 =	simm.s32 $0xD000  }
0x4b1: {  	[hbm4b:s12+s3] =	stream.indirect_vreg.scatter [tilespmem:s20], [sflag:$0x3], $0x80, v2, vm0, $0xb8;
	[tilespmem:$0x11000] =	vst v63  }
0x4b2: {  	s25 =	simm.s32 $0xD800  }
0x4b3: {  	[hbm4b:s13+s3] =	stream.indirect_vreg.scatter [tilespmem:s25], [sflag:$0x3], $0x80, v2, vm0, $0xb8;
	[tilespmem:$0x11000] =	vst v63  }
0x4b4: {  	s31 =	simm.s32 $0xE000  }
0x4b5: {  	[hbm4b:s14+s3] =	stream.indirect_vreg.scatter [tilespmem:s31], [sflag:$0x3], $0x80, v2, vm0, $0xb8;
	[tilespmem:$0x11000] =	vst v63  }
0x4b6: {  	s20 =	simm.s32 $0xE800  }
0x4b7: {  	[hbm4b:s15+s3] =	stream.indirect_vreg.scatter [tilespmem:s20], [sflag:$0x3], $0x80, v2, vm0, $0xb8;
	[tilespmem:$0x11000] =	vst v63  }
0x4b8: {  	s25 =	simm.s32 $0xF000  }
0x4b9: {  	[hbm4b:s16+s3] =	stream.indirect_vreg.scatter [tilespmem:s25], [sflag:$0x3], $0x80, v2, vm0, $0xb8;
	[tilespmem:$0x11000] =	vst v63  }
0x4ba: {  	s31 =	simm.s32 $0xF800  }
0x4bb: {  	[hbm4b:s17+s3] =	stream.indirect_vreg.scatter [tilespmem:s31], [sflag:$0x3], $0x80, v2, vm0, $0xb8;
	[tilespmem:$0x11000] =	vst v63  }
0x4bc: {  	s20 =	simm.s32 $0x10000  }
0x4bd: {  	[hbm4b:s18+s3] =	stream.indirect_vreg.scatter [tilespmem:s20], [sflag:$0x3], $0x80, v2, vm0, $0xb8;
	[tilespmem:$0x11000] =	vst v63  }
0x4be: {  	_ = 	snop  }
0x4bf: {  	[hbm4b:s19+s3] =	stream.indirect_vreg.scatter [tilespmem:s28], [sflag:$0x3], $0x80, v2, vm0, $0xb8;
	[tilespmem:$0x11000] =	vst v63  }
0x4c0: {  	s25 =	rddreg [dreg:$0x1e];
	s28 =	simm.s32 $0x1000  }
0x4c1: {  	[tilespmem:s28], [sflag:$0x1] =	stream.linear.gather [hbm4b:s25+s3], $0x8000, $0x38;
	[tilespmem:$0x11000] =	vst v63  }
0x4c2: {  	_ =	swait.ge [sflag:s4], $0x8000  }
0x4c3: {  	[sflag:s4] =	ssyncset.done $0x0  }
0x4c4: {  	[sflag:s4] =	ssyncadd.s32 $0xFFFF8000  }
0x4c5: {  	_ =	swait.ge [sflag:s23], $0x8000  }
0x4c6: {  	[sflag:s23] =	ssyncset.done $0x0  }
0x4c7: {  	[sflag:s23] =	ssyncadd.s32 $0xFFFF8000  }
0x4c8: {  	v2 =	vld.msk [tilespmem:$0xD00], $0xff;
	_ =	sdelay $0x4  }
0x4c9: {  	v3 =	vshll.u32 v2, $0x5  }
0x4ca: {  	v2 =	vand.u32 $0x7, v2;
	v3 =	vand.u32 $0xFFFFFF00, v3  }
0x4cb: {  	v2 =	vor.u32 v2, v3  }
0x4cc: {  	v2 =	vperm.xlane v2, v0;
	_ =	sdelay $0x1  }
0x4cd: {  	v2 =	vadd.s32 v1, v2;
	_ =	sdelay $0x3  }
0x4ce: {  	s2 =	smov.u32 s0  }
0x4cf: {  	[hbm4b:s2+s3] =	stream.indirect_vreg.scatter [tilespmem:s28], [sflag:$0x2], $0x80, v2, vm0, $0xb8;
	[tilespmem:$0x11000] =	vst v63  }
0x4d0: {  	s25 =	simm.s32 $0x1800  }
0x4d1: {  	[hbm4b:s5+s3] =	stream.indirect_vreg.scatter [tilespmem:s25], [sflag:$0x2], $0x80, v2, vm0, $0xb8;
	[tilespmem:$0x11000] =	vst v63  }
0x4d2: {  	s31 =	simm.s32 $0x2000  }
0x4d3: {  	[hbm4b:s6+s3] =	stream.indirect_vreg.scatter [tilespmem:s31], [sflag:$0x2], $0x80, v2, vm0, $0xb8;
	[tilespmem:$0x11000] =	vst v63  }
0x4d4: {  	_ = 	snop  }
0x4d5: {  	[hbm4b:s7+s3] =	stream.indirect_vreg.scatter [tilespmem:s21], [sflag:$0x2], $0x80, v2, vm0, $0xb8;
	[tilespmem:$0x11000] =	vst v63  }
0x4d6: {  	_ = 	snop  }
0x4d7: {  	[hbm4b:s8+s3] =	stream.indirect_vreg.scatter [tilespmem:s26], [sflag:$0x2], $0x80, v2, vm0, $0xb8;
	[tilespmem:$0x11000] =	vst v63  }
0x4d8: {  	s26 =	simm.s32 $0x3800  }
0x4d9: {  	[hbm4b:s9+s3] =	stream.indirect_vreg.scatter [tilespmem:s26], [sflag:$0x2], $0x80, v2, vm0, $0xb8;
	[tilespmem:$0x11000] =	vst v63  }
0x4da: {  	s26 =	simm.s32 $0x4000  }
0x4db: {  	[hbm4b:s10+s3] =	stream.indirect_vreg.scatter [tilespmem:s26], [sflag:$0x2], $0x80, v2, vm0, $0xb8;
	[tilespmem:$0x11000] =	vst v63  }
0x4dc: {  	_ = 	snop  }
0x4dd: {  	[hbm4b:s11+s3] =	stream.indirect_vreg.scatter [tilespmem:s22], [sflag:$0x2], $0x80, v2, vm0, $0xb8;
	[tilespmem:$0x11000] =	vst v63  }
0x4de: {  	s22 =	simm.s32 $0x5000  }
0x4df: {  	[hbm4b:s12+s3] =	stream.indirect_vreg.scatter [tilespmem:s22], [sflag:$0x2], $0x80, v2, vm0, $0xb8;
	[tilespmem:$0x11000] =	vst v63  }
0x4e0: {  	_ = 	snop  }
0x4e1: {  	[hbm4b:s13+s3] =	stream.indirect_vreg.scatter [tilespmem:s24], [sflag:$0x2], $0x80, v2, vm0, $0xb8;
	[tilespmem:$0x11000] =	vst v63  }
0x4e2: {  	_ = 	snop  }
0x4e3: {  	[hbm4b:s14+s3] =	stream.indirect_vreg.scatter [tilespmem:s30], [sflag:$0x2], $0x80, v2, vm0, $0xb8;
	[tilespmem:$0x11000] =	vst v63  }
0x4e4: {  	s21 =	simm.s32 $0x6800  }
0x4e5: {  	[hbm4b:s15+s3] =	stream.indirect_vreg.scatter [tilespmem:s21], [sflag:$0x2], $0x80, v2, vm0, $0xb8;
	[tilespmem:$0x11000] =	vst v63  }
0x4e6: {  	_ = 	snop  }
0x4e7: {  	[hbm4b:s16+s3] =	stream.indirect_vreg.scatter [tilespmem:s1], [sflag:$0x2], $0x80, v2, vm0, $0xb8;
	[tilespmem:$0x11000] =	vst v63  }
0x4e8: {  	s28 =	simm.s32 $0x7800  }
0x4e9: {  	[hbm4b:s17+s3] =	stream.indirect_vreg.scatter [tilespmem:s28], [sflag:$0x2], $0x80, v2, vm0, $0xb8;
	[tilespmem:$0x11000] =	vst v63  }
0x4ea: {  	s28 =	simm.s32 $0x8000  }
0x4eb: {  	[hbm4b:s18+s3] =	stream.indirect_vreg.scatter [tilespmem:s28], [sflag:$0x2], $0x80, v2, vm0, $0xb8;
	[tilespmem:$0x11000] =	vst v63  }
0x4ec: {  	s31 =	simm.s32 $0x8800  }
0x4ed: {  	[hbm4b:s19+s3] =	stream.indirect_vreg.scatter [tilespmem:s31], [sflag:$0x2], $0x80, v2, vm0, $0xb8;
	[tilespmem:$0x11000] =	vst v63  }
0x4ee: {  	s30 =	rddreg [dreg:$0x1f];
	s1 =	simm.s32 $0x9000  }
0x4ef: {  	[tilespmem:s1], [sflag:$0x1] =	stream.linear.gather [hbm4b:s30+s3], $0x8000, $0x38;
	[tilespmem:$0x11000] =	vst v63  }
0x4f0: {  	_ =	swait.ge [sflag:s29], $0x8000  }
0x4f1: {  	[sflag:s29] =	ssyncset.done $0x0  }
0x4f2: {  	[sflag:s29] =	ssyncadd.s32 $0xFFFF8000  }
0x4f3: {  	_ =	swait.ge [sflag:s23], $0x8000  }
0x4f4: {  	[sflag:s23] =	ssyncset.done $0x0  }
0x4f5: {  	[sflag:s23] =	ssyncadd.s32 $0xFFFF8000  }
0x4f6: {  	v2 =	vld.msk [tilespmem:$0xD80], $0xff;
	_ =	sdelay $0x4  }
0x4f7: {  	v3 =	vshll.u32 v2, $0x5  }
0x4f8: {  	v2 =	vand.u32 $0x7, v2;
	v3 =	vand.u32 $0xFFFFFF00, v3  }
0x4f9: {  	v2 =	vor.u32 v2, v3  }
0x4fa: {  	v2 =	vperm.xlane v2, v0;
	_ =	sdelay $0x1  }
0x4fb: {  	v2 =	vadd.s32 v1, v2;
	_ =	sdelay $0x4  }
0x4fc: {  	[hbm4b:s2+s3] =	stream.indirect_vreg.scatter [tilespmem:s1], [sflag:$0x3], $0x80, v2, vm0, $0xb8;
	[tilespmem:$0x11000] =	vst v63  }
0x4fd: {  	s24 =	simm.s32 $0x9800  }
0x4fe: {  	[hbm4b:s5+s3] =	stream.indirect_vreg.scatter [tilespmem:s24], [sflag:$0x3], $0x80, v2, vm0, $0xb8;
	[tilespmem:$0x11000] =	vst v63  }
0x4ff: {  	s30 =	simm.s32 $0xA000  }
0x500: {  	[hbm4b:s6+s3] =	stream.indirect_vreg.scatter [tilespmem:s30], [sflag:$0x3], $0x80, v2, vm0, $0xb8;
	[tilespmem:$0x11000] =	vst v63  }
0x501: {  	s31 =	simm.s32 $0xA800  }
0x502: {  	[hbm4b:s7+s3] =	stream.indirect_vreg.scatter [tilespmem:s31], [sflag:$0x3], $0x80, v2, vm0, $0xb8;
	[tilespmem:$0x11000] =	vst v63  }
0x503: {  	s30 =	simm.s32 $0xB000  }
0x504: {  	[hbm4b:s8+s3] =	stream.indirect_vreg.scatter [tilespmem:s30], [sflag:$0x3], $0x80, v2, vm0, $0xb8;
	[tilespmem:$0x11000] =	vst v63  }
0x505: {  	s31 =	simm.s32 $0xB800  }
0x506: {  	[hbm4b:s9+s3] =	stream.indirect_vreg.scatter [tilespmem:s31], [sflag:$0x3], $0x80, v2, vm0, $0xb8;
	[tilespmem:$0x11000] =	vst v63  }
0x507: {  	s24 =	simm.s32 $0xC000  }
0x508: {  	[hbm4b:s10+s3] =	stream.indirect_vreg.scatter [tilespmem:s24], [sflag:$0x3], $0x80, v2, vm0, $0xb8;
	[tilespmem:$0x11000] =	vst v63  }
0x509: {  	s24 =	simm.s32 $0xC800  }
0x50a: {  	[hbm4b:s11+s3] =	stream.indirect_vreg.scatter [tilespmem:s24], [sflag:$0x3], $0x80, v2, vm0, $0xb8;
	[tilespmem:$0x11000] =	vst v63  }
0x50b: {  	s24 =	simm.s32 $0xD000  }
0x50c: {  	[hbm4b:s12+s3] =	stream.indirect_vreg.scatter [tilespmem:s24], [sflag:$0x3], $0x80, v2, vm0, $0xb8;
	[tilespmem:$0x11000] =	vst v63  }
0x50d: {  	s24 =	simm.s32 $0xD800  }
0x50e: {  	[hbm4b:s13+s3] =	stream.indirect_vreg.scatter [tilespmem:s24], [sflag:$0x3], $0x80, v2, vm0, $0xb8;
	[tilespmem:$0x11000] =	vst v63  }
0x50f: {  	s24 =	simm.s32 $0xE000  }
0x510: {  	[hbm4b:s14+s3] =	stream.indirect_vreg.scatter [tilespmem:s24], [sflag:$0x3], $0x80, v2, vm0, $0xb8;
	[tilespmem:$0x11000] =	vst v63  }
0x511: {  	s24 =	simm.s32 $0xE800  }
0x512: {  	[hbm4b:s15+s3] =	stream.indirect_vreg.scatter [tilespmem:s24], [sflag:$0x3], $0x80, v2, vm0, $0xb8;
	[tilespmem:$0x11000] =	vst v63  }
0x513: {  	s24 =	simm.s32 $0xF000  }
0x514: {  	[hbm4b:s16+s3] =	stream.indirect_vreg.scatter [tilespmem:s24], [sflag:$0x3], $0x80, v2, vm0, $0xb8;
	[tilespmem:$0x11000] =	vst v63  }
0x515: {  	s24 =	simm.s32 $0xF800  }
0x516: {  	[hbm4b:s17+s3] =	stream.indirect_vreg.scatter [tilespmem:s24], [sflag:$0x3], $0x80, v2, vm0, $0xb8;
	[tilespmem:$0x11000] =	vst v63  }
0x517: {  	s24 =	simm.s32 $0x10000  }
0x518: {  	[hbm4b:s18+s3] =	stream.indirect_vreg.scatter [tilespmem:s24], [sflag:$0x3], $0x80, v2, vm0, $0xb8;
	[tilespmem:$0x11000] =	vst v63  }
0x519: {  	s20 =	sld [smem:$0x7F9];
	s24 =	simm.s32 $0x10800  }
0x51a: {  	[hbm4b:s19+s3] =	stream.indirect_vreg.scatter [tilespmem:s24], [sflag:$0x3], $0x80, v2, vm0, $0xb8;
	[tilespmem:$0x11000] =	vst v63  }
0x51b: {  	s0 =	simm.s32 $0x1000  }
0x51c: {  	[tilespmem:s0], [sflag:$0x1] =	stream.linear.gather [hbm4b:s20+s3], $0x8000, $0x38;
	[tilespmem:$0x11000] =	vst v63  }
0x51d: {  	_ =	swait.ge [sflag:s4], $0x8000  }
0x51e: {  	[sflag:s4] =	ssyncset.done $0x0  }
0x51f: {  	[sflag:s4] =	ssyncadd.s32 $0xFFFF8000  }
0x520: {  	_ =	swait.ge [sflag:s23], $0x8000  }
0x521: {  	[sflag:s23] =	ssyncset.done $0x0  }
0x522: {  	[sflag:s23] =	ssyncadd.s32 $0xFFFF8000  }
0x523: {  	v2 =	vld.msk [tilespmem:$0xE00], $0xff;
	_ =	sdelay $0x4  }
0x524: {  	v3 =	vshll.u32 v2, $0x5  }
0x525: {  	v2 =	vand.u32 $0x7, v2;
	v3 =	vand.u32 $0xFFFFFF00, v3  }
0x526: {  	v2 =	vor.u32 v2, v3  }
0x527: {  	v2 =	vperm.xlane v2, v0;
	_ =	sdelay $0x1  }
0x528: {  	v2 =	vadd.s32 v1, v2;
	_ =	sdelay $0x4  }
0x529: {  	[hbm4b:s2+s3] =	stream.indirect_vreg.scatter [tilespmem:s0], [sflag:$0x2], $0x80, v2, vm0, $0xb8;
	[tilespmem:$0x11000] =	vst v63  }
0x52a: {  	_ = 	snop  }
0x52b: {  	[hbm4b:s5+s3] =	stream.indirect_vreg.scatter [tilespmem:s25], [sflag:$0x2], $0x80, v2, vm0, $0xb8;
	[tilespmem:$0x11000] =	vst v63  }
0x52c: {  	s25 =	simm.s32 $0x2000  }
0x52d: {  	[hbm4b:s6+s3] =	stream.indirect_vreg.scatter [tilespmem:s25], [sflag:$0x2], $0x80, v2, vm0, $0xb8;
	[tilespmem:$0x11000] =	vst v63  }
0x52e: {  	s0 =	simm.s32 $0x2800  }
0x52f: {  	[hbm4b:s7+s3] =	stream.indirect_vreg.scatter [tilespmem:s0], [sflag:$0x2], $0x80, v2, vm0, $0xb8;
	[tilespmem:$0x11000] =	vst v63  }
0x530: {  	s20 =	simm.s32 $0x3000  }
0x531: {  	[hbm4b:s8+s3] =	stream.indirect_vreg.scatter [tilespmem:s20], [sflag:$0x2], $0x80, v2, vm0, $0xb8;
	[tilespmem:$0x11000] =	vst v63  }
0x532: {  	s24 =	smov.u32 s2;
	s2 =	simm.s32 $0x3800  }
0x533: {  	[hbm4b:s9+s3] =	stream.indirect_vreg.scatter [tilespmem:s2], [sflag:$0x2], $0x80, v2, vm0, $0xb8;
	[tilespmem:$0x11000] =	vst v63  }
0x534: {  	_ = 	snop  }
0x535: {  	[hbm4b:s10+s3] =	stream.indirect_vreg.scatter [tilespmem:s26], [sflag:$0x2], $0x80, v2, vm0, $0xb8;
	[tilespmem:$0x11000] =	vst v63  }
0x536: {  	s25 =	simm.s32 $0x4800  }
0x537: {  	[hbm4b:s11+s3] =	stream.indirect_vreg.scatter [tilespmem:s25], [sflag:$0x2], $0x80, v2, vm0, $0xb8;
	[tilespmem:$0x11000] =	vst v63  }
0x538: {  	_ = 	snop  }
0x539: {  	[hbm4b:s12+s3] =	stream.indirect_vreg.scatter [tilespmem:s22], [sflag:$0x2], $0x80, v2, vm0, $0xb8;
	[tilespmem:$0x11000] =	vst v63  }
0x53a: {  	s26 =	simm.s32 $0x5800  }
0x53b: {  	[hbm4b:s13+s3] =	stream.indirect_vreg.scatter [tilespmem:s26], [sflag:$0x2], $0x80, v2, vm0, $0xb8;
	[tilespmem:$0x11000] =	vst v63  }
0x53c: {  	s0 =	simm.s32 $0x6000  }
0x53d: {  	[hbm4b:s14+s3] =	stream.indirect_vreg.scatter [tilespmem:s0], [sflag:$0x2], $0x80, v2, vm0, $0xb8;
	[tilespmem:$0x11000] =	vst v63  }
0x53e: {  	_ = 	snop  }
0x53f: {  	[hbm4b:s15+s3] =	stream.indirect_vreg.scatter [tilespmem:s21], [sflag:$0x2], $0x80, v2, vm0, $0xb8;
	[tilespmem:$0x11000] =	vst v63  }
0x540: {  	s22 =	simm.s32 $0x7000  }
0x541: {  	[hbm4b:s16+s3] =	stream.indirect_vreg.scatter [tilespmem:s22], [sflag:$0x2], $0x80, v2, vm0, $0xb8;
	[tilespmem:$0x11000] =	vst v63  }
0x542: {  	s25 =	simm.s32 $0x7800  }
0x543: {  	[hbm4b:s17+s3] =	stream.indirect_vreg.scatter [tilespmem:s25], [sflag:$0x2], $0x80, v2, vm0, $0xb8;
	[tilespmem:$0x11000] =	vst v63  }
0x544: {  	_ = 	snop  }
0x545: {  	[hbm4b:s18+s3] =	stream.indirect_vreg.scatter [tilespmem:s28], [sflag:$0x2], $0x80, v2, vm0, $0xb8;
	[tilespmem:$0x11000] =	vst v63  }
0x546: {  	s26 =	sld [smem:$0x7FA];
	s0 =	simm.s32 $0x8800  }
0x547: {  	[hbm4b:s19+s3] =	stream.indirect_vreg.scatter [tilespmem:s0], [sflag:$0x2], $0x80, v2, vm0, $0xb8;
	[tilespmem:$0x11000] =	vst v63  }
0x548: {  	s1 =	simm.s32 $0x9000  }
0x549: {  	[tilespmem:s1], [sflag:$0x1] =	stream.linear.gather [hbm4b:s26+s3], $0x8000, $0x38;
	[tilespmem:$0x11000] =	vst v63  }
0x54a: {  	_ =	swait.ge [sflag:s29], $0x8000  }
0x54b: {  	[sflag:s29] =	ssyncset.done $0x0  }
0x54c: {  	[sflag:s29] =	ssyncadd.s32 $0xFFFF8000  }
0x54d: {  	_ =	swait.ge [sflag:s23], $0x8000  }
0x54e: {  	[sflag:s23] =	ssyncset.done $0x0  }
0x54f: {  	[sflag:s23] =	ssyncadd.s32 $0xFFFF8000  }
0x550: {  	v2 =	vld.msk [tilespmem:$0xE80], $0xff;
	_ =	sdelay $0x4  }
0x551: {  	v3 =	vshll.u32 v2, $0x5  }
0x552: {  	v2 =	vand.u32 $0x7, v2;
	v3 =	vand.u32 $0xFFFFFF00, v3  }
0x553: {  	v2 =	vor.u32 v2, v3  }
0x554: {  	v2 =	vperm.xlane v2, v0;
	_ =	sdelay $0x1  }
0x555: {  	v2 =	vadd.s32 v1, v2;
	_ =	sdelay $0x4  }
0x556: {  	[hbm4b:s24+s3] =	stream.indirect_vreg.scatter [tilespmem:s1], [sflag:$0x3], $0x80, v2, vm0, $0xb8;
	[tilespmem:$0x11000] =	vst v63  }
0x557: {  	s22 =	simm.s32 $0x9800  }
0x558: {  	[hbm4b:s5+s3] =	stream.indirect_vreg.scatter [tilespmem:s22], [sflag:$0x3], $0x80, v2, vm0, $0xb8;
	[tilespmem:$0x11000] =	vst v63  }
0x559: {  	s25 =	simm.s32 $0xA000  }
0x55a: {  	[hbm4b:s6+s3] =	stream.indirect_vreg.scatter [tilespmem:s25], [sflag:$0x3], $0x80, v2, vm0, $0xb8;
	[tilespmem:$0x11000] =	vst v63  }
0x55b: {  	s26 =	simm.s32 $0xA800  }
0x55c: {  	[hbm4b:s7+s3] =	stream.indirect_vreg.scatter [tilespmem:s26], [sflag:$0x3], $0x80, v2, vm0, $0xb8;
	[tilespmem:$0x11000] =	vst v63  }
0x55d: {  	_ = 	snop  }
0x55e: {  	[hbm4b:s8+s3] =	stream.indirect_vreg.scatter [tilespmem:s30], [sflag:$0x3], $0x80, v2, vm0, $0xb8;
	[tilespmem:$0x11000] =	vst v63  }
0x55f: {  	_ = 	snop  }
0x560: {  	[hbm4b:s9+s3] =	stream.indirect_vreg.scatter [tilespmem:s31], [sflag:$0x3], $0x80, v2, vm0, $0xb8;
	[tilespmem:$0x11000] =	vst v63  }
0x561: {  	s0 =	simm.s32 $0xC000  }
0x562: {  	[hbm4b:s10+s3] =	stream.indirect_vreg.scatter [tilespmem:s0], [sflag:$0x3], $0x80, v2, vm0, $0xb8;
	[tilespmem:$0x11000] =	vst v63  }
0x563: {  	s1 =	simm.s32 $0xC800  }
0x564: {  	[hbm4b:s11+s3] =	stream.indirect_vreg.scatter [tilespmem:s1], [sflag:$0x3], $0x80, v2, vm0, $0xb8;
	[tilespmem:$0x11000] =	vst v63  }
0x565: {  	s0 =	simm.s32 $0xD000  }
0x566: {  	[hbm4b:s12+s3] =	stream.indirect_vreg.scatter [tilespmem:s0], [sflag:$0x3], $0x80, v2, vm0, $0xb8;
	[tilespmem:$0x11000] =	vst v63  }
0x567: {  	s1 =	simm.s32 $0xD800  }
0x568: {  	[hbm4b:s13+s3] =	stream.indirect_vreg.scatter [tilespmem:s1], [sflag:$0x3], $0x80, v2, vm0, $0xb8;
	[tilespmem:$0x11000] =	vst v63  }
0x569: {  	s0 =	simm.s32 $0xE000  }
0x56a: {  	[hbm4b:s14+s3] =	stream.indirect_vreg.scatter [tilespmem:s0], [sflag:$0x3], $0x80, v2, vm0, $0xb8;
	[tilespmem:$0x11000] =	vst v63  }
0x56b: {  	s1 =	simm.s32 $0xE800  }
0x56c: {  	[hbm4b:s15+s3] =	stream.indirect_vreg.scatter [tilespmem:s1], [sflag:$0x3], $0x80, v2, vm0, $0xb8;
	[tilespmem:$0x11000] =	vst v63  }
0x56d: {  	s0 =	simm.s32 $0xF000  }
0x56e: {  	[hbm4b:s16+s3] =	stream.indirect_vreg.scatter [tilespmem:s0], [sflag:$0x3], $0x80, v2, vm0, $0xb8;
	[tilespmem:$0x11000] =	vst v63  }
0x56f: {  	s1 =	simm.s32 $0xF800  }
0x570: {  	[hbm4b:s17+s3] =	stream.indirect_vreg.scatter [tilespmem:s1], [sflag:$0x3], $0x80, v2, vm0, $0xb8;
	[tilespmem:$0x11000] =	vst v63  }
0x571: {  	s0 =	simm.s32 $0x10000  }
0x572: {  	[hbm4b:s18+s3] =	stream.indirect_vreg.scatter [tilespmem:s0], [sflag:$0x3], $0x80, v2, vm0, $0xb8;
	[tilespmem:$0x11000] =	vst v63  }
0x573: {  	s20 =	sld [smem:$0x7FB];
	s1 =	simm.s32 $0x10800  }
0x574: {  	[hbm4b:s19+s3] =	stream.indirect_vreg.scatter [tilespmem:s1], [sflag:$0x3], $0x80, v2, vm0, $0xb8;
	[tilespmem:$0x11000] =	vst v63  }
0x575: {  	s1 =	simm.s32 $0x1000  }
0x576: {  	[tilespmem:s1], [sflag:$0x1] =	stream.linear.gather [hbm4b:s20+s3], $0x8000, $0x38;
	[tilespmem:$0x11000] =	vst v63  }
0x577: {  	_ =	swait.ge [sflag:s4], $0x8000  }
0x578: {  	[sflag:s4] =	ssyncset.done $0x0  }
0x579: {  	[sflag:s4] =	ssyncadd.s32 $0xFFFF8000  }
0x57a: {  	_ =	swait.ge [sflag:s23], $0x8000  }
0x57b: {  	[sflag:s23] =	ssyncset.done $0x0  }
0x57c: {  	[sflag:s23] =	ssyncadd.s32 $0xFFFF8000  }
0x57d: {  	v2 =	vld.msk [tilespmem:$0xF00], $0xff;
	_ =	sdelay $0x4  }
0x57e: {  	v3 =	vshll.u32 v2, $0x5  }
0x57f: {  	v2 =	vand.u32 $0x7, v2;
	v3 =	vand.u32 $0xFFFFFF00, v3  }
0x580: {  	v2 =	vor.u32 v2, v3  }
0x581: {  	v2 =	vperm.xlane v2, v0;
	_ =	sdelay $0x1  }
0x582: {  	v2 =	vadd.s32 v1, v2;
	_ =	sdelay $0x4  }
0x583: {  	[hbm4b:s24+s3] =	stream.indirect_vreg.scatter [tilespmem:s1], [sflag:$0x2], $0x80, v2, vm0, $0xb8;
	[tilespmem:$0x11000] =	vst v63  }
0x584: {  	s20 =	simm.s32 $0x1800  }
0x585: {  	[hbm4b:s5+s3] =	stream.indirect_vreg.scatter [tilespmem:s20], [sflag:$0x2], $0x80, v2, vm0, $0xb8;
	[tilespmem:$0x11000] =	vst v63  }
0x586: {  	s20 =	simm.s32 $0x2000  }
0x587: {  	[hbm4b:s6+s3] =	stream.indirect_vreg.scatter [tilespmem:s20], [sflag:$0x2], $0x80, v2, vm0, $0xb8;
	[tilespmem:$0x11000] =	vst v63  }
0x588: {  	s20 =	simm.s32 $0x2800  }
0x589: {  	[hbm4b:s7+s3] =	stream.indirect_vreg.scatter [tilespmem:s20], [sflag:$0x2], $0x80, v2, vm0, $0xb8;
	[tilespmem:$0x11000] =	vst v63  }
0x58a: {  	s20 =	simm.s32 $0x3000  }
0x58b: {  	[hbm4b:s8+s3] =	stream.indirect_vreg.scatter [tilespmem:s20], [sflag:$0x2], $0x80, v2, vm0, $0xb8;
	[tilespmem:$0x11000] =	vst v63  }
0x58c: {  	_ = 	snop  }
0x58d: {  	[hbm4b:s9+s3] =	stream.indirect_vreg.scatter [tilespmem:s2], [sflag:$0x2], $0x80, v2, vm0, $0xb8;
	[tilespmem:$0x11000] =	vst v63  }
0x58e: {  	s2 =	simm.s32 $0x4000  }
0x58f: {  	[hbm4b:s10+s3] =	stream.indirect_vreg.scatter [tilespmem:s2], [sflag:$0x2], $0x80, v2, vm0, $0xb8;
	[tilespmem:$0x11000] =	vst v63  }
0x590: {  	s20 =	simm.s32 $0x4800  }
0x591: {  	[hbm4b:s11+s3] =	stream.indirect_vreg.scatter [tilespmem:s20], [sflag:$0x2], $0x80, v2, vm0, $0xb8;
	[tilespmem:$0x11000] =	vst v63  }
0x592: {  	s2 =	simm.s32 $0x5000  }
0x593: {  	[hbm4b:s12+s3] =	stream.indirect_vreg.scatter [tilespmem:s2], [sflag:$0x2], $0x80, v2, vm0, $0xb8;
	[tilespmem:$0x11000] =	vst v63  }
0x594: {  	s20 =	simm.s32 $0x5800  }
0x595: {  	[hbm4b:s13+s3] =	stream.indirect_vreg.scatter [tilespmem:s20], [sflag:$0x2], $0x80, v2, vm0, $0xb8;
	[tilespmem:$0x11000] =	vst v63  }
0x596: {  	s2 =	simm.s32 $0x6000  }
0x597: {  	[hbm4b:s14+s3] =	stream.indirect_vreg.scatter [tilespmem:s2], [sflag:$0x2], $0x80, v2, vm0, $0xb8;
	[tilespmem:$0x11000] =	vst v63  }
0x598: {  	s21 =	simm.s32 $0x6800  }
0x599: {  	[hbm4b:s15+s3] =	stream.indirect_vreg.scatter [tilespmem:s21], [sflag:$0x2], $0x80, v2, vm0, $0xb8;
	[tilespmem:$0x11000] =	vst v63  }
0x59a: {  	s20 =	simm.s32 $0x7000  }
0x59b: {  	[hbm4b:s16+s3] =	stream.indirect_vreg.scatter [tilespmem:s20], [sflag:$0x2], $0x80, v2, vm0, $0xb8;
	[tilespmem:$0x11000] =	vst v63  }
0x59c: {  	s21 =	simm.s32 $0x7800  }
0x59d: {  	[hbm4b:s17+s3] =	stream.indirect_vreg.scatter [tilespmem:s21], [sflag:$0x2], $0x80, v2, vm0, $0xb8;
	[tilespmem:$0x11000] =	vst v63  }
0x59e: {  	s28 =	simm.s32 $0x8000  }
0x59f: {  	[hbm4b:s18+s3] =	stream.indirect_vreg.scatter [tilespmem:s28], [sflag:$0x2], $0x80, v2, vm0, $0xb8;
	[tilespmem:$0x11000] =	vst v63  }
0x5a0: {  	s2 =	sld [smem:$0x7FD];
	s21 =	simm.s32 $0x8800  }
0x5a1: {  	[hbm4b:s19+s3] =	stream.indirect_vreg.scatter [tilespmem:s21], [sflag:$0x2], $0x80, v2, vm0, $0xb8;
	[tilespmem:$0x11000] =	vst v63  }
0x5a2: {  	s28 =	simm.s32 $0x9000  }
0x5a3: {  	[tilespmem:s28], [sflag:$0x1] =	stream.linear.gather [hbm4b:s2+s3], $0x8000, $0x38;
	[tilespmem:$0x11000] =	vst v63  }
0x5a4: {  	s20 =	sld [smem:$0x7F8];
	_ =	swait.ge [sflag:s29], $0x8000  }
0x5a5: {  	[sflag:s29] =	ssyncset.done $0x0  }
0x5a6: {  	[sflag:s29] =	ssyncadd.s32 $0xFFFF8000  }
0x5a7: {  	_ =	swait.ge [sflag:s23], $0x8000  }
0x5a8: {  	[sflag:s23] =	ssyncset.done $0x0  }
0x5a9: {  	[sflag:s23] =	ssyncadd.s32 $0xFFFF8000  }
0x5aa: {  	v2 =	vld.msk [tilespmem:$0xF80], $0xff;
	_ =	sdelay $0x4  }
0x5ab: {  	v3 =	vshll.u32 v2, $0x5  }
0x5ac: {  	v2 =	vand.u32 $0x7, v2;
	v3 =	vand.u32 $0xFFFFFF00, v3  }
0x5ad: {  	v2 =	vor.u32 v2, v3  }
0x5ae: {  	v2 =	vperm.xlane v2, v0;
	_ =	sdelay $0x1  }
0x5af: {  	v2 =	vadd.s32 v1, v2;
	_ =	sdelay $0x4  }
0x5b0: {  	[hbm4b:s24+s3] =	stream.indirect_vreg.scatter [tilespmem:s28], [sflag:$0x3], $0x80, v2, vm0, $0xb8;
	[tilespmem:$0x11000] =	vst v63  }
0x5b1: {  	s22 =	simm.s32 $0x9800  }
0x5b2: {  	[hbm4b:s5+s3] =	stream.indirect_vreg.scatter [tilespmem:s22], [sflag:$0x3], $0x80, v2, vm0, $0xb8;
	[tilespmem:$0x11000] =	vst v63  }
0x5b3: {  	s2 =	simm.s32 $0xA000  }
0x5b4: {  	[hbm4b:s6+s3] =	stream.indirect_vreg.scatter [tilespmem:s2], [sflag:$0x3], $0x80, v2, vm0, $0xb8;
	[tilespmem:$0x11000] =	vst v63  }
0x5b5: {  	s25 =	simm.s32 $0xA800  }
0x5b6: {  	[hbm4b:s7+s3] =	stream.indirect_vreg.scatter [tilespmem:s25], [sflag:$0x3], $0x80, v2, vm0, $0xb8;
	[tilespmem:$0x11000] =	vst v63  }
0x5b7: {  	s26 =	simm.s32 $0xB000  }
0x5b8: {  	[hbm4b:s8+s3] =	stream.indirect_vreg.scatter [tilespmem:s26], [sflag:$0x3], $0x80, v2, vm0, $0xb8;
	[tilespmem:$0x11000] =	vst v63  }
0x5b9: {  	s30 =	simm.s32 $0xB800  }
0x5ba: {  	[hbm4b:s9+s3] =	stream.indirect_vreg.scatter [tilespmem:s30], [sflag:$0x3], $0x80, v2, vm0, $0xb8;
	[tilespmem:$0x11000] =	vst v63  }
0x5bb: {  	s31 =	simm.s32 $0xC000  }
0x5bc: {  	[hbm4b:s10+s3] =	stream.indirect_vreg.scatter [tilespmem:s31], [sflag:$0x3], $0x80, v2, vm0, $0xb8;
	[tilespmem:$0x11000] =	vst v63  }
0x5bd: {  	s21 =	simm.s32 $0xC800  }
0x5be: {  	[hbm4b:s11+s3] =	stream.indirect_vreg.scatter [tilespmem:s21], [sflag:$0x3], $0x80, v2, vm0, $0xb8;
	[tilespmem:$0x11000] =	vst v63  }
0x5bf: {  	s22 =	simm.s32 $0xD000  }
0x5c0: {  	[hbm4b:s12+s3] =	stream.indirect_vreg.scatter [tilespmem:s22], [sflag:$0x3], $0x80, v2, vm0, $0xb8;
	[tilespmem:$0x11000] =	vst v63  }
0x5c1: {  	s24 =	simm.s32 $0xD800  }
0x5c2: {  	[hbm4b:s13+s3] =	stream.indirect_vreg.scatter [tilespmem:s24], [sflag:$0x3], $0x80, v2, vm0, $0xb8;
	[tilespmem:$0x11000] =	vst v63  }
0x5c3: {  	s25 =	simm.s32 $0xE000  }
0x5c4: {  	[hbm4b:s14+s3] =	stream.indirect_vreg.scatter [tilespmem:s25], [sflag:$0x3], $0x80, v2, vm0, $0xb8;
	[tilespmem:$0x11000] =	vst v63  }
0x5c5: {  	s26 =	simm.s32 $0xE800  }
0x5c6: {  	[hbm4b:s15+s3] =	stream.indirect_vreg.scatter [tilespmem:s26], [sflag:$0x3], $0x80, v2, vm0, $0xb8;
	[tilespmem:$0x11000] =	vst v63  }
0x5c7: {  	s28 =	simm.s32 $0xF000  }
0x5c8: {  	[hbm4b:s16+s3] =	stream.indirect_vreg.scatter [tilespmem:s28], [sflag:$0x3], $0x80, v2, vm0, $0xb8;
	[tilespmem:$0x11000] =	vst v63  }
0x5c9: {  	s30 =	simm.s32 $0xF800  }
0x5ca: {  	[hbm4b:s17+s3] =	stream.indirect_vreg.scatter [tilespmem:s30], [sflag:$0x3], $0x80, v2, vm0, $0xb8;
	[tilespmem:$0x11000] =	vst v63  }
0x5cb: {  	p0 =	sne.s32 s20, $0x1;
	s31 =	simm.s32 $0x10000  }
0x5cc: {  	[hbm4b:s18+s3] =	stream.indirect_vreg.scatter [tilespmem:s31], [sflag:$0x3], $0x80, v2, vm0, $0xb8;
	[tilespmem:$0x11000] =	vst v63  }
.Ltmp0:
0x5cd: {  	s0 =	simm.s32 $0x10800;
	(pc) =	sbr.rel @p0 .LBB2_1-.Ltmp0, $4  }
0x5ce: {  	[hbm4b:s19+s3] =	stream.indirect_vreg.scatter [tilespmem:s0], [sflag:$0x3], $0x80, v2, vm0, $0xb8;
	[tilespmem:$0x11000] =	vst v63  }
0x5cf: {  	_ =	swait.ge [sflag:s4], $0x8000  }
0x5d0: {  	[sflag:s4] =	ssyncset.done $0x0  }
0x5d1: {  	s20 =	sadd.s32 $0xFFFFFFFF, s20;
	[sflag:s4] =	ssyncadd.s32 $0xFFFF8000  }
0x5d2: {  	_ =	sfence.sel $0x180000  }
0x5d3: {  	[bflag:$0x0] =	sbarrier.arrive $0xFFFF  }
0x5d4: {  	_ =	strace $0x90000047  }
0x5d5: {  	s0 =	stileid.u32;
	[bflag:$0x2] =	sbarrier.arrive $0xFFFF  }
0x5d6: {  	p0 =	sne.s32 s0, $0x0;
	s0 =	rddreg [dreg:$0x3]  }
0x5d7: {  	s0 =	sadd.s32 @!p0 $0x100000, s0  }
0x5d8: {  	[sflag:s0] =	ssyncadd.tile.s32 @!p0 $0x1;
	_ =	shalt  }
.Lfunc_end2:
_tile_overlayer_lowered:
.L_overlay_start_2:
0x5d9: {  	(tag) =	ssettag $0x2  }
0x5da: {  	s0 =	rddreg [dreg:$0x0];
	s2 =	stileid.u32  }
0x5db: {  	s1 =	rddreg [dreg:$0x1];
	p0 =	sne.s32 s2, $0x0  }
0x5dc: {  	s3 =	rddreg [dreg:$0x2];
	[bflag:$0x3] =	sbarrier.arrive $0xFFFF;
	s2 =	simm.s32 @!p0 $0x1C04  }
0x5dd: {  	[timem:s3], [sflag:s2] =	dma.local @!p0 [hbm:s0], s1  }
0x5de: {  	s0 =	simm.s32 @!p0 $0x4  }
0x5df: {  	_ =	swait.ge @!p0 [sflag:s0], s1  }
0x5e0: {  	s1 =	ssub.s32 @!p0 $0x0, s1;
	[sflag:s0] =	ssyncset.done @!p0 $0x0  }
0x5e1: {  	[sflag:s0] =	ssyncadd.s32 @!p0 s1  }
0x5e2: {  	[bflag:$0x3] =	sbarrier.arrive $0xFFFF  }
0x5e3: {  	_ =	shalt  }

</sc_bundles>
